<compile_context>
chip_gen: v7x
topology: tpu7x:2x2x1
jax: 0.10.2.dev20260603
libtpu: 0.0.44.dev20260713+nightly
codegen_flags: <defaults>
</compile_context>

<pallas_src>
import functools
import math

import jax
import jax.numpy as jnp
from jax import lax
from jax.experimental import pallas as pl
from jax.experimental.pallas import tpu as pltpu
from jax.experimental.pallas import tpu_sc as plsc

D_MODEL = 128
SCALE = math.sqrt(D_MODEL)


@functools.cache
def _make_gather(v, d, b_total):
    info = plsc.get_sparse_core_info()
    nc, ns = info.num_cores, info.num_subcores
    nw = nc * ns
    b_per_w = b_total // nw
    chunk = 128
    n_chunks = b_per_w // chunk
    assert b_per_w % chunk == 0 and b_total % nw == 0

    nslots = 4
    n_outer = n_chunks // nslots
    assert n_chunks % nslots == 0

    mesh = plsc.VectorSubcoreMesh(core_axis_name="c", subcore_axis_name="s")

    @functools.partial(
        pl.kernel,
        mesh=mesh,
        out_type=jax.ShapeDtypeStruct((b_total, d), jnp.float32),
        scratch_types=[
            pltpu.VMEM((n_chunks, chunk), jnp.int32),
            pltpu.VMEM((nslots, chunk, d), jnp.float32),
        ]
        + [pltpu.SemaphoreType.DMA] * (2 * nslots),
    )
    def gather_kernel(table_hbm, idx_hbm, out_hbm, idx_v, rows_v, *sems):
        gsem = sems[:nslots]
        wsem = sems[nslots:]
        wid = lax.axis_index("s") * nc + lax.axis_index("c")
        base = wid * b_per_w

        pltpu.sync_copy(idx_hbm.at[wid], idx_v)

        def fire_gather(j, b):
            pltpu.async_copy(table_hbm.at[idx_v.at[j]], rows_v.at[b], gsem[b])

        def fire_write(j, b):
            pltpu.async_copy(rows_v.at[b],
                             out_hbm.at[pl.ds(base + j * chunk, chunk)],
                             wsem[b])

        def wait_gather(b):
            pltpu.make_async_copy(table_hbm.at[idx_v.at[0]], rows_v.at[b],
                                  gsem[b]).wait()

        def wait_write(b):
            pltpu.make_async_copy(rows_v.at[b],
                                  out_hbm.at[pl.ds(base, chunk)],
                                  wsem[b]).wait()

        rows_per_it = 4

        def scale_slot(b):
            def srow(r, carry):
                for rr in range(rows_per_it):
                    for c in range(d // 16):
                        sl = pl.ds(c * 16, 16)
                        row = r * rows_per_it + rr
                        rows_v[b, row, sl] = rows_v[b, row, sl] * SCALE
                return carry

            lax.fori_loop(0, chunk // rows_per_it, srow, 0)

        for b in range(nslots):
            fire_gather(b, b)

        def body(i, carry):
            for b in range(nslots):
                wait_gather(b)
                scale_slot(b)
                fire_write(i * nslots + b, b)

            @pl.when(i < n_outer - 1)
            def _():
                for b in range(nslots):
                    wait_write(b)
                    fire_gather((i + 1) * nslots + b, b)

            return carry

        lax.fori_loop(0, n_outer, body, 0)
        for b in range(nslots):
            wait_write(b)

    def run(table, flat_idx):
        return gather_kernel(table, flat_idx.reshape(nw, n_chunks, chunk))

    return run


def kernel(x, table):
    batch, seq = x.shape
    v, d = table.shape
    b_total = batch * seq
    flat_idx = x.reshape(b_total)
    out = _make_gather(v, d, b_total)(table, flat_idx)
    return out.reshape(batch, seq, d)

# --- scband reference (transcript-rebuilt; emitter-appended) ---
"""Pipeline reference for scband-input-embeddings-39805756900082 (READ-ONLY COPY).

The authoritative reference and input builder live on the scoring server;
editing this copy changes nothing except your own understanding.
"""

import math
import jax, jax.numpy as jnp
import numpy as np

D_MODEL = 128
VOCAB_SIZE = 100000
BATCH = 4096
SEQ = 200

def setup_inputs(seed: int = 0) -> dict:
    key = jax.random.key(seed)
    k_idx, k_tab = jax.random.split(key)
    x = jax.random.randint(k_idx, (BATCH, SEQ), 0, VOCAB_SIZE, dtype=jnp.int64 if jax.config.jax_enable_x64 else jnp.int32)
    table = jax.random.normal(k_tab, (VOCAB_SIZE, D_MODEL), dtype=jnp.float32)
    return {"x": x, "table": table}

def reference(x, table):
    embedded_x = jnp.take(table, x, axis=0)
    return embedded_x * math.sqrt(D_MODEL)

if __name__ == "__main__":
    import jax
    _d = setup_inputs()
    print(jax.jit(kernel)(*tuple(_d.values())))

</pallas_src>

<mosaic_0001>
#map = affine_map<(d0, d1) -> (0, 0)>
#map1 = affine_map<(d0, d1) -> (0, 0, 0)>
module attributes {stable_mosaic.version = 14 : i64} {
  func.func @gather_kernel(%arg0: i32, %arg1: i32, %arg2: memref<100000x128xf32, #tpu.memory_space<hbm>>, %arg3: memref<32x200x128xi32, #tpu.memory_space<hbm>>, %arg4: memref<819200x128xf32, #tpu.memory_space<hbm>>, %arg5: memref<200x128xi32, #tpu.memory_space<vmem>>, %arg6: memref<4x128x128xf32, #tpu.memory_space<vmem>>, %arg7: memref<!tpu.dma_semaphore, #tpu.memory_space<semaphore_mem>>, %arg8: memref<!tpu.dma_semaphore, #tpu.memory_space<semaphore_mem>>, %arg9: memref<!tpu.dma_semaphore, #tpu.memory_space<semaphore_mem>>, %arg10: memref<!tpu.dma_semaphore, #tpu.memory_space<semaphore_mem>>, %arg11: memref<!tpu.dma_semaphore, #tpu.memory_space<semaphore_mem>>, %arg12: memref<!tpu.dma_semaphore, #tpu.memory_space<semaphore_mem>>, %arg13: memref<!tpu.dma_semaphore, #tpu.memory_space<semaphore_mem>>, %arg14: memref<!tpu.dma_semaphore, #tpu.memory_space<semaphore_mem>>) attributes {dimension_semantics = [#tpu.dimension_semantics<core_parallel>, #tpu.dimension_semantics<subcore_parallel>], iteration_bounds = array<i64: 2, 16>, scalar_prefetch = 0 : i64, scratch_operands = 10 : i64, tpu.core_type = #tpu.core_type<sc_vector_subcore>, window_params = [{transform_indices = #map}, {transform_indices = #map1}, {transform_indices = #map}]} {
    %mul3A = arith.constant 2 : i32
    %mul3A_0 = arith.muli %arg1, %mul3A : i32
    %add3A = arith.addi %mul3A_0, %arg0 : i32
    %mul3A_1 = arith.constant 25600 : i32
    %mul3A_2 = arith.muli %add3A, %mul3A_1 : i32
    "tpu.region"() ({
      %run_scoped3A = tpu.sem_alloc : memref<!tpu.dma_semaphore, #tpu.memory_space<semaphore_mem>>
      %dma_start3A_106 = arith.constant 0 : i32
      %dma_start3A_107 = arith.constant 0 : i32
      %dma_start3A_108 = tpu.memref_slice %arg3[%add3A, %dma_start3A_106, %dma_start3A_107] : memref<32x200x128xi32, #tpu.memory_space<hbm>> -> memref<1x200x128xi32, #tpu.memory_space<hbm>>
      %dma_start3A_109 = tpu.memref_squeeze %dma_start3A_108 : memref<1x200x128xi32, #tpu.memory_space<hbm>> -> memref<200x128xi32, #tpu.memory_space<hbm>>
      %dma_start3A_110 = arith.constant 0 : i32
      %dma_start3A_111 = arith.constant 0 : i32
      %dma_start3A_112 = tpu.memref_slice %arg3[%add3A, %dma_start3A_110, %dma_start3A_111] : memref<32x200x128xi32, #tpu.memory_space<hbm>> -> memref<1x200x128xi32, #tpu.memory_space<hbm>>
      %dma_start3A_113 = tpu.memref_squeeze %dma_start3A_112 : memref<1x200x128xi32, #tpu.memory_space<hbm>> -> memref<200x128xi32, #tpu.memory_space<hbm>>
      tpu.enqueue_dma source(%dma_start3A_113 : memref<200x128xi32, #tpu.memory_space<hbm>>) target(%arg5 : memref<200x128xi32, #tpu.memory_space<vmem>>) target_semaphore(%run_scoped3A : memref<!tpu.dma_semaphore, #tpu.memory_space<semaphore_mem>>)
      %dma_wait3A_114 = arith.constant 0 : i32
      %dma_wait3A_115 = arith.constant 0 : i32
      %dma_wait3A_116 = tpu.memref_slice %arg3[%add3A, %dma_wait3A_114, %dma_wait3A_115] : memref<32x200x128xi32, #tpu.memory_space<hbm>> -> memref<1x200x128xi32, #tpu.memory_space<hbm>>
      %dma_wait3A_117 = tpu.memref_squeeze %dma_wait3A_116 : memref<1x200x128xi32, #tpu.memory_space<hbm>> -> memref<200x128xi32, #tpu.memory_space<hbm>>
      %dma_wait3A_118 = arith.constant 0 : i32
      %dma_wait3A_119 = arith.constant 0 : i32
      %dma_wait3A_120 = tpu.memref_slice %arg3[%add3A, %dma_wait3A_118, %dma_wait3A_119] : memref<32x200x128xi32, #tpu.memory_space<hbm>> -> memref<1x200x128xi32, #tpu.memory_space<hbm>>
      %dma_wait3A_121 = tpu.memref_squeeze %dma_wait3A_120 : memref<1x200x128xi32, #tpu.memory_space<hbm>> -> memref<200x128xi32, #tpu.memory_space<hbm>>
      tpu.wait_dma2 semaphore(%run_scoped3A : memref<!tpu.dma_semaphore, #tpu.memory_space<semaphore_mem>>) src(%dma_wait3A_121 : memref<200x128xi32, #tpu.memory_space<hbm>>) dst(%arg5 : memref<200x128xi32, #tpu.memory_space<vmem>>)
      tpu.yield
    }) : () -> ()
    %dma_start3A = arith.constant 0 : i32
    %dma_start3A_3 = arith.constant 0 : i32
    %dma_start3A_4 = arith.constant 0 : i32
    %dma_start3A_5 = arith.constant 0 : i32
    %dma_start3A_6 = tpu.memref_slice %arg6[%dma_start3A_3, %dma_start3A_4, %dma_start3A_5] : memref<4x128x128xf32, #tpu.memory_space<vmem>> -> memref<1x128x128xf32, #tpu.memory_space<vmem>>
    %dma_start3A_7 = tpu.memref_squeeze %dma_start3A_6 : memref<1x128x128xf32, #tpu.memory_space<vmem>> -> memref<128x128xf32, #tpu.memory_space<vmem>>
    %dma_start3A_8 = arith.constant 0 : i32
    %dma_start3A_9 = tpu.memref_slice %arg5[%dma_start3A, %dma_start3A_8] : memref<200x128xi32, #tpu.memory_space<vmem>> -> memref<1x128xi32, #tpu.memory_space<vmem>>
    %dma_start3A_10 = tpu.memref_squeeze %dma_start3A_9 : memref<1x128xi32, #tpu.memory_space<vmem>> -> memref<128xi32, #tpu.memory_space<vmem>>
    %dma_start3A_11 = arith.constant 0 : i32
    %dma_start3A_12 = arith.constant 0 : i32
    %dma_start3A_13 = tpu.memref_slice %arg2[%dma_start3A_11, %dma_start3A_12] : memref<100000x128xf32, #tpu.memory_space<hbm>> -> memref<100000x128xf32, #tpu.memory_space<hbm>>
    tpu.enqueue_indirect_dma source(%dma_start3A_13 : memref<100000x128xf32, #tpu.memory_space<hbm>>) target(%dma_start3A_7 : memref<128x128xf32, #tpu.memory_space<vmem>>) offsets(%dma_start3A_10 : memref<128xi32, #tpu.memory_space<vmem>>) semaphore(%arg7 : memref<!tpu.dma_semaphore, #tpu.memory_space<semaphore_mem>>)
    %dma_start3A_14 = arith.constant 1 : i32
    %dma_start3A_15 = arith.constant 1 : i32
    %dma_start3A_16 = arith.constant 0 : i32
    %dma_start3A_17 = arith.constant 0 : i32
    %dma_start3A_18 = tpu.memref_slice %arg6[%dma_start3A_15, %dma_start3A_16, %dma_start3A_17] : memref<4x128x128xf32, #tpu.memory_space<vmem>> -> memref<1x128x128xf32, #tpu.memory_space<vmem>>
    %dma_start3A_19 = tpu.memref_squeeze %dma_start3A_18 : memref<1x128x128xf32, #tpu.memory_space<vmem>> -> memref<128x128xf32, #tpu.memory_space<vmem>>
    %dma_start3A_20 = arith.constant 0 : i32
    %dma_start3A_21 = tpu.memref_slice %arg5[%dma_start3A_14, %dma_start3A_20] : memref<200x128xi32, #tpu.memory_space<vmem>> -> memref<1x128xi32, #tpu.memory_space<vmem>>
    %dma_start3A_22 = tpu.memref_squeeze %dma_start3A_21 : memref<1x128xi32, #tpu.memory_space<vmem>> -> memref<128xi32, #tpu.memory_space<vmem>>
    %dma_start3A_23 = arith.constant 0 : i32
    %dma_start3A_24 = arith.constant 0 : i32
    %dma_start3A_25 = tpu.memref_slice %arg2[%dma_start3A_23, %dma_start3A_24] : memref<100000x128xf32, #tpu.memory_space<hbm>> -> memref<100000x128xf32, #tpu.memory_space<hbm>>
    tpu.enqueue_indirect_dma source(%dma_start3A_25 : memref<100000x128xf32, #tpu.memory_space<hbm>>) target(%dma_start3A_19 : memref<128x128xf32, #tpu.memory_space<vmem>>) offsets(%dma_start3A_22 : memref<128xi32, #tpu.memory_space<vmem>>) semaphore(%arg8 : memref<!tpu.dma_semaphore, #tpu.memory_space<semaphore_mem>>)
    %dma_start3A_26 = arith.constant 2 : i32
    %dma_start3A_27 = arith.constant 2 : i32
    %dma_start3A_28 = arith.constant 0 : i32
    %dma_start3A_29 = arith.constant 0 : i32
    %dma_start3A_30 = tpu.memref_slice %arg6[%dma_start3A_27, %dma_start3A_28, %dma_start3A_29] : memref<4x128x128xf32, #tpu.memory_space<vmem>> -> memref<1x128x128xf32, #tpu.memory_space<vmem>>
    %dma_start3A_31 = tpu.memref_squeeze %dma_start3A_30 : memref<1x128x128xf32, #tpu.memory_space<vmem>> -> memref<128x128xf32, #tpu.memory_space<vmem>>
    %dma_start3A_32 = arith.constant 0 : i32
    %dma_start3A_33 = tpu.memref_slice %arg5[%dma_start3A_26, %dma_start3A_32] : memref<200x128xi32, #tpu.memory_space<vmem>> -> memref<1x128xi32, #tpu.memory_space<vmem>>
    %dma_start3A_34 = tpu.memref_squeeze %dma_start3A_33 : memref<1x128xi32, #tpu.memory_space<vmem>> -> memref<128xi32, #tpu.memory_space<vmem>>
    %dma_start3A_35 = arith.constant 0 : i32
    %dma_start3A_36 = arith.constant 0 : i32
    %dma_start3A_37 = tpu.memref_slice %arg2[%dma_start3A_35, %dma_start3A_36] : memref<100000x128xf32, #tpu.memory_space<hbm>> -> memref<100000x128xf32, #tpu.memory_space<hbm>>
    tpu.enqueue_indirect_dma source(%dma_start3A_37 : memref<100000x128xf32, #tpu.memory_space<hbm>>) target(%dma_start3A_31 : memref<128x128xf32, #tpu.memory_space<vmem>>) offsets(%dma_start3A_34 : memref<128xi32, #tpu.memory_space<vmem>>) semaphore(%arg9 : memref<!tpu.dma_semaphore, #tpu.memory_space<semaphore_mem>>)
    %dma_start3A_38 = arith.constant 3 : i32
    %dma_start3A_39 = arith.constant 3 : i32
    %dma_start3A_40 = arith.constant 0 : i32
    %dma_start3A_41 = arith.constant 0 : i32
    %dma_start3A_42 = tpu.memref_slice %arg6[%dma_start3A_39, %dma_start3A_40, %dma_start3A_41] : memref<4x128x128xf32, #tpu.memory_space<vmem>> -> memref<1x128x128xf32, #tpu.memory_space<vmem>>
    %dma_start3A_43 = tpu.memref_squeeze %dma_start3A_42 : memref<1x128x128xf32, #tpu.memory_space<vmem>> -> memref<128x128xf32, #tpu.memory_space<vmem>>
    %dma_start3A_44 = arith.constant 0 : i32
    %dma_start3A_45 = tpu.memref_slice %arg5[%dma_start3A_38, %dma_start3A_44] : memref<200x128xi32, #tpu.memory_space<vmem>> -> memref<1x128xi32, #tpu.memory_space<vmem>>
    %dma_start3A_46 = tpu.memref_squeeze %dma_start3A_45 : memref<1x128xi32, #tpu.memory_space<vmem>> -> memref<128xi32, #tpu.memory_space<vmem>>
    %dma_start3A_47 = arith.constant 0 : i32
    %dma_start3A_48 = arith.constant 0 : i32
    %dma_start3A_49 = tpu.memref_slice %arg2[%dma_start3A_47, %dma_start3A_48] : memref<100000x128xf32, #tpu.memory_space<hbm>> -> memref<100000x128xf32, #tpu.memory_space<hbm>>
    tpu.enqueue_indirect_dma source(%dma_start3A_49 : memref<100000x128xf32, #tpu.memory_space<hbm>>) target(%dma_start3A_43 : memref<128x128xf32, #tpu.memory_space<vmem>>) offsets(%dma_start3A_46 : memref<128xi32, #tpu.memory_space<vmem>>) semaphore(%arg10 : memref<!tpu.dma_semaphore, #tpu.memory_space<semaphore_mem>>)
    %scan3A = arith.constant 0 : i32
    %scan3A_50 = arith.constant 0 : i32
    %scan3A_51 = arith.constant 50 : i32
    %scan3A_52 = arith.addi %scan3A_50, %scan3A_51 : i32
    %scan3A_53 = arith.constant 1 : i32
    scf.for %scan3A_106 = %scan3A_50 to %scan3A_52 step %scan3A_53  : i32 {
      %dma_wait3A_107 = arith.constant 0 : i32
      %dma_wait3A_108 = arith.constant 0 : i32
      %dma_wait3A_109 = arith.constant 0 : i32
      %dma_wait3A_110 = arith.constant 0 : i32
      %dma_wait3A_111 = tpu.memref_slice %arg6[%dma_wait3A_108, %dma_wait3A_109, %dma_wait3A_110] : memref<4x128x128xf32, #tpu.memory_space<vmem>> -> memref<1x128x128xf32, #tpu.memory_space<vmem>>
      %dma_wait3A_112 = tpu.memref_squeeze %dma_wait3A_111 : memref<1x128x128xf32, #tpu.memory_space<vmem>> -> memref<128x128xf32, #tpu.memory_space<vmem>>
      %dma_wait3A_113 = arith.constant 0 : i32
      %dma_wait3A_114 = tpu.memref_slice %arg5[%dma_wait3A_107, %dma_wait3A_113] : memref<200x128xi32, #tpu.memory_space<vmem>> -> memref<1x128xi32, #tpu.memory_space<vmem>>
      %dma_wait3A_115 = tpu.memref_squeeze %dma_wait3A_114 : memref<1x128xi32, #tpu.memory_space<vmem>> -> memref<128xi32, #tpu.memory_space<vmem>>
      %dma_wait3A_116 = arith.constant 0 : i32
      %dma_wait3A_117 = arith.constant 0 : i32
      %dma_wait3A_118 = tpu.memref_slice %arg2[%dma_wait3A_116, %dma_wait3A_117] : memref<100000x128xf32, #tpu.memory_space<hbm>> -> memref<100000x128xf32, #tpu.memory_space<hbm>>
      tpu.wait_indirect_dma semaphore(%arg7 : memref<!tpu.dma_semaphore, #tpu.memory_space<semaphore_mem>>) src(%dma_wait3A_118 : memref<100000x128xf32, #tpu.memory_space<hbm>>) dst(%dma_wait3A_112 : memref<128x128xf32, #tpu.memory_space<vmem>>)
      %scan3A_119 = arith.constant 0 : i32
      %scan3A_120 = arith.constant 0 : i32
      %scan3A_121 = arith.constant 32 : i32
      %scan3A_122 = arith.addi %scan3A_120, %scan3A_121 : i32
      %scan3A_123 = arith.constant 1 : i32
      scf.for %scan3A_261 = %scan3A_120 to %scan3A_122 step %scan3A_123  : i32 {
        %mul3A_262 = arith.constant 4 : i32
        %mul3A_263 = arith.muli %scan3A_261, %mul3A_262 : i32
        %add3A_264 = arith.constant 0 : i32
        %add3A_265 = arith.addi %mul3A_263, %add3A_264 : i32
        %get3A = arith.constant 0 : i32
        %get3A_266 = arith.index_cast %get3A : i32 to index
        %get3A_267 = arith.index_cast %add3A_265 : i32 to index
        %get3A_268 = arith.constant 0 : index
        %get3A_269 = tpu.vector_load %arg6[%get3A_266, %get3A_267, %get3A_268] {strides = array<i32>} : memref<4x128x128xf32, #tpu.memory_space<vmem>>, vector<1x1x16xf32>,
        %get3A_270 = vector.shape_cast %get3A_269 : vector<1x1x16xf32> to vector<16xf32>
        %mul3A_271 = arith.constant 11.3137083 : f32
        %mul3A_272 = vector.broadcast %mul3A_271 : f32 to vector<16xf32>
        %mul3A_273 = arith.mulf %get3A_270, %mul3A_272 : vector<16xf32>
        %swap3A = arith.constant 0 : i32
        %swap3A_274 = arith.index_cast %swap3A : i32 to index
        %swap3A_275 = arith.index_cast %add3A_265 : i32 to index
        %swap3A_276 = arith.constant 0 : index
        %swap3A_277 = tpu.vector_load %arg6[%swap3A_274, %swap3A_275, %swap3A_276] {strides = array<i32>} : memref<4x128x128xf32, #tpu.memory_space<vmem>>, vector<1x1x16xf32>,
        %swap3A_278 = vector.shape_cast %swap3A_277 : vector<1x1x16xf32> to vector<16xf32>
        %swap3A_279 = vector.shape_cast %mul3A_273 : vector<16xf32> to vector<1x1x16xf32>
        tpu.vector_store %arg6[%swap3A_274, %swap3A_275, %swap3A_276], %swap3A_279 {strides = array<i32>} : memref<4x128x128xf32, #tpu.memory_space<vmem>>, vector<1x1x16xf32>,
        %mul3A_280 = arith.constant 4 : i32
        %mul3A_281 = arith.muli %scan3A_261, %mul3A_280 : i32
        %add3A_282 = arith.constant 0 : i32
        %add3A_283 = arith.addi %mul3A_281, %add3A_282 : i32
        %get3A_284 = arith.constant 0 : i32
        %get3A_285 = arith.index_cast %get3A_284 : i32 to index
        %get3A_286 = arith.index_cast %add3A_283 : i32 to index
        %get3A_287 = arith.constant 16 : index
        %get3A_288 = tpu.vector_load %arg6[%get3A_285, %get3A_286, %get3A_287] {strides = array<i32>} : memref<4x128x128xf32, #tpu.memory_space<vmem>>, vector<1x1x16xf32>,
        %get3A_289 = vector.shape_cast %get3A_288 : vector<1x1x16xf32> to vector<16xf32>
        %mul3A_290 = arith.constant 11.3137083 : f32
        %mul3A_291 = vector.broadcast %mul3A_290 : f32 to vector<16xf32>
        %mul3A_292 = arith.mulf %get3A_289, %mul3A_291 : vector<16xf32>
        %swap3A_293 = arith.constant 0 : i32
        %swap3A_294 = arith.index_cast %swap3A_293 : i32 to index
        %swap3A_295 = arith.index_cast %add3A_283 : i32 to index
        %swap3A_296 = arith.constant 16 : index
        %swap3A_297 = tpu.vector_load %arg6[%swap3A_294, %swap3A_295, %swap3A_296] {strides = array<i32>} : memref<4x128x128xf32, #tpu.memory_space<vmem>>, vector<1x1x16xf32>,
        %swap3A_298 = vector.shape_cast %swap3A_297 : vector<1x1x16xf32> to vector<16xf32>
        %swap3A_299 = vector.shape_cast %mul3A_292 : vector<16xf32> to vector<1x1x16xf32>
        tpu.vector_store %arg6[%swap3A_294, %swap3A_295, %swap3A_296], %swap3A_299 {strides = array<i32>} : memref<4x128x128xf32, #tpu.memory_space<vmem>>, vector<1x1x16xf32>,
        %mul3A_300 = arith.constant 4 : i32
        %mul3A_301 = arith.muli %scan3A_261, %mul3A_300 : i32
        %add3A_302 = arith.constant 0 : i32
        %add3A_303 = arith.addi %mul3A_301, %add3A_302 : i32
        %get3A_304 = arith.constant 0 : i32
        %get3A_305 = arith.index_cast %get3A_304 : i32 to index
        %get3A_306 = arith.index_cast %add3A_303 : i32 to index
        %get3A_307 = arith.constant 32 : index
        %get3A_308 = tpu.vector_load %arg6[%get3A_305, %get3A_306, %get3A_307] {strides = array<i32>} : memref<4x128x128xf32, #tpu.memory_space<vmem>>, vector<1x1x16xf32>,
        %get3A_309 = vector.shape_cast %get3A_308 : vector<1x1x16xf32> to vector<16xf32>
        %mul3A_310 = arith.constant 11.3137083 : f32
        %mul3A_311 = vector.broadcast %mul3A_310 : f32 to vector<16xf32>
        %mul3A_312 = arith.mulf %get3A_309, %mul3A_311 : vector<16xf32>
        %swap3A_313 = arith.constant 0 : i32
        %swap3A_314 = arith.index_cast %swap3A_313 : i32 to index
        %swap3A_315 = arith.index_cast %add3A_303 : i32 to index
        %swap3A_316 = arith.constant 32 : index
        %swap3A_317 = tpu.vector_load %arg6[%swap3A_314, %swap3A_315, %swap3A_316] {strides = array<i32>} : memref<4x128x128xf32, #tpu.memory_space<vmem>>, vector<1x1x16xf32>,
        %swap3A_318 = vector.shape_cast %swap3A_317 : vector<1x1x16xf32> to vector<16xf32>
        %swap3A_319 = vector.shape_cast %mul3A_312 : vector<16xf32> to vector<1x1x16xf32>
        tpu.vector_store %arg6[%swap3A_314, %swap3A_315, %swap3A_316], %swap3A_319 {strides = array<i32>} : memref<4x128x128xf32, #tpu.memory_space<vmem>>, vector<1x1x16xf32>,
        %mul3A_320 = arith.constant 4 : i32
        %mul3A_321 = arith.muli %scan3A_261, %mul3A_320 : i32
        %add3A_322 = arith.constant 0 : i32
        %add3A_323 = arith.addi %mul3A_321, %add3A_322 : i32
        %get3A_324 = arith.constant 0 : i32
        %get3A_325 = arith.index_cast %get3A_324 : i32 to index
        %get3A_326 = arith.index_cast %add3A_323 : i32 to index
        %get3A_327 = arith.constant 48 : index
        %get3A_328 = tpu.vector_load %arg6[%get3A_325, %get3A_326, %get3A_327] {strides = array<i32>} : memref<4x128x128xf32, #tpu.memory_space<vmem>>, vector<1x1x16xf32>,
        %get3A_329 = vector.shape_cast %get3A_328 : vector<1x1x16xf32> to vector<16xf32>
        %mul3A_330 = arith.constant 11.3137083 : f32
        %mul3A_331 = vector.broadcast %mul3A_330 : f32 to vector<16xf32>
        %mul3A_332 = arith.mulf %get3A_329, %mul3A_331 : vector<16xf32>
        %swap3A_333 = arith.constant 0 : i32
        %swap3A_334 = arith.index_cast %swap3A_333 : i32 to index
        %swap3A_335 = arith.index_cast %add3A_323 : i32 to index
        %swap3A_336 = arith.constant 48 : index
        %swap3A_337 = tpu.vector_load %arg6[%swap3A_334, %swap3A_335, %swap3A_336] {strides = array<i32>} : memref<4x128x128xf32, #tpu.memory_space<vmem>>, vector<1x1x16xf32>,
        %swap3A_338 = vector.shape_cast %swap3A_337 : vector<1x1x16xf32> to vector<16xf32>
        %swap3A_339 = vector.shape_cast %mul3A_332 : vector<16xf32> to vector<1x1x16xf32>
        tpu.vector_store %arg6[%swap3A_334, %swap3A_335, %swap3A_336], %swap3A_339 {strides = array<i32>} : memref<4x128x128xf32, #tpu.memory_space<vmem>>, vector<1x1x16xf32>,
        %mul3A_340 = arith.constant 4 : i32
        %mul3A_341 = arith.muli %scan3A_261, %mul3A_340 : i32
        %add3A_342 = arith.constant 0 : i32
        %add3A_343 = arith.addi %mul3A_341, %add3A_342 : i32
        %get3A_344 = arith.constant 0 : i32
        %get3A_345 = arith.index_cast %get3A_344 : i32 to index
        %get3A_346 = arith.index_cast %add3A_343 : i32 to index
        %get3A_347 = arith.constant 64 : index
        %get3A_348 = tpu.vector_load %arg6[%get3A_345, %get3A_346, %get3A_347] {strides = array<i32>} : memref<4x128x128xf32, #tpu.memory_space<vmem>>, vector<1x1x16xf32>,
        %get3A_349 = vector.shape_cast %get3A_348 : vector<1x1x16xf32> to vector<16xf32>
        %mul3A_350 = arith.constant 11.3137083 : f32
        %mul3A_351 = vector.broadcast %mul3A_350 : f32 to vector<16xf32>
        %mul3A_352 = arith.mulf %get3A_349, %mul3A_351 : vector<16xf32>
        %swap3A_353 = arith.constant 0 : i32
        %swap3A_354 = arith.index_cast %swap3A_353 : i32 to index
        %swap3A_355 = arith.index_cast %add3A_343 : i32 to index
        %swap3A_356 = arith.constant 64 : index
        %swap3A_357 = tpu.vector_load %arg6[%swap3A_354, %swap3A_355, %swap3A_356] {strides = array<i32>} : memref<4x128x128xf32, #tpu.memory_space<vmem>>, vector<1x1x16xf32>,
        %swap3A_358 = vector.shape_cast %swap3A_357 : vector<1x1x16xf32> to vector<16xf32>
        %swap3A_359 = vector.shape_cast %mul3A_352 : vector<16xf32> to vector<1x1x16xf32>
        tpu.vector_store %arg6[%swap3A_354, %swap3A_355, %swap3A_356], %swap3A_359 {strides = array<i32>} : memref<4x128x128xf32, #tpu.memory_space<vmem>>, vector<1x1x16xf32>,
        %mul3A_360 = arith.constant 4 : i32
        %mul3A_361 = arith.muli %scan3A_261, %mul3A_360 : i32
        %add3A_362 = arith.constant 0 : i32
        %add3A_363 = arith.addi %mul3A_361, %add3A_362 : i32
        %get3A_364 = arith.constant 0 : i32
        %get3A_365 = arith.index_cast %get3A_364 : i32 to index
        %get3A_366 = arith.index_cast %add3A_363 : i32 to index
        %get3A_367 = arith.constant 80 : index
        %get3A_368 = tpu.vector_load %arg6[%get3A_365, %get3A_366, %get3A_367] {strides = array<i32>} : memref<4x128x128xf32, #tpu.memory_space<vmem>>, vector<1x1x16xf32>,
        %get3A_369 = vector.shape_cast %get3A_368 : vector<1x1x16xf32> to vector<16xf32>
        %mul3A_370 = arith.constant 11.3137083 : f32
        %mul3A_371 = vector.broadcast %mul3A_370 : f32 to vector<16xf32>
        %mul3A_372 = arith.mulf %get3A_369, %mul3A_371 : vector<16xf32>
        %swap3A_373 = arith.constant 0 : i32
        %swap3A_374 = arith.index_cast %swap3A_373 : i32 to index
        %swap3A_375 = arith.index_cast %add3A_363 : i32 to index
        %swap3A_376 = arith.constant 80 : index
        %swap3A_377 = tpu.vector_load %arg6[%swap3A_374, %swap3A_375, %swap3A_376] {strides = array<i32>} : memref<4x128x128xf32, #tpu.memory_space<vmem>>, vector<1x1x16xf32>,
        %swap3A_378 = vector.shape_cast %swap3A_377 : vector<1x1x16xf32> to vector<16xf32>
        %swap3A_379 = vector.shape_cast %mul3A_372 : vector<16xf32> to vector<1x1x16xf32>
        tpu.vector_store %arg6[%swap3A_374, %swap3A_375, %swap3A_376], %swap3A_379 {strides = array<i32>} : memref<4x128x128xf32, #tpu.memory_space<vmem>>, vector<1x1x16xf32>,
        %mul3A_380 = arith.constant 4 : i32
        %mul3A_381 = arith.muli %scan3A_261, %mul3A_380 : i32
        %add3A_382 = arith.constant 0 : i32
        %add3A_383 = arith.addi %mul3A_381, %add3A_382 : i32
        %get3A_384 = arith.constant 0 : i32
        %get3A_385 = arith.index_cast %get3A_384 : i32 to index
        %get3A_386 = arith.index_cast %add3A_383 : i32 to index
        %get3A_387 = arith.constant 96 : index
        %get3A_388 = tpu.vector_load %arg6[%get3A_385, %get3A_386, %get3A_387] {strides = array<i32>} : memref<4x128x128xf32, #tpu.memory_space<vmem>>, vector<1x1x16xf32>,
        %get3A_389 = vector.shape_cast %get3A_388 : vector<1x1x16xf32> to vector<16xf32>
        %mul3A_390 = arith.constant 11.3137083 : f32
        %mul3A_391 = vector.broadcast %mul3A_390 : f32 to vector<16xf32>
        %mul3A_392 = arith.mulf %get3A_389, %mul3A_391 : vector<16xf32>
        %swap3A_393 = arith.constant 0 : i32
        %swap3A_394 = arith.index_cast %swap3A_393 : i32 to index
        %swap3A_395 = arith.index_cast %add3A_383 : i32 to index
        %swap3A_396 = arith.constant 96 : index
        %swap3A_397 = tpu.vector_load %arg6[%swap3A_394, %swap3A_395, %swap3A_396] {strides = array<i32>} : memref<4x128x128xf32, #tpu.memory_space<vmem>>, vector<1x1x16xf32>,
        %swap3A_398 = vector.shape_cast %swap3A_397 : vector<1x1x16xf32> to vector<16xf32>
        %swap3A_399 = vector.shape_cast %mul3A_392 : vector<16xf32> to vector<1x1x16xf32>
        tpu.vector_store %arg6[%swap3A_394, %swap3A_395, %swap3A_396], %swap3A_399 {strides = array<i32>} : memref<4x128x128xf32, #tpu.memory_space<vmem>>, vector<1x1x16xf32>,
        %mul3A_400 = arith.constant 4 : i32
        %mul3A_401 = arith.muli %scan3A_261, %mul3A_400 : i32
        %add3A_402 = arith.constant 0 : i32
        %add3A_403 = arith.addi %mul3A_401, %add3A_402 : i32
        %get3A_404 = arith.constant 0 : i32
        %get3A_405 = arith.index_cast %get3A_404 : i32 to index
        %get3A_406 = arith.index_cast %add3A_403 : i32 to index
        %get3A_407 = arith.constant 112 : index
        %get3A_408 = tpu.vector_load %arg6[%get3A_405, %get3A_406, %get3A_407] {strides = array<i32>} : memref<4x128x128xf32, #tpu.memory_space<vmem>>, vector<1x1x16xf32>,
        %get3A_409 = vector.shape_cast %get3A_408 : vector<1x1x16xf32> to vector<16xf32>
        %mul3A_410 = arith.constant 11.3137083 : f32
        %mul3A_411 = vector.broadcast %mul3A_410 : f32 to vector<16xf32>
        %mul3A_412 = arith.mulf %get3A_409, %mul3A_411 : vector<16xf32>
        %swap3A_413 = arith.constant 0 : i32
        %swap3A_414 = arith.index_cast %swap3A_413 : i32 to index
        %swap3A_415 = arith.index_cast %add3A_403 : i32 to index
        %swap3A_416 = arith.constant 112 : index
        %swap3A_417 = tpu.vector_load %arg6[%swap3A_414, %swap3A_415, %swap3A_416] {strides = array<i32>} : memref<4x128x128xf32, #tpu.memory_space<vmem>>, vector<1x1x16xf32>,
        %swap3A_418 = vector.shape_cast %swap3A_417 : vector<1x1x16xf32> to vector<16xf32>
        %swap3A_419 = vector.shape_cast %mul3A_412 : vector<16xf32> to vector<1x1x16xf32>
        tpu.vector_store %arg6[%swap3A_414, %swap3A_415, %swap3A_416], %swap3A_419 {strides = array<i32>} : memref<4x128x128xf32, #tpu.memory_space<vmem>>, vector<1x1x16xf32>,
        %mul3A_420 = arith.constant 4 : i32
        %mul3A_421 = arith.muli %scan3A_261, %mul3A_420 : i32
        %add3A_422 = arith.constant 1 : i32
        %add3A_423 = arith.addi %mul3A_421, %add3A_422 : i32
        %get3A_424 = arith.constant 0 : i32
        %get3A_425 = arith.index_cast %get3A_424 : i32 to index
        %get3A_426 = arith.index_cast %add3A_423 : i32 to index
        %get3A_427 = arith.constant 0 : index
        %get3A_428 = tpu.vector_load %arg6[%get3A_425, %get3A_426, %get3A_427] {strides = array<i32>} : memref<4x128x128xf32, #tpu.memory_space<vmem>>, vector<1x1x16xf32>,
        %get3A_429 = vector.shape_cast %get3A_428 : vector<1x1x16xf32> to vector<16xf32>
        %mul3A_430 = arith.constant 11.3137083 : f32
        %mul3A_431 = vector.broadcast %mul3A_430 : f32 to vector<16xf32>
        %mul3A_432 = arith.mulf %get3A_429, %mul3A_431 : vector<16xf32>
        %swap3A_433 = arith.constant 0 : i32
        %swap3A_434 = arith.index_cast %swap3A_433 : i32 to index
        %swap3A_435 = arith.index_cast %add3A_423 : i32 to index
        %swap3A_436 = arith.constant 0 : index
        %swap3A_437 = tpu.vector_load %arg6[%swap3A_434, %swap3A_435, %swap3A_436] {strides = array<i32>} : memref<4x128x128xf32, #tpu.memory_space<vmem>>, vector<1x1x16xf32>,
        %swap3A_438 = vector.shape_cast %swap3A_437 : vector<1x1x16xf32> to vector<16xf32>
        %swap3A_439 = vector.shape_cast %mul3A_432 : vector<16xf32> to vector<1x1x16xf32>
        tpu.vector_store %arg6[%swap3A_434, %swap3A_435, %swap3A_436], %swap3A_439 {strides = array<i32>} : memref<4x128x128xf32, #tpu.memory_space<vmem>>, vector<1x1x16xf32>,
        %mul3A_440 = arith.constant 4 : i32
        %mul3A_441 = arith.muli %scan3A_261, %mul3A_440 : i32
        %add3A_442 = arith.constant 1 : i32
        %add3A_443 = arith.addi %mul3A_441, %add3A_442 : i32
        %get3A_444 = arith.constant 0 : i32
        %get3A_445 = arith.index_cast %get3A_444 : i32 to index
        %get3A_446 = arith.index_cast %add3A_443 : i32 to index
        %get3A_447 = arith.constant 16 : index
        %get3A_448 = tpu.vector_load %arg6[%get3A_445, %get3A_446, %get3A_447] {strides = array<i32>} : memref<4x128x128xf32, #tpu.memory_space<vmem>>, vector<1x1x16xf32>,
        %get3A_449 = vector.shape_cast %get3A_448 : vector<1x1x16xf32> to vector<16xf32>
        %mul3A_450 = arith.constant 11.3137083 : f32
        %mul3A_451 = vector.broadcast %mul3A_450 : f32 to vector<16xf32>
        %mul3A_452 = arith.mulf %get3A_449, %mul3A_451 : vector<16xf32>
        %swap3A_453 = arith.constant 0 : i32
        %swap3A_454 = arith.index_cast %swap3A_453 : i32 to index
        %swap3A_455 = arith.index_cast %add3A_443 : i32 to index
        %swap3A_456 = arith.constant 16 : index
        %swap3A_457 = tpu.vector_load %arg6[%swap3A_454, %swap3A_455, %swap3A_456] {strides = array<i32>} : memref<4x128x128xf32, #tpu.memory_space<vmem>>, vector<1x1x16xf32>,
        %swap3A_458 = vector.shape_cast %swap3A_457 : vector<1x1x16xf32> to vector<16xf32>
        %swap3A_459 = vector.shape_cast %mul3A_452 : vector<16xf32> to vector<1x1x16xf32>
        tpu.vector_store %arg6[%swap3A_454, %swap3A_455, %swap3A_456], %swap3A_459 {strides = array<i32>} : memref<4x128x128xf32, #tpu.memory_space<vmem>>, vector<1x1x16xf32>,
        %mul3A_460 = arith.constant 4 : i32
        %mul3A_461 = arith.muli %scan3A_261, %mul3A_460 : i32
        %add3A_462 = arith.constant 1 : i32
        %add3A_463 = arith.addi %mul3A_461, %add3A_462 : i32
        %get3A_464 = arith.constant 0 : i32
        %get3A_465 = arith.index_cast %get3A_464 : i32 to index
        %get3A_466 = arith.index_cast %add3A_463 : i32 to index
        %get3A_467 = arith.constant 32 : index
        %get3A_468 = tpu.vector_load %arg6[%get3A_465, %get3A_466, %get3A_467] {strides = array<i32>} : memref<4x128x128xf32, #tpu.memory_space<vmem>>, vector<1x1x16xf32>,
        %get3A_469 = vector.shape_cast %get3A_468 : vector<1x1x16xf32> to vector<16xf32>
        %mul3A_470 = arith.constant 11.3137083 : f32
        %mul3A_471 = vector.broadcast %mul3A_470 : f32 to vector<16xf32>
        %mul3A_472 = arith.mulf %get3A_469, %mul3A_471 : vector<16xf32>
        %swap3A_473 = arith.constant 0 : i32
        %swap3A_474 = arith.index_cast %swap3A_473 : i32 to index
        %swap3A_475 = arith.index_cast %add3A_463 : i32 to index
        %swap3A_476 = arith.constant 32 : index
        %swap3A_477 = tpu.vector_load %arg6[%swap3A_474, %swap3A_475, %swap3A_476] {strides = array<i32>} : memref<4x128x128xf32, #tpu.memory_space<vmem>>, vector<1x1x16xf32>,
        %swap3A_478 = vector.shape_cast %swap3A_477 : vector<1x1x16xf32> to vector<16xf32>
        %swap3A_479 = vector.shape_cast %mul3A_472 : vector<16xf32> to vector<1x1x16xf32>
        tpu.vector_store %arg6[%swap3A_474, %swap3A_475, %swap3A_476], %swap3A_479 {strides = array<i32>} : memref<4x128x128xf32, #tpu.memory_space<vmem>>, vector<1x1x16xf32>,
        %mul3A_480 = arith.constant 4 : i32
        %mul3A_481 = arith.muli %scan3A_261, %mul3A_480 : i32
        %add3A_482 = arith.constant 1 : i32
        %add3A_483 = arith.addi %mul3A_481, %add3A_482 : i32
        %get3A_484 = arith.constant 0 : i32
        %get3A_485 = arith.index_cast %get3A_484 : i32 to index
        %get3A_486 = arith.index_cast %add3A_483 : i32 to index
        %get3A_487 = arith.constant 48 : index
        %get3A_488 = tpu.vector_load %arg6[%get3A_485, %get3A_486, %get3A_487] {strides = array<i32>} : memref<4x128x128xf32, #tpu.memory_space<vmem>>, vector<1x1x16xf32>,
        %get3A_489 = vector.shape_cast %get3A_488 : vector<1x1x16xf32> to vector<16xf32>
        %mul3A_490 = arith.constant 11.3137083 : f32
        %mul3A_491 = vector.broadcast %mul3A_490 : f32 to vector<16xf32>
        %mul3A_492 = arith.mulf %get3A_489, %mul3A_491 : vector<16xf32>
        %swap3A_493 = arith.constant 0 : i32
        %swap3A_494 = arith.index_cast %swap3A_493 : i32 to index
        %swap3A_495 = arith.index_cast %add3A_483 : i32 to index
        %swap3A_496 = arith.constant 48 : index
        %swap3A_497 = tpu.vector_load %arg6[%swap3A_494, %swap3A_495, %swap3A_496] {strides = array<i32>} : memref<4x128x128xf32, #tpu.memory_space<vmem>>, vector<1x1x16xf32>,
        %swap3A_498 = vector.shape_cast %swap3A_497 : vector<1x1x16xf32> to vector<16xf32>
        %swap3A_499 = vector.shape_cast %mul3A_492 : vector<16xf32> to vector<1x1x16xf32>
        tpu.vector_store %arg6[%swap3A_494, %swap3A_495, %swap3A_496], %swap3A_499 {strides = array<i32>} : memref<4x128x128xf32, #tpu.memory_space<vmem>>, vector<1x1x16xf32>,
        %mul3A_500 = arith.constant 4 : i32
        %mul3A_501 = arith.muli %scan3A_261, %mul3A_500 : i32
        %add3A_502 = arith.constant 1 : i32
        %add3A_503 = arith.addi %mul3A_501, %add3A_502 : i32
        %get3A_504 = arith.constant 0 : i32
        %get3A_505 = arith.index_cast %get3A_504 : i32 to index
        %get3A_506 = arith.index_cast %add3A_503 : i32 to index
        %get3A_507 = arith.constant 64 : index
        %get3A_508 = tpu.vector_load %arg6[%get3A_505, %get3A_506, %get3A_507] {strides = array<i32>} : memref<4x128x128xf32, #tpu.memory_space<vmem>>, vector<1x1x16xf32>,
        %get3A_509 = vector.shape_cast %get3A_508 : vector<1x1x16xf32> to vector<16xf32>
        %mul3A_510 = arith.constant 11.3137083 : f32
        %mul3A_511 = vector.broadcast %mul3A_510 : f32 to vector<16xf32>
        %mul3A_512 = arith.mulf %get3A_509, %mul3A_511 : vector<16xf32>
        %swap3A_513 = arith.constant 0 : i32
        %swap3A_514 = arith.index_cast %swap3A_513 : i32 to index
        %swap3A_515 = arith.index_cast %add3A_503 : i32 to index
        %swap3A_516 = arith.constant 64 : index
        %swap3A_517 = tpu.vector_load %arg6[%swap3A_514, %swap3A_515, %swap3A_516] {strides = array<i32>} : memref<4x128x128xf32, #tpu.memory_space<vmem>>, vector<1x1x16xf32>,
        %swap3A_518 = vector.shape_cast %swap3A_517 : vector<1x1x16xf32> to vector<16xf32>
        %swap3A_519 = vector.shape_cast %mul3A_512 : vector<16xf32> to vector<1x1x16xf32>
        tpu.vector_store %arg6[%swap3A_514, %swap3A_515, %swap3A_516], %swap3A_519 {strides = array<i32>} : memref<4x128x128xf32, #tpu.memory_space<vmem>>, vector<1x1x16xf32>,
        %mul3A_520 = arith.constant 4 : i32
        %mul3A_521 = arith.muli %scan3A_261, %mul3A_520 : i32
        %add3A_522 = arith.constant 1 : i32
        %add3A_523 = arith.addi %mul3A_521, %add3A_522 : i32
        %get3A_524 = arith.constant 0 : i32
        %get3A_525 = arith.index_cast %get3A_524 : i32 to index
        %get3A_526 = arith.index_cast %add3A_523 : i32 to index
        %get3A_527 = arith.constant 80 : index
        %get3A_528 = tpu.vector_load %arg6[%get3A_525, %get3A_526, %get3A_527] {strides = array<i32>} : memref<4x128x128xf32, #tpu.memory_space<vmem>>, vector<1x1x16xf32>,
        %get3A_529 = vector.shape_cast %get3A_528 : vector<1x1x16xf32> to vector<16xf32>
        %mul3A_530 = arith.constant 11.3137083 : f32
        %mul3A_531 = vector.broadcast %mul3A_530 : f32 to vector<16xf32>
        %mul3A_532 = arith.mulf %get3A_529, %mul3A_531 : vector<16xf32>
        %swap3A_533 = arith.constant 0 : i32
        %swap3A_534 = arith.index_cast %swap3A_533 : i32 to index
        %swap3A_535 = arith.index_cast %add3A_523 : i32 to index
        %swap3A_536 = arith.constant 80 : index
        %swap3A_537 = tpu.vector_load %arg6[%swap3A_534, %swap3A_535, %swap3A_536] {strides = array<i32>} : memref<4x128x128xf32, #tpu.memory_space<vmem>>, vector<1x1x16xf32>,
        %swap3A_538 = vector.shape_cast %swap3A_537 : vector<1x1x16xf32> to vector<16xf32>
        %swap3A_539 = vector.shape_cast %mul3A_532 : vector<16xf32> to vector<1x1x16xf32>
        tpu.vector_store %arg6[%swap3A_534, %swap3A_535, %swap3A_536], %swap3A_539 {strides = array<i32>} : memref<4x128x128xf32, #tpu.memory_space<vmem>>, vector<1x1x16xf32>,
        %mul3A_540 = arith.constant 4 : i32
        %mul3A_541 = arith.muli %scan3A_261, %mul3A_540 : i32
        %add3A_542 = arith.constant 1 : i32
        %add3A_543 = arith.addi %mul3A_541, %add3A_542 : i32
        %get3A_544 = arith.constant 0 : i32
        %get3A_545 = arith.index_cast %get3A_544 : i32 to index
        %get3A_546 = arith.index_cast %add3A_543 : i32 to index
        %get3A_547 = arith.constant 96 : index
        %get3A_548 = tpu.vector_load %arg6[%get3A_545, %get3A_546, %get3A_547] {strides = array<i32>} : memref<4x128x128xf32, #tpu.memory_space<vmem>>, vector<1x1x16xf32>,
        %get3A_549 = vector.shape_cast %get3A_548 : vector<1x1x16xf32> to vector<16xf32>
        %mul3A_550 = arith.constant 11.3137083 : f32
        %mul3A_551 = vector.broadcast %mul3A_550 : f32 to vector<16xf32>
        %mul3A_552 = arith.mulf %get3A_549, %mul3A_551 : vector<16xf32>
        %swap3A_553 = arith.constant 0 : i32
        %swap3A_554 = arith.index_cast %swap3A_553 : i32 to index
        %swap3A_555 = arith.index_cast %add3A_543 : i32 to index
        %swap3A_556 = arith.constant 96 : index
        %swap3A_557 = tpu.vector_load %arg6[%swap3A_554, %swap3A_555, %swap3A_556] {strides = array<i32>} : memref<4x128x128xf32, #tpu.memory_space<vmem>>, vector<1x1x16xf32>,
        %swap3A_558 = vector.shape_cast %swap3A_557 : vector<1x1x16xf32> to vector<16xf32>
        %swap3A_559 = vector.shape_cast %mul3A_552 : vector<16xf32> to vector<1x1x16xf32>
        tpu.vector_store %arg6[%swap3A_554, %swap3A_555, %swap3A_556], %swap3A_559 {strides = array<i32>} : memref<4x128x128xf32, #tpu.memory_space<vmem>>, vector<1x1x16xf32>,
        %mul3A_560 = arith.constant 4 : i32
        %mul3A_561 = arith.muli %scan3A_261, %mul3A_560 : i32
        %add3A_562 = arith.constant 1 : i32
        %add3A_563 = arith.addi %mul3A_561, %add3A_562 : i32
        %get3A_564 = arith.constant 0 : i32
        %get3A_565 = arith.index_cast %get3A_564 : i32 to index
        %get3A_566 = arith.index_cast %add3A_563 : i32 to index
        %get3A_567 = arith.constant 112 : index
        %get3A_568 = tpu.vector_load %arg6[%get3A_565, %get3A_566, %get3A_567] {strides = array<i32>} : memref<4x128x128xf32, #tpu.memory_space<vmem>>, vector<1x1x16xf32>,
        %get3A_569 = vector.shape_cast %get3A_568 : vector<1x1x16xf32> to vector<16xf32>
        %mul3A_570 = arith.constant 11.3137083 : f32
        %mul3A_571 = vector.broadcast %mul3A_570 : f32 to vector<16xf32>
        %mul3A_572 = arith.mulf %get3A_569, %mul3A_571 : vector<16xf32>
        %swap3A_573 = arith.constant 0 : i32
        %swap3A_574 = arith.index_cast %swap3A_573 : i32 to index
        %swap3A_575 = arith.index_cast %add3A_563 : i32 to index
        %swap3A_576 = arith.constant 112 : index
        %swap3A_577 = tpu.vector_load %arg6[%swap3A_574, %swap3A_575, %swap3A_576] {strides = array<i32>} : memref<4x128x128xf32, #tpu.memory_space<vmem>>, vector<1x1x16xf32>,
        %swap3A_578 = vector.shape_cast %swap3A_577 : vector<1x1x16xf32> to vector<16xf32>
        %swap3A_579 = vector.shape_cast %mul3A_572 : vector<16xf32> to vector<1x1x16xf32>
        tpu.vector_store %arg6[%swap3A_574, %swap3A_575, %swap3A_576], %swap3A_579 {strides = array<i32>} : memref<4x128x128xf32, #tpu.memory_space<vmem>>, vector<1x1x16xf32>,
        %mul3A_580 = arith.constant 4 : i32
        %mul3A_581 = arith.muli %scan3A_261, %mul3A_580 : i32
        %add3A_582 = arith.constant 2 : i32
        %add3A_583 = arith.addi %mul3A_581, %add3A_582 : i32
        %get3A_584 = arith.constant 0 : i32
        %get3A_585 = arith.index_cast %get3A_584 : i32 to index
        %get3A_586 = arith.index_cast %add3A_583 : i32 to index
        %get3A_587 = arith.constant 0 : index
        %get3A_588 = tpu.vector_load %arg6[%get3A_585, %get3A_586, %get3A_587] {strides = array<i32>} : memref<4x128x128xf32, #tpu.memory_space<vmem>>, vector<1x1x16xf32>,
        %get3A_589 = vector.shape_cast %get3A_588 : vector<1x1x16xf32> to vector<16xf32>
        %mul3A_590 = arith.constant 11.3137083 : f32
        %mul3A_591 = vector.broadcast %mul3A_590 : f32 to vector<16xf32>
        %mul3A_592 = arith.mulf %get3A_589, %mul3A_591 : vector<16xf32>
        %swap3A_593 = arith.constant 0 : i32
        %swap3A_594 = arith.index_cast %swap3A_593 : i32 to index
        %swap3A_595 = arith.index_cast %add3A_583 : i32 to index
        %swap3A_596 = arith.constant 0 : index
        %swap3A_597 = tpu.vector_load %arg6[%swap3A_594, %swap3A_595, %swap3A_596] {strides = array<i32>} : memref<4x128x128xf32, #tpu.memory_space<vmem>>, vector<1x1x16xf32>,
        %swap3A_598 = vector.shape_cast %swap3A_597 : vector<1x1x16xf32> to vector<16xf32>
        %swap3A_599 = vector.shape_cast %mul3A_592 : vector<16xf32> to vector<1x1x16xf32>
        tpu.vector_store %arg6[%swap3A_594, %swap3A_595, %swap3A_596], %swap3A_599 {strides = array<i32>} : memref<4x128x128xf32, #tpu.memory_space<vmem>>, vector<1x1x16xf32>,
        %mul3A_600 = arith.constant 4 : i32
        %mul3A_601 = arith.muli %scan3A_261, %mul3A_600 : i32
        %add3A_602 = arith.constant 2 : i32
        %add3A_603 = arith.addi %mul3A_601, %add3A_602 : i32
        %get3A_604 = arith.constant 0 : i32
        %get3A_605 = arith.index_cast %get3A_604 : i32 to index
        %get3A_606 = arith.index_cast %add3A_603 : i32 to index
        %get3A_607 = arith.constant 16 : index
        %get3A_608 = tpu.vector_load %arg6[%get3A_605, %get3A_606, %get3A_607] {strides = array<i32>} : memref<4x128x128xf32, #tpu.memory_space<vmem>>, vector<1x1x16xf32>,
        %get3A_609 = vector.shape_cast %get3A_608 : vector<1x1x16xf32> to vector<16xf32>
        %mul3A_610 = arith.constant 11.3137083 : f32
        %mul3A_611 = vector.broadcast %mul3A_610 : f32 to vector<16xf32>
        %mul3A_612 = arith.mulf %get3A_609, %mul3A_611 : vector<16xf32>
        %swap3A_613 = arith.constant 0 : i32
        %swap3A_614 = arith.index_cast %swap3A_613 : i32 to index
        %swap3A_615 = arith.index_cast %add3A_603 : i32 to index
        %swap3A_616 = arith.constant 16 : index
        %swap3A_617 = tpu.vector_load %arg6[%swap3A_614, %swap3A_615, %swap3A_616] {strides = array<i32>} : memref<4x128x128xf32, #tpu.memory_space<vmem>>, vector<1x1x16xf32>,
        %swap3A_618 = vector.shape_cast %swap3A_617 : vector<1x1x16xf32> to vector<16xf32>
        %swap3A_619 = vector.shape_cast %mul3A_612 : vector<16xf32> to vector<1x1x16xf32>
        tpu.vector_store %arg6[%swap3A_614, %swap3A_615, %swap3A_616], %swap3A_619 {strides = array<i32>} : memref<4x128x128xf32, #tpu.memory_space<vmem>>, vector<1x1x16xf32>,
        %mul3A_620 = arith.constant 4 : i32
        %mul3A_621 = arith.muli %scan3A_261, %mul3A_620 : i32
        %add3A_622 = arith.constant 2 : i32
        %add3A_623 = arith.addi %mul3A_621, %add3A_622 : i32
        %get3A_624 = arith.constant 0 : i32
        %get3A_625 = arith.index_cast %get3A_624 : i32 to index
        %get3A_626 = arith.index_cast %add3A_623 : i32 to index
        %get3A_627 = arith.constant 32 : index
        %get3A_628 = tpu.vector_load %arg6[%get3A_625, %get3A_626, %get3A_627] {strides = array<i32>} : memref<4x128x128xf32, #tpu.memory_space<vmem>>, vector<1x1x16xf32>,
        %get3A_629 = vector.shape_cast %get3A_628 : vector<1x1x16xf32> to vector<16xf32>
        %mul3A_630 = arith.constant 11.3137083 : f32
        %mul3A_631 = vector.broadcast %mul3A_630 : f32 to vector<16xf32>
        %mul3A_632 = arith.mulf %get3A_629, %mul3A_631 : vector<16xf32>
        %swap3A_633 = arith.constant 0 : i32
        %swap3A_634 = arith.index_cast %swap3A_633 : i32 to index
        %swap3A_635 = arith.index_cast %add3A_623 : i32 to index
        %swap3A_636 = arith.constant 32 : index
        %swap3A_637 = tpu.vector_load %arg6[%swap3A_634, %swap3A_635, %swap3A_636] {strides = array<i32>} : memref<4x128x128xf32, #tpu.memory_space<vmem>>, vector<1x1x16xf32>,
        %swap3A_638 = vector.shape_cast %swap3A_637 : vector<1x1x16xf32> to vector<16xf32>
        %swap3A_639 = vector.shape_cast %mul3A_632 : vector<16xf32> to vector<1x1x16xf32>
        tpu.vector_store %arg6[%swap3A_634, %swap3A_635, %swap3A_636], %swap3A_639 {strides = array<i32>} : memref<4x128x128xf32, #tpu.memory_space<vmem>>, vector<1x1x16xf32>,
        %mul3A_640 = arith.constant 4 : i32
        %mul3A_641 = arith.muli %scan3A_261, %mul3A_640 : i32
        %add3A_642 = arith.constant 2 : i32
        %add3A_643 = arith.addi %mul3A_641, %add3A_642 : i32
        %get3A_644 = arith.constant 0 : i32
        %get3A_645 = arith.index_cast %get3A_644 : i32 to index
        %get3A_646 = arith.index_cast %add3A_643 : i32 to index
        %get3A_647 = arith.constant 48 : index
        %get3A_648 = tpu.vector_load %arg6[%get3A_645, %get3A_646, %get3A_647] {strides = array<i32>} : memref<4x128x128xf32, #tpu.memory_space<vmem>>, vector<1x1x16xf32>,
        %get3A_649 = vector.shape_cast %get3A_648 : vector<1x1x16xf32> to vector<16xf32>
        %mul3A_650 = arith.constant 11.3137083 : f32
        %mul3A_651 = vector.broadcast %mul3A_650 : f32 to vector<16xf32>
        %mul3A_652 = arith.mulf %get3A_649, %mul3A_651 : vector<16xf32>
        %swap3A_653 = arith.constant 0 : i32
        %swap3A_654 = arith.index_cast %swap3A_653 : i32 to index
        %swap3A_655 = arith.index_cast %add3A_643 : i32 to index
        %swap3A_656 = arith.constant 48 : index
        %swap3A_657 = tpu.vector_load %arg6[%swap3A_654, %swap3A_655, %swap3A_656] {strides = array<i32>} : memref<4x128x128xf32, #tpu.memory_space<vmem>>, vector<1x1x16xf32>,
        %swap3A_658 = vector.shape_cast %swap3A_657 : vector<1x1x16xf32> to vector<16xf32>
        %swap3A_659 = vector.shape_cast %mul3A_652 : vector<16xf32> to vector<1x1x16xf32>
        tpu.vector_store %arg6[%swap3A_654, %swap3A_655, %swap3A_656], %swap3A_659 {strides = array<i32>} : memref<4x128x128xf32, #tpu.memory_space<vmem>>, vector<1x1x16xf32>,
        %mul3A_660 = arith.constant 4 : i32
        %mul3A_661 = arith.muli %scan3A_261, %mul3A_660 : i32
        %add3A_662 = arith.constant 2 : i32
        %add3A_663 = arith.addi %mul3A_661, %add3A_662 : i32
        %get3A_664 = arith.constant 0 : i32
        %get3A_665 = arith.index_cast %get3A_664 : i32 to index
        %get3A_666 = arith.index_cast %add3A_663 : i32 to index
        %get3A_667 = arith.constant 64 : index
        %get3A_668 = tpu.vector_load %arg6[%get3A_665, %get3A_666, %get3A_667] {strides = array<i32>} : memref<4x128x128xf32, #tpu.memory_space<vmem>>, vector<1x1x16xf32>,
        %get3A_669 = vector.shape_cast %get3A_668 : vector<1x1x16xf32> to vector<16xf32>
        %mul3A_670 = arith.constant 11.3137083 : f32
        %mul3A_671 = vector.broadcast %mul3A_670 : f32 to vector<16xf32>
        %mul3A_672 = arith.mulf %get3A_669, %mul3A_671 : vector<16xf32>
        %swap3A_673 = arith.constant 0 : i32
        %swap3A_674 = arith.index_cast %swap3A_673 : i32 to index
        %swap3A_675 = arith.index_cast %add3A_663 : i32 to index
        %swap3A_676 = arith.constant 64 : index
        %swap3A_677 = tpu.vector_load %arg6[%swap3A_674, %swap3A_675, %swap3A_676] {strides = array<i32>} : memref<4x128x128xf32, #tpu.memory_space<vmem>>, vector<1x1x16xf32>,
        %swap3A_678 = vector.shape_cast %swap3A_677 : vector<1x1x16xf32> to vector<16xf32>
        %swap3A_679 = vector.shape_cast %mul3A_672 : vector<16xf32> to vector<1x1x16xf32>
        tpu.vector_store %arg6[%swap3A_674, %swap3A_675, %swap3A_676], %swap3A_679 {strides = array<i32>} : memref<4x128x128xf32, #tpu.memory_space<vmem>>, vector<1x1x16xf32>,
        %mul3A_680 = arith.constant 4 : i32
        %mul3A_681 = arith.muli %scan3A_261, %mul3A_680 : i32
        %add3A_682 = arith.constant 2 : i32
        %add3A_683 = arith.addi %mul3A_681, %add3A_682 : i32
        %get3A_684 = arith.constant 0 : i32
        %get3A_685 = arith.index_cast %get3A_684 : i32 to index
        %get3A_686 = arith.index_cast %add3A_683 : i32 to index
        %get3A_687 = arith.constant 80 : index
        %get3A_688 = tpu.vector_load %arg6[%get3A_685, %get3A_686, %get3A_687] {strides = array<i32>} : memref<4x128x128xf32, #tpu.memory_space<vmem>>, vector<1x1x16xf32>,
        %get3A_689 = vector.shape_cast %get3A_688 : vector<1x1x16xf32> to vector<16xf32>
        %mul3A_690 = arith.constant 11.3137083 : f32
        %mul3A_691 = vector.broadcast %mul3A_690 : f32 to vector<16xf32>
        %mul3A_692 = arith.mulf %get3A_689, %mul3A_691 : vector<16xf32>
        %swap3A_693 = arith.constant 0 : i32
        %swap3A_694 = arith.index_cast %swap3A_693 : i32 to index
        %swap3A_695 = arith.index_cast %add3A_683 : i32 to index
        %swap3A_696 = arith.constant 80 : index
        %swap3A_697 = tpu.vector_load %arg6[%swap3A_694, %swap3A_695, %swap3A_696] {strides = array<i32>} : memref<4x128x128xf32, #tpu.memory_space<vmem>>, vector<1x1x16xf32>,
        %swap3A_698 = vector.shape_cast %swap3A_697 : vector<1x1x16xf32> to vector<16xf32>
        %swap3A_699 = vector.shape_cast %mul3A_692 : vector<16xf32> to vector<1x1x16xf32>
        tpu.vector_store %arg6[%swap3A_694, %swap3A_695, %swap3A_696], %swap3A_699 {strides = array<i32>} : memref<4x128x128xf32, #tpu.memory_space<vmem>>, vector<1x1x16xf32>,
        %mul3A_700 = arith.constant 4 : i32
        %mul3A_701 = arith.muli %scan3A_261, %mul3A_700 : i32
        %add3A_702 = arith.constant 2 : i32
        %add3A_703 = arith.addi %mul3A_701, %add3A_702 : i32
        %get3A_704 = arith.constant 0 : i32
        %get3A_705 = arith.index_cast %get3A_704 : i32 to index
        %get3A_706 = arith.index_cast %add3A_703 : i32 to index
        %get3A_707 = arith.constant 96 : index
        %get3A_708 = tpu.vector_load %arg6[%get3A_705, %get3A_706, %get3A_707] {strides = array<i32>} : memref<4x128x128xf32, #tpu.memory_space<vmem>>, vector<1x1x16xf32>,
        %get3A_709 = vector.shape_cast %get3A_708 : vector<1x1x16xf32> to vector<16xf32>
        %mul3A_710 = arith.constant 11.3137083 : f32
        %mul3A_711 = vector.broadcast %mul3A_710 : f32 to vector<16xf32>
        %mul3A_712 = arith.mulf %get3A_709, %mul3A_711 : vector<16xf32>
        %swap3A_713 = arith.constant 0 : i32
        %swap3A_714 = arith.index_cast %swap3A_713 : i32 to index
        %swap3A_715 = arith.index_cast %add3A_703 : i32 to index
        %swap3A_716 = arith.constant 96 : index
        %swap3A_717 = tpu.vector_load %arg6[%swap3A_714, %swap3A_715, %swap3A_716] {strides = array<i32>} : memref<4x128x128xf32, #tpu.memory_space<vmem>>, vector<1x1x16xf32>,
        %swap3A_718 = vector.shape_cast %swap3A_717 : vector<1x1x16xf32> to vector<16xf32>
        %swap3A_719 = vector.shape_cast %mul3A_712 : vector<16xf32> to vector<1x1x16xf32>
        tpu.vector_store %arg6[%swap3A_714, %swap3A_715, %swap3A_716], %swap3A_719 {strides = array<i32>} : memref<4x128x128xf32, #tpu.memory_space<vmem>>, vector<1x1x16xf32>,
        %mul3A_720 = arith.constant 4 : i32
        %mul3A_721 = arith.muli %scan3A_261, %mul3A_720 : i32
        %add3A_722 = arith.constant 2 : i32
        %add3A_723 = arith.addi %mul3A_721, %add3A_722 : i32
        %get3A_724 = arith.constant 0 : i32
        %get3A_725 = arith.index_cast %get3A_724 : i32 to index
        %get3A_726 = arith.index_cast %add3A_723 : i32 to index
        %get3A_727 = arith.constant 112 : index
        %get3A_728 = tpu.vector_load %arg6[%get3A_725, %get3A_726, %get3A_727] {strides = array<i32>} : memref<4x128x128xf32, #tpu.memory_space<vmem>>, vector<1x1x16xf32>,
        %get3A_729 = vector.shape_cast %get3A_728 : vector<1x1x16xf32> to vector<16xf32>
        %mul3A_730 = arith.constant 11.3137083 : f32
        %mul3A_731 = vector.broadcast %mul3A_730 : f32 to vector<16xf32>
        %mul3A_732 = arith.mulf %get3A_729, %mul3A_731 : vector<16xf32>
        %swap3A_733 = arith.constant 0 : i32
        %swap3A_734 = arith.index_cast %swap3A_733 : i32 to index
        %swap3A_735 = arith.index_cast %add3A_723 : i32 to index
        %swap3A_736 = arith.constant 112 : index
        %swap3A_737 = tpu.vector_load %arg6[%swap3A_734, %swap3A_735, %swap3A_736] {strides = array<i32>} : memref<4x128x128xf32, #tpu.memory_space<vmem>>, vector<1x1x16xf32>,
        %swap3A_738 = vector.shape_cast %swap3A_737 : vector<1x1x16xf32> to vector<16xf32>
        %swap3A_739 = vector.shape_cast %mul3A_732 : vector<16xf32> to vector<1x1x16xf32>
        tpu.vector_store %arg6[%swap3A_734, %swap3A_735, %swap3A_736], %swap3A_739 {strides = array<i32>} : memref<4x128x128xf32, #tpu.memory_space<vmem>>, vector<1x1x16xf32>,
        %mul3A_740 = arith.constant 4 : i32
        %mul3A_741 = arith.muli %scan3A_261, %mul3A_740 : i32
        %add3A_742 = arith.constant 3 : i32
        %add3A_743 = arith.addi %mul3A_741, %add3A_742 : i32
        %get3A_744 = arith.constant 0 : i32
        %get3A_745 = arith.index_cast %get3A_744 : i32 to index
        %get3A_746 = arith.index_cast %add3A_743 : i32 to index
        %get3A_747 = arith.constant 0 : index
        %get3A_748 = tpu.vector_load %arg6[%get3A_745, %get3A_746, %get3A_747] {strides = array<i32>} : memref<4x128x128xf32, #tpu.memory_space<vmem>>, vector<1x1x16xf32>,
        %get3A_749 = vector.shape_cast %get3A_748 : vector<1x1x16xf32> to vector<16xf32>
        %mul3A_750 = arith.constant 11.3137083 : f32
        %mul3A_751 = vector.broadcast %mul3A_750 : f32 to vector<16xf32>
        %mul3A_752 = arith.mulf %get3A_749, %mul3A_751 : vector<16xf32>
        %swap3A_753 = arith.constant 0 : i32
        %swap3A_754 = arith.index_cast %swap3A_753 : i32 to index
        %swap3A_755 = arith.index_cast %add3A_743 : i32 to index
        %swap3A_756 = arith.constant 0 : index
        %swap3A_757 = tpu.vector_load %arg6[%swap3A_754, %swap3A_755, %swap3A_756] {strides = array<i32>} : memref<4x128x128xf32, #tpu.memory_space<vmem>>, vector<1x1x16xf32>,
        %swap3A_758 = vector.shape_cast %swap3A_757 : vector<1x1x16xf32> to vector<16xf32>
        %swap3A_759 = vector.shape_cast %mul3A_752 : vector<16xf32> to vector<1x1x16xf32>
        tpu.vector_store %arg6[%swap3A_754, %swap3A_755, %swap3A_756], %swap3A_759 {strides = array<i32>} : memref<4x128x128xf32, #tpu.memory_space<vmem>>, vector<1x1x16xf32>,
        %mul3A_760 = arith.constant 4 : i32
        %mul3A_761 = arith.muli %scan3A_261, %mul3A_760 : i32
        %add3A_762 = arith.constant 3 : i32
        %add3A_763 = arith.addi %mul3A_761, %add3A_762 : i32
        %get3A_764 = arith.constant 0 : i32
        %get3A_765 = arith.index_cast %get3A_764 : i32 to index
        %get3A_766 = arith.index_cast %add3A_763 : i32 to index
        %get3A_767 = arith.constant 16 : index
        %get3A_768 = tpu.vector_load %arg6[%get3A_765, %get3A_766, %get3A_767] {strides = array<i32>} : memref<4x128x128xf32, #tpu.memory_space<vmem>>, vector<1x1x16xf32>,
        %get3A_769 = vector.shape_cast %get3A_768 : vector<1x1x16xf32> to vector<16xf32>
        %mul3A_770 = arith.constant 11.3137083 : f32
        %mul3A_771 = vector.broadcast %mul3A_770 : f32 to vector<16xf32>
        %mul3A_772 = arith.mulf %get3A_769, %mul3A_771 : vector<16xf32>
        %swap3A_773 = arith.constant 0 : i32
        %swap3A_774 = arith.index_cast %swap3A_773 : i32 to index
        %swap3A_775 = arith.index_cast %add3A_763 : i32 to index
        %swap3A_776 = arith.constant 16 : index
        %swap3A_777 = tpu.vector_load %arg6[%swap3A_774, %swap3A_775, %swap3A_776] {strides = array<i32>} : memref<4x128x128xf32, #tpu.memory_space<vmem>>, vector<1x1x16xf32>,
        %swap3A_778 = vector.shape_cast %swap3A_777 : vector<1x1x16xf32> to vector<16xf32>
        %swap3A_779 = vector.shape_cast %mul3A_772 : vector<16xf32> to vector<1x1x16xf32>
        tpu.vector_store %arg6[%swap3A_774, %swap3A_775, %swap3A_776], %swap3A_779 {strides = array<i32>} : memref<4x128x128xf32, #tpu.memory_space<vmem>>, vector<1x1x16xf32>,
        %mul3A_780 = arith.constant 4 : i32
        %mul3A_781 = arith.muli %scan3A_261, %mul3A_780 : i32
        %add3A_782 = arith.constant 3 : i32
        %add3A_783 = arith.addi %mul3A_781, %add3A_782 : i32
        %get3A_784 = arith.constant 0 : i32
        %get3A_785 = arith.index_cast %get3A_784 : i32 to index
        %get3A_786 = arith.index_cast %add3A_783 : i32 to index
        %get3A_787 = arith.constant 32 : index
        %get3A_788 = tpu.vector_load %arg6[%get3A_785, %get3A_786, %get3A_787] {strides = array<i32>} : memref<4x128x128xf32, #tpu.memory_space<vmem>>, vector<1x1x16xf32>,
        %get3A_789 = vector.shape_cast %get3A_788 : vector<1x1x16xf32> to vector<16xf32>
        %mul3A_790 = arith.constant 11.3137083 : f32
        %mul3A_791 = vector.broadcast %mul3A_790 : f32 to vector<16xf32>
        %mul3A_792 = arith.mulf %get3A_789, %mul3A_791 : vector<16xf32>
        %swap3A_793 = arith.constant 0 : i32
        %swap3A_794 = arith.index_cast %swap3A_793 : i32 to index
        %swap3A_795 = arith.index_cast %add3A_783 : i32 to index
        %swap3A_796 = arith.constant 32 : index
        %swap3A_797 = tpu.vector_load %arg6[%swap3A_794, %swap3A_795, %swap3A_796] {strides = array<i32>} : memref<4x128x128xf32, #tpu.memory_space<vmem>>, vector<1x1x16xf32>,
        %swap3A_798 = vector.shape_cast %swap3A_797 : vector<1x1x16xf32> to vector<16xf32>
        %swap3A_799 = vector.shape_cast %mul3A_792 : vector<16xf32> to vector<1x1x16xf32>
        tpu.vector_store %arg6[%swap3A_794, %swap3A_795, %swap3A_796], %swap3A_799 {strides = array<i32>} : memref<4x128x128xf32, #tpu.memory_space<vmem>>, vector<1x1x16xf32>,
        %mul3A_800 = arith.constant 4 : i32
        %mul3A_801 = arith.muli %scan3A_261, %mul3A_800 : i32
        %add3A_802 = arith.constant 3 : i32
        %add3A_803 = arith.addi %mul3A_801, %add3A_802 : i32
        %get3A_804 = arith.constant 0 : i32
        %get3A_805 = arith.index_cast %get3A_804 : i32 to index
        %get3A_806 = arith.index_cast %add3A_803 : i32 to index
        %get3A_807 = arith.constant 48 : index
        %get3A_808 = tpu.vector_load %arg6[%get3A_805, %get3A_806, %get3A_807] {strides = array<i32>} : memref<4x128x128xf32, #tpu.memory_space<vmem>>, vector<1x1x16xf32>,
        %get3A_809 = vector.shape_cast %get3A_808 : vector<1x1x16xf32> to vector<16xf32>
        %mul3A_810 = arith.constant 11.3137083 : f32
        %mul3A_811 = vector.broadcast %mul3A_810 : f32 to vector<16xf32>
        %mul3A_812 = arith.mulf %get3A_809, %mul3A_811 : vector<16xf32>
        %swap3A_813 = arith.constant 0 : i32
        %swap3A_814 = arith.index_cast %swap3A_813 : i32 to index
        %swap3A_815 = arith.index_cast %add3A_803 : i32 to index
        %swap3A_816 = arith.constant 48 : index
        %swap3A_817 = tpu.vector_load %arg6[%swap3A_814, %swap3A_815, %swap3A_816] {strides = array<i32>} : memref<4x128x128xf32, #tpu.memory_space<vmem>>, vector<1x1x16xf32>,
        %swap3A_818 = vector.shape_cast %swap3A_817 : vector<1x1x16xf32> to vector<16xf32>
        %swap3A_819 = vector.shape_cast %mul3A_812 : vector<16xf32> to vector<1x1x16xf32>
        tpu.vector_store %arg6[%swap3A_814, %swap3A_815, %swap3A_816], %swap3A_819 {strides = array<i32>} : memref<4x128x128xf32, #tpu.memory_space<vmem>>, vector<1x1x16xf32>,
        %mul3A_820 = arith.constant 4 : i32
        %mul3A_821 = arith.muli %scan3A_261, %mul3A_820 : i32
        %add3A_822 = arith.constant 3 : i32
        %add3A_823 = arith.addi %mul3A_821, %add3A_822 : i32
        %get3A_824 = arith.constant 0 : i32
        %get3A_825 = arith.index_cast %get3A_824 : i32 to index
        %get3A_826 = arith.index_cast %add3A_823 : i32 to index
        %get3A_827 = arith.constant 64 : index
        %get3A_828 = tpu.vector_load %arg6[%get3A_825, %get3A_826, %get3A_827] {strides = array<i32>} : memref<4x128x128xf32, #tpu.memory_space<vmem>>, vector<1x1x16xf32>,
        %get3A_829 = vector.shape_cast %get3A_828 : vector<1x1x16xf32> to vector<16xf32>
        %mul3A_830 = arith.constant 11.3137083 : f32
        %mul3A_831 = vector.broadcast %mul3A_830 : f32 to vector<16xf32>
        %mul3A_832 = arith.mulf %get3A_829, %mul3A_831 : vector<16xf32>
        %swap3A_833 = arith.constant 0 : i32
        %swap3A_834 = arith.index_cast %swap3A_833 : i32 to index
        %swap3A_835 = arith.index_cast %add3A_823 : i32 to index
        %swap3A_836 = arith.constant 64 : index
        %swap3A_837 = tpu.vector_load %arg6[%swap3A_834, %swap3A_835, %swap3A_836] {strides = array<i32>} : memref<4x128x128xf32, #tpu.memory_space<vmem>>, vector<1x1x16xf32>,
        %swap3A_838 = vector.shape_cast %swap3A_837 : vector<1x1x16xf32> to vector<16xf32>
        %swap3A_839 = vector.shape_cast %mul3A_832 : vector<16xf32> to vector<1x1x16xf32>
        tpu.vector_store %arg6[%swap3A_834, %swap3A_835, %swap3A_836], %swap3A_839 {strides = array<i32>} : memref<4x128x128xf32, #tpu.memory_space<vmem>>, vector<1x1x16xf32>,
        %mul3A_840 = arith.constant 4 : i32
        %mul3A_841 = arith.muli %scan3A_261, %mul3A_840 : i32
        %add3A_842 = arith.constant 3 : i32
        %add3A_843 = arith.addi %mul3A_841, %add3A_842 : i32
        %get3A_844 = arith.constant 0 : i32
        %get3A_845 = arith.index_cast %get3A_844 : i32 to index
        %get3A_846 = arith.index_cast %add3A_843 : i32 to index
        %get3A_847 = arith.constant 80 : index
        %get3A_848 = tpu.vector_load %arg6[%get3A_845, %get3A_846, %get3A_847] {strides = array<i32>} : memref<4x128x128xf32, #tpu.memory_space<vmem>>, vector<1x1x16xf32>,
        %get3A_849 = vector.shape_cast %get3A_848 : vector<1x1x16xf32> to vector<16xf32>
        %mul3A_850 = arith.constant 11.3137083 : f32
        %mul3A_851 = vector.broadcast %mul3A_850 : f32 to vector<16xf32>
        %mul3A_852 = arith.mulf %get3A_849, %mul3A_851 : vector<16xf32>
        %swap3A_853 = arith.constant 0 : i32
        %swap3A_854 = arith.index_cast %swap3A_853 : i32 to index
        %swap3A_855 = arith.index_cast %add3A_843 : i32 to index
        %swap3A_856 = arith.constant 80 : index
        %swap3A_857 = tpu.vector_load %arg6[%swap3A_854, %swap3A_855, %swap3A_856] {strides = array<i32>} : memref<4x128x128xf32, #tpu.memory_space<vmem>>, vector<1x1x16xf32>,
        %swap3A_858 = vector.shape_cast %swap3A_857 : vector<1x1x16xf32> to vector<16xf32>
        %swap3A_859 = vector.shape_cast %mul3A_852 : vector<16xf32> to vector<1x1x16xf32>
        tpu.vector_store %arg6[%swap3A_854, %swap3A_855, %swap3A_856], %swap3A_859 {strides = array<i32>} : memref<4x128x128xf32, #tpu.memory_space<vmem>>, vector<1x1x16xf32>,
        %mul3A_860 = arith.constant 4 : i32
        %mul3A_861 = arith.muli %scan3A_261, %mul3A_860 : i32
        %add3A_862 = arith.constant 3 : i32
        %add3A_863 = arith.addi %mul3A_861, %add3A_862 : i32
        %get3A_864 = arith.constant 0 : i32
        %get3A_865 = arith.index_cast %get3A_864 : i32 to index
        %get3A_866 = arith.index_cast %add3A_863 : i32 to index
        %get3A_867 = arith.constant 96 : index
        %get3A_868 = tpu.vector_load %arg6[%get3A_865, %get3A_866, %get3A_867] {strides = array<i32>} : memref<4x128x128xf32, #tpu.memory_space<vmem>>, vector<1x1x16xf32>,
        %get3A_869 = vector.shape_cast %get3A_868 : vector<1x1x16xf32> to vector<16xf32>
        %mul3A_870 = arith.constant 11.3137083 : f32
        %mul3A_871 = vector.broadcast %mul3A_870 : f32 to vector<16xf32>
        %mul3A_872 = arith.mulf %get3A_869, %mul3A_871 : vector<16xf32>
        %swap3A_873 = arith.constant 0 : i32
        %swap3A_874 = arith.index_cast %swap3A_873 : i32 to index
        %swap3A_875 = arith.index_cast %add3A_863 : i32 to index
        %swap3A_876 = arith.constant 96 : index
        %swap3A_877 = tpu.vector_load %arg6[%swap3A_874, %swap3A_875, %swap3A_876] {strides = array<i32>} : memref<4x128x128xf32, #tpu.memory_space<vmem>>, vector<1x1x16xf32>,
        %swap3A_878 = vector.shape_cast %swap3A_877 : vector<1x1x16xf32> to vector<16xf32>
        %swap3A_879 = vector.shape_cast %mul3A_872 : vector<16xf32> to vector<1x1x16xf32>
        tpu.vector_store %arg6[%swap3A_874, %swap3A_875, %swap3A_876], %swap3A_879 {strides = array<i32>} : memref<4x128x128xf32, #tpu.memory_space<vmem>>, vector<1x1x16xf32>,
        %mul3A_880 = arith.constant 4 : i32
        %mul3A_881 = arith.muli %scan3A_261, %mul3A_880 : i32
        %add3A_882 = arith.constant 3 : i32
        %add3A_883 = arith.addi %mul3A_881, %add3A_882 : i32
        %get3A_884 = arith.constant 0 : i32
        %get3A_885 = arith.index_cast %get3A_884 : i32 to index
        %get3A_886 = arith.index_cast %add3A_883 : i32 to index
        %get3A_887 = arith.constant 112 : index
        %get3A_888 = tpu.vector_load %arg6[%get3A_885, %get3A_886, %get3A_887] {strides = array<i32>} : memref<4x128x128xf32, #tpu.memory_space<vmem>>, vector<1x1x16xf32>,
        %get3A_889 = vector.shape_cast %get3A_888 : vector<1x1x16xf32> to vector<16xf32>
        %mul3A_890 = arith.constant 11.3137083 : f32
        %mul3A_891 = vector.broadcast %mul3A_890 : f32 to vector<16xf32>
        %mul3A_892 = arith.mulf %get3A_889, %mul3A_891 : vector<16xf32>
        %swap3A_893 = arith.constant 0 : i32
        %swap3A_894 = arith.index_cast %swap3A_893 : i32 to index
        %swap3A_895 = arith.index_cast %add3A_883 : i32 to index
        %swap3A_896 = arith.constant 112 : index
        %swap3A_897 = tpu.vector_load %arg6[%swap3A_894, %swap3A_895, %swap3A_896] {strides = array<i32>} : memref<4x128x128xf32, #tpu.memory_space<vmem>>, vector<1x1x16xf32>,
        %swap3A_898 = vector.shape_cast %swap3A_897 : vector<1x1x16xf32> to vector<16xf32>
        %swap3A_899 = vector.shape_cast %mul3A_892 : vector<16xf32> to vector<1x1x16xf32>
        tpu.vector_store %arg6[%swap3A_894, %swap3A_895, %swap3A_896], %swap3A_899 {strides = array<i32>} : memref<4x128x128xf32, #tpu.memory_space<vmem>>, vector<1x1x16xf32>,
      }
      %scan3A_124 = arith.constant 32 : i32
      %mul3A_125 = arith.constant 4 : i32
      %mul3A_126 = arith.muli %scan3A_106, %mul3A_125 : i32
      %add3A_127 = arith.constant 0 : i32
      %add3A_128 = arith.addi %mul3A_126, %add3A_127 : i32
      %mul3A_129 = arith.constant 128 : i32
      %mul3A_130 = arith.muli %add3A_128, %mul3A_129 : i32
      %add3A_131 = arith.addi %mul3A_2, %mul3A_130 : i32
      %dma_start3A_132 = arith.constant 0 : i32
      %dma_start3A_133 = arith.constant 0 : i32
      %dma_start3A_134 = arith.constant 0 : i32
      %dma_start3A_135 = tpu.memref_slice %arg6[%dma_start3A_132, %dma_start3A_133, %dma_start3A_134] : memref<4x128x128xf32, #tpu.memory_space<vmem>> -> memref<1x128x128xf32, #tpu.memory_space<vmem>>
      %dma_start3A_136 = tpu.memref_squeeze %dma_start3A_135 : memref<1x128x128xf32, #tpu.memory_space<vmem>> -> memref<128x128xf32, #tpu.memory_space<vmem>>
      %dma_start3A_137 = arith.constant 0 : i32
      %dma_start3A_138 = tpu.memref_slice %arg4[%add3A_131, %dma_start3A_137] : memref<819200x128xf32, #tpu.memory_space<hbm>> -> memref<128x128xf32, #tpu.memory_space<hbm>>
      %dma_start3A_139 = arith.constant 0 : i32
      %dma_start3A_140 = tpu.memref_slice %arg4[%add3A_131, %dma_start3A_139] : memref<819200x128xf32, #tpu.memory_space<hbm>> -> memref<128x128xf32, #tpu.memory_space<hbm>>
      %dma_start3A_141 = arith.constant 0 : i32
      %dma_start3A_142 = arith.constant 0 : i32
      %dma_start3A_143 = tpu.memref_slice %arg6[%dma_start3A_132, %dma_start3A_141, %dma_start3A_142] : memref<4x128x128xf32, #tpu.memory_space<vmem>> -> memref<1x128x128xf32, #tpu.memory_space<vmem>>
      %dma_start3A_144 = tpu.memref_squeeze %dma_start3A_143 : memref<1x128x128xf32, #tpu.memory_space<vmem>> -> memref<128x128xf32, #tpu.memory_space<vmem>>
      tpu.enqueue_dma source(%dma_start3A_144 : memref<128x128xf32, #tpu.memory_space<vmem>>) target(%dma_start3A_140 : memref<128x128xf32, #tpu.memory_space<hbm>>) target_semaphore(%arg11 : memref<!tpu.dma_semaphore, #tpu.memory_space<semaphore_mem>>)
      %dma_wait3A_145 = arith.constant 0 : i32
      %dma_wait3A_146 = arith.constant 1 : i32
      %dma_wait3A_147 = arith.constant 0 : i32
      %dma_wait3A_148 = arith.constant 0 : i32
      %dma_wait3A_149 = tpu.memref_slice %arg6[%dma_wait3A_146, %dma_wait3A_147, %dma_wait3A_148] : memref<4x128x128xf32, #tpu.memory_space<vmem>> -> memref<1x128x128xf32, #tpu.memory_space<vmem>>
      %dma_wait3A_150 = tpu.memref_squeeze %dma_wait3A_149 : memref<1x128x128xf32, #tpu.memory_space<vmem>> -> memref<128x128xf32, #tpu.memory_space<vmem>>
      %dma_wait3A_151 = arith.constant 0 : i32
      %dma_wait3A_152 = tpu.memref_slice %arg5[%dma_wait3A_145, %dma_wait3A_151] : memref<200x128xi32, #tpu.memory_space<vmem>> -> memref<1x128xi32, #tpu.memory_space<vmem>>
      %dma_wait3A_153 = tpu.memref_squeeze %dma_wait3A_152 : memref<1x128xi32, #tpu.memory_space<vmem>> -> memref<128xi32, #tpu.memory_space<vmem>>
      %dma_wait3A_154 = arith.constant 0 : i32
      %dma_wait3A_155 = arith.constant 0 : i32
      %dma_wait3A_156 = tpu.memref_slice %arg2[%dma_wait3A_154, %dma_wait3A_155] : memref<100000x128xf32, #tpu.memory_space<hbm>> -> memref<100000x128xf32, #tpu.memory_space<hbm>>
      tpu.wait_indirect_dma semaphore(%arg8 : memref<!tpu.dma_semaphore, #tpu.memory_space<semaphore_mem>>) src(%dma_wait3A_156 : memref<100000x128xf32, #tpu.memory_space<hbm>>) dst(%dma_wait3A_150 : memref<128x128xf32, #tpu.memory_space<vmem>>)
      %scan3A_157 = arith.constant 0 : i32
      %scan3A_158 = arith.constant 0 : i32
      %scan3A_159 = arith.constant 32 : i32
      %scan3A_160 = arith.addi %scan3A_158, %scan3A_159 : i32
      %scan3A_161 = arith.constant 1 : i32
      scf.for %scan3A_261 = %scan3A_158 to %scan3A_160 step %scan3A_161  : i32 {
        %mul3A_262 = arith.constant 4 : i32
        %mul3A_263 = arith.muli %scan3A_261, %mul3A_262 : i32
        %add3A_264 = arith.constant 0 : i32
        %add3A_265 = arith.addi %mul3A_263, %add3A_264 : i32
        %get3A = arith.constant 1 : i32
        %get3A_266 = arith.index_cast %get3A : i32 to index
        %get3A_267 = arith.index_cast %add3A_265 : i32 to index
        %get3A_268 = arith.constant 0 : index
        %get3A_269 = tpu.vector_load %arg6[%get3A_266, %get3A_267, %get3A_268] {strides = array<i32>} : memref<4x128x128xf32, #tpu.memory_space<vmem>>, vector<1x1x16xf32>,
        %get3A_270 = vector.shape_cast %get3A_269 : vector<1x1x16xf32> to vector<16xf32>
        %mul3A_271 = arith.constant 11.3137083 : f32
        %mul3A_272 = vector.broadcast %mul3A_271 : f32 to vector<16xf32>
        %mul3A_273 = arith.mulf %get3A_270, %mul3A_272 : vector<16xf32>
        %swap3A = arith.constant 1 : i32
        %swap3A_274 = arith.index_cast %swap3A : i32 to index
        %swap3A_275 = arith.index_cast %add3A_265 : i32 to index
        %swap3A_276 = arith.constant 0 : index
        %swap3A_277 = tpu.vector_load %arg6[%swap3A_274, %swap3A_275, %swap3A_276] {strides = array<i32>} : memref<4x128x128xf32, #tpu.memory_space<vmem>>, vector<1x1x16xf32>,
        %swap3A_278 = vector.shape_cast %swap3A_277 : vector<1x1x16xf32> to vector<16xf32>
        %swap3A_279 = vector.shape_cast %mul3A_273 : vector<16xf32> to vector<1x1x16xf32>
        tpu.vector_store %arg6[%swap3A_274, %swap3A_275, %swap3A_276], %swap3A_279 {strides = array<i32>} : memref<4x128x128xf32, #tpu.memory_space<vmem>>, vector<1x1x16xf32>,
        %mul3A_280 = arith.constant 4 : i32
        %mul3A_281 = arith.muli %scan3A_261, %mul3A_280 : i32
        %add3A_282 = arith.constant 0 : i32
        %add3A_283 = arith.addi %mul3A_281, %add3A_282 : i32
        %get3A_284 = arith.constant 1 : i32
        %get3A_285 = arith.index_cast %get3A_284 : i32 to index
        %get3A_286 = arith.index_cast %add3A_283 : i32 to index
        %get3A_287 = arith.constant 16 : index
        %get3A_288 = tpu.vector_load %arg6[%get3A_285, %get3A_286, %get3A_287] {strides = array<i32>} : memref<4x128x128xf32, #tpu.memory_space<vmem>>, vector<1x1x16xf32>,
        %get3A_289 = vector.shape_cast %get3A_288 : vector<1x1x16xf32> to vector<16xf32>
        %mul3A_290 = arith.constant 11.3137083 : f32
        %mul3A_291 = vector.broadcast %mul3A_290 : f32 to vector<16xf32>
        %mul3A_292 = arith.mulf %get3A_289, %mul3A_291 : vector<16xf32>
        %swap3A_293 = arith.constant 1 : i32
        %swap3A_294 = arith.index_cast %swap3A_293 : i32 to index
        %swap3A_295 = arith.index_cast %add3A_283 : i32 to index
        %swap3A_296 = arith.constant 16 : index
        %swap3A_297 = tpu.vector_load %arg6[%swap3A_294, %swap3A_295, %swap3A_296] {strides = array<i32>} : memref<4x128x128xf32, #tpu.memory_space<vmem>>, vector<1x1x16xf32>,
        %swap3A_298 = vector.shape_cast %swap3A_297 : vector<1x1x16xf32> to vector<16xf32>
        %swap3A_299 = vector.shape_cast %mul3A_292 : vector<16xf32> to vector<1x1x16xf32>
        tpu.vector_store %arg6[%swap3A_294, %swap3A_295, %swap3A_296], %swap3A_299 {strides = array<i32>} : memref<4x128x128xf32, #tpu.memory_space<vmem>>, vector<1x1x16xf32>,
        %mul3A_300 = arith.constant 4 : i32
        %mul3A_301 = arith.muli %scan3A_261, %mul3A_300 : i32
        %add3A_302 = arith.constant 0 : i32
        %add3A_303 = arith.addi %mul3A_301, %add3A_302 : i32
        %get3A_304 = arith.constant 1 : i32
        %get3A_305 = arith.index_cast %get3A_304 : i32 to index
        %get3A_306 = arith.index_cast %add3A_303 : i32 to index
        %get3A_307 = arith.constant 32 : index
        %get3A_308 = tpu.vector_load %arg6[%get3A_305, %get3A_306, %get3A_307] {strides = array<i32>} : memref<4x128x128xf32, #tpu.memory_space<vmem>>, vector<1x1x16xf32>,
        %get3A_309 = vector.shape_cast %get3A_308 : vector<1x1x16xf32> to vector<16xf32>
        %mul3A_310 = arith.constant 11.3137083 : f32
        %mul3A_311 = vector.broadcast %mul3A_310 : f32 to vector<16xf32>
        %mul3A_312 = arith.mulf %get3A_309, %mul3A_311 : vector<16xf32>
        %swap3A_313 = arith.constant 1 : i32
        %swap3A_314 = arith.index_cast %swap3A_313 : i32 to index
        %swap3A_315 = arith.index_cast %add3A_303 : i32 to index
        %swap3A_316 = arith.constant 32 : index
        %swap3A_317 = tpu.vector_load %arg6[%swap3A_314, %swap3A_315, %swap3A_316] {strides = array<i32>} : memref<4x128x128xf32, #tpu.memory_space<vmem>>, vector<1x1x16xf32>,
        %swap3A_318 = vector.shape_cast %swap3A_317 : vector<1x1x16xf32> to vector<16xf32>
        %swap3A_319 = vector.shape_cast %mul3A_312 : vector<16xf32> to vector<1x1x16xf32>
        tpu.vector_store %arg6[%swap3A_314, %swap3A_315, %swap3A_316], %swap3A_319 {strides = array<i32>} : memref<4x128x128xf32, #tpu.memory_space<vmem>>, vector<1x1x16xf32>,
        %mul3A_320 = arith.constant 4 : i32
        %mul3A_321 = arith.muli %scan3A_261, %mul3A_320 : i32
        %add3A_322 = arith.constant 0 : i32
        %add3A_323 = arith.addi %mul3A_321, %add3A_322 : i32
        %get3A_324 = arith.constant 1 : i32
        %get3A_325 = arith.index_cast %get3A_324 : i32 to index
        %get3A_326 = arith.index_cast %add3A_323 : i32 to index
        %get3A_327 = arith.constant 48 : index
        %get3A_328 = tpu.vector_load %arg6[%get3A_325, %get3A_326, %get3A_327] {strides = array<i32>} : memref<4x128x128xf32, #tpu.memory_space<vmem>>, vector<1x1x16xf32>,
        %get3A_329 = vector.shape_cast %get3A_328 : vector<1x1x16xf32> to vector<16xf32>
        %mul3A_330 = arith.constant 11.3137083 : f32
        %mul3A_331 = vector.broadcast %mul3A_330 : f32 to vector<16xf32>
        %mul3A_332 = arith.mulf %get3A_329, %mul3A_331 : vector<16xf32>
        %swap3A_333 = arith.constant 1 : i32
        %swap3A_334 = arith.index_cast %swap3A_333 : i32 to index
        %swap3A_335 = arith.index_cast %add3A_323 : i32 to index
        %swap3A_336 = arith.constant 48 : index
        %swap3A_337 = tpu.vector_load %arg6[%swap3A_334, %swap3A_335, %swap3A_336] {strides = array<i32>} : memref<4x128x128xf32, #tpu.memory_space<vmem>>, vector<1x1x16xf32>,
        %swap3A_338 = vector.shape_cast %swap3A_337 : vector<1x1x16xf32> to vector<16xf32>
        %swap3A_339 = vector.shape_cast %mul3A_332 : vector<16xf32> to vector<1x1x16xf32>
        tpu.vector_store %arg6[%swap3A_334, %swap3A_335, %swap3A_336], %swap3A_339 {strides = array<i32>} : memref<4x128x128xf32, #tpu.memory_space<vmem>>, vector<1x1x16xf32>,
        %mul3A_340 = arith.constant 4 : i32
        %mul3A_341 = arith.muli %scan3A_261, %mul3A_340 : i32
        %add3A_342 = arith.constant 0 : i32
        %add3A_343 = arith.addi %mul3A_341, %add3A_342 : i32
        %get3A_344 = arith.constant 1 : i32
        %get3A_345 = arith.index_cast %get3A_344 : i32 to index
        %get3A_346 = arith.index_cast %add3A_343 : i32 to index
        %get3A_347 = arith.constant 64 : index
        %get3A_348 = tpu.vector_load %arg6[%get3A_345, %get3A_346, %get3A_347] {strides = array<i32>} : memref<4x128x128xf32, #tpu.memory_space<vmem>>, vector<1x1x16xf32>,
        %get3A_349 = vector.shape_cast %get3A_348 : vector<1x1x16xf32> to vector<16xf32>
        %mul3A_350 = arith.constant 11.3137083 : f32
        %mul3A_351 = vector.broadcast %mul3A_350 : f32 to vector<16xf32>
        %mul3A_352 = arith.mulf %get3A_349, %mul3A_351 : vector<16xf32>
        %swap3A_353 = arith.constant 1 : i32
        %swap3A_354 = arith.index_cast %swap3A_353 : i32 to index
        %swap3A_355 = arith.index_cast %add3A_343 : i32 to index
        %swap3A_356 = arith.constant 64 : index
        %swap3A_357 = tpu.vector_load %arg6[%swap3A_354, %swap3A_355, %swap3A_356] {strides = array<i32>} : memref<4x128x128xf32, #tpu.memory_space<vmem>>, vector<1x1x16xf32>,
        %swap3A_358 = vector.shape_cast %swap3A_357 : vector<1x1x16xf32> to vector<16xf32>
        %swap3A_359 = vector.shape_cast %mul3A_352 : vector<16xf32> to vector<1x1x16xf32>
        tpu.vector_store %arg6[%swap3A_354, %swap3A_355, %swap3A_356], %swap3A_359 {strides = array<i32>} : memref<4x128x128xf32, #tpu.memory_space<vmem>>, vector<1x1x16xf32>,
        %mul3A_360 = arith.constant 4 : i32
        %mul3A_361 = arith.muli %scan3A_261, %mul3A_360 : i32
        %add3A_362 = arith.constant 0 : i32
        %add3A_363 = arith.addi %mul3A_361, %add3A_362 : i32
        %get3A_364 = arith.constant 1 : i32
        %get3A_365 = arith.index_cast %get3A_364 : i32 to index
        %get3A_366 = arith.index_cast %add3A_363 : i32 to index
        %get3A_367 = arith.constant 80 : index
        %get3A_368 = tpu.vector_load %arg6[%get3A_365, %get3A_366, %get3A_367] {strides = array<i32>} : memref<4x128x128xf32, #tpu.memory_space<vmem>>, vector<1x1x16xf32>,
        %get3A_369 = vector.shape_cast %get3A_368 : vector<1x1x16xf32> to vector<16xf32>
        %mul3A_370 = arith.constant 11.3137083 : f32
        %mul3A_371 = vector.broadcast %mul3A_370 : f32 to vector<16xf32>
        %mul3A_372 = arith.mulf %get3A_369, %mul3A_371 : vector<16xf32>
        %swap3A_373 = arith.constant 1 : i32
        %swap3A_374 = arith.index_cast %swap3A_373 : i32 to index
        %swap3A_375 = arith.index_cast %add3A_363 : i32 to index
        %swap3A_376 = arith.constant 80 : index
        %swap3A_377 = tpu.vector_load %arg6[%swap3A_374, %swap3A_375, %swap3A_376] {strides = array<i32>} : memref<4x128x128xf32, #tpu.memory_space<vmem>>, vector<1x1x16xf32>,
        %swap3A_378 = vector.shape_cast %swap3A_377 : vector<1x1x16xf32> to vector<16xf32>
        %swap3A_379 = vector.shape_cast %mul3A_372 : vector<16xf32> to vector<1x1x16xf32>
        tpu.vector_store %arg6[%swap3A_374, %swap3A_375, %swap3A_376], %swap3A_379 {strides = array<i32>} : memref<4x128x128xf32, #tpu.memory_space<vmem>>, vector<1x1x16xf32>,
        %mul3A_380 = arith.constant 4 : i32
        %mul3A_381 = arith.muli %scan3A_261, %mul3A_380 : i32
        %add3A_382 = arith.constant 0 : i32
        %add3A_383 = arith.addi %mul3A_381, %add3A_382 : i32
        %get3A_384 = arith.constant 1 : i32
        %get3A_385 = arith.index_cast %get3A_384 : i32 to index
        %get3A_386 = arith.index_cast %add3A_383 : i32 to index
        %get3A_387 = arith.constant 96 : index
        %get3A_388 = tpu.vector_load %arg6[%get3A_385, %get3A_386, %get3A_387] {strides = array<i32>} : memref<4x128x128xf32, #tpu.memory_space<vmem>>, vector<1x1x16xf32>,
        %get3A_389 = vector.shape_cast %get3A_388 : vector<1x1x16xf32> to vector<16xf32>
        %mul3A_390 = arith.constant 11.3137083 : f32
        %mul3A_391 = vector.broadcast %mul3A_390 : f32 to vector<16xf32>
        %mul3A_392 = arith.mulf %get3A_389, %mul3A_391 : vector<16xf32>
        %swap3A_393 = arith.constant 1 : i32
        %swap3A_394 = arith.index_cast %swap3A_393 : i32 to index
        %swap3A_395 = arith.index_cast %add3A_383 : i32 to index
        %swap3A_396 = arith.constant 96 : index
        %swap3A_397 = tpu.vector_load %arg6[%swap3A_394, %swap3A_395, %swap3A_396] {strides = array<i32>} : memref<4x128x128xf32, #tpu.memory_space<vmem>>, vector<1x1x16xf32>,
        %swap3A_398 = vector.shape_cast %swap3A_397 : vector<1x1x16xf32> to vector<16xf32>
        %swap3A_399 = vector.shape_cast %mul3A_392 : vector<16xf32> to vector<1x1x16xf32>
        tpu.vector_store %arg6[%swap3A_394, %swap3A_395, %swap3A_396], %swap3A_399 {strides = array<i32>} : memref<4x128x128xf32, #tpu.memory_space<vmem>>, vector<1x1x16xf32>,
        %mul3A_400 = arith.constant 4 : i32
        %mul3A_401 = arith.muli %scan3A_261, %mul3A_400 : i32
        %add3A_402 = arith.constant 0 : i32
        %add3A_403 = arith.addi %mul3A_401, %add3A_402 : i32
        %get3A_404 = arith.constant 1 : i32
        %get3A_405 = arith.index_cast %get3A_404 : i32 to index
        %get3A_406 = arith.index_cast %add3A_403 : i32 to index
        %get3A_407 = arith.constant 112 : index
        %get3A_408 = tpu.vector_load %arg6[%get3A_405, %get3A_406, %get3A_407] {strides = array<i32>} : memref<4x128x128xf32, #tpu.memory_space<vmem>>, vector<1x1x16xf32>,
        %get3A_409 = vector.shape_cast %get3A_408 : vector<1x1x16xf32> to vector<16xf32>
        %mul3A_410 = arith.constant 11.3137083 : f32
        %mul3A_411 = vector.broadcast %mul3A_410 : f32 to vector<16xf32>
        %mul3A_412 = arith.mulf %get3A_409, %mul3A_411 : vector<16xf32>
        %swap3A_413 = arith.constant 1 : i32
        %swap3A_414 = arith.index_cast %swap3A_413 : i32 to index
        %swap3A_415 = arith.index_cast %add3A_403 : i32 to index
        %swap3A_416 = arith.constant 112 : index
        %swap3A_417 = tpu.vector_load %arg6[%swap3A_414, %swap3A_415, %swap3A_416] {strides = array<i32>} : memref<4x128x128xf32, #tpu.memory_space<vmem>>, vector<1x1x16xf32>,
        %swap3A_418 = vector.shape_cast %swap3A_417 : vector<1x1x16xf32> to vector<16xf32>
        %swap3A_419 = vector.shape_cast %mul3A_412 : vector<16xf32> to vector<1x1x16xf32>
        tpu.vector_store %arg6[%swap3A_414, %swap3A_415, %swap3A_416], %swap3A_419 {strides = array<i32>} : memref<4x128x128xf32, #tpu.memory_space<vmem>>, vector<1x1x16xf32>,
        %mul3A_420 = arith.constant 4 : i32
        %mul3A_421 = arith.muli %scan3A_261, %mul3A_420 : i32
        %add3A_422 = arith.constant 1 : i32
        %add3A_423 = arith.addi %mul3A_421, %add3A_422 : i32
        %get3A_424 = arith.constant 1 : i32
        %get3A_425 = arith.index_cast %get3A_424 : i32 to index
        %get3A_426 = arith.index_cast %add3A_423 : i32 to index
        %get3A_427 = arith.constant 0 : index
        %get3A_428 = tpu.vector_load %arg6[%get3A_425, %get3A_426, %get3A_427] {strides = array<i32>} : memref<4x128x128xf32, #tpu.memory_space<vmem>>, vector<1x1x16xf32>,
        %get3A_429 = vector.shape_cast %get3A_428 : vector<1x1x16xf32> to vector<16xf32>
        %mul3A_430 = arith.constant 11.3137083 : f32
        %mul3A_431 = vector.broadcast %mul3A_430 : f32 to vector<16xf32>
        %mul3A_432 = arith.mulf %get3A_429, %mul3A_431 : vector<16xf32>
        %swap3A_433 = arith.constant 1 : i32
        %swap3A_434 = arith.index_cast %swap3A_433 : i32 to index
        %swap3A_435 = arith.index_cast %add3A_423 : i32 to index
        %swap3A_436 = arith.constant 0 : index
        %swap3A_437 = tpu.vector_load %arg6[%swap3A_434, %swap3A_435, %swap3A_436] {strides = array<i32>} : memref<4x128x128xf32, #tpu.memory_space<vmem>>, vector<1x1x16xf32>,
        %swap3A_438 = vector.shape_cast %swap3A_437 : vector<1x1x16xf32> to vector<16xf32>
        %swap3A_439 = vector.shape_cast %mul3A_432 : vector<16xf32> to vector<1x1x16xf32>
        tpu.vector_store %arg6[%swap3A_434, %swap3A_435, %swap3A_436], %swap3A_439 {strides = array<i32>} : memref<4x128x128xf32, #tpu.memory_space<vmem>>, vector<1x1x16xf32>,
        %mul3A_440 = arith.constant 4 : i32
        %mul3A_441 = arith.muli %scan3A_261, %mul3A_440 : i32
        %add3A_442 = arith.constant 1 : i32
        %add3A_443 = arith.addi %mul3A_441, %add3A_442 : i32
        %get3A_444 = arith.constant 1 : i32
        %get3A_445 = arith.index_cast %get3A_444 : i32 to index
        %get3A_446 = arith.index_cast %add3A_443 : i32 to index
        %get3A_447 = arith.constant 16 : index
        %get3A_448 = tpu.vector_load %arg6[%get3A_445, %get3A_446, %get3A_447] {strides = array<i32>} : memref<4x128x128xf32, #tpu.memory_space<vmem>>, vector<1x1x16xf32>,
        %get3A_449 = vector.shape_cast %get3A_448 : vector<1x1x16xf32> to vector<16xf32>
        %mul3A_450 = arith.constant 11.3137083 : f32
        %mul3A_451 = vector.broadcast %mul3A_450 : f32 to vector<16xf32>
        %mul3A_452 = arith.mulf %get3A_449, %mul3A_451 : vector<16xf32>
        %swap3A_453 = arith.constant 1 : i32
        %swap3A_454 = arith.index_cast %swap3A_453 : i32 to index
        %swap3A_455 = arith.index_cast %add3A_443 : i32 to index
        %swap3A_456 = arith.constant 16 : index
        %swap3A_457 = tpu.vector_load %arg6[%swap3A_454, %swap3A_455, %swap3A_456] {strides = array<i32>} : memref<4x128x128xf32, #tpu.memory_space<vmem>>, vector<1x1x16xf32>,
        %swap3A_458 = vector.shape_cast %swap3A_457 : vector<1x1x16xf32> to vector<16xf32>
        %swap3A_459 = vector.shape_cast %mul3A_452 : vector<16xf32> to vector<1x1x16xf32>
        tpu.vector_store %arg6[%swap3A_454, %swap3A_455, %swap3A_456], %swap3A_459 {strides = array<i32>} : memref<4x128x128xf32, #tpu.memory_space<vmem>>, vector<1x1x16xf32>,
        %mul3A_460 = arith.constant 4 : i32
        %mul3A_461 = arith.muli %scan3A_261, %mul3A_460 : i32
        %add3A_462 = arith.constant 1 : i32
        %add3A_463 = arith.addi %mul3A_461, %add3A_462 : i32
        %get3A_464 = arith.constant 1 : i32
        %get3A_465 = arith.index_cast %get3A_464 : i32 to index
        %get3A_466 = arith.index_cast %add3A_463 : i32 to index
        %get3A_467 = arith.constant 32 : index
        %get3A_468 = tpu.vector_load %arg6[%get3A_465, %get3A_466, %get3A_467] {strides = array<i32>} : memref<4x128x128xf32, #tpu.memory_space<vmem>>, vector<1x1x16xf32>,
        %get3A_469 = vector.shape_cast %get3A_468 : vector<1x1x16xf32> to vector<16xf32>
        %mul3A_470 = arith.constant 11.3137083 : f32
        %mul3A_471 = vector.broadcast %mul3A_470 : f32 to vector<16xf32>
        %mul3A_472 = arith.mulf %get3A_469, %mul3A_471 : vector<16xf32>
        %swap3A_473 = arith.constant 1 : i32
        %swap3A_474 = arith.index_cast %swap3A_473 : i32 to index
        %swap3A_475 = arith.index_cast %add3A_463 : i32 to index
        %swap3A_476 = arith.constant 32 : index
        %swap3A_477 = tpu.vector_load %arg6[%swap3A_474, %swap3A_475, %swap3A_476] {strides = array<i32>} : memref<4x128x128xf32, #tpu.memory_space<vmem>>, vector<1x1x16xf32>,
        %swap3A_478 = vector.shape_cast %swap3A_477 : vector<1x1x16xf32> to vector<16xf32>
        %swap3A_479 = vector.shape_cast %mul3A_472 : vector<16xf32> to vector<1x1x16xf32>
        tpu.vector_store %arg6[%swap3A_474, %swap3A_475, %swap3A_476], %swap3A_479 {strides = array<i32>} : memref<4x128x128xf32, #tpu.memory_space<vmem>>, vector<1x1x16xf32>,
        %mul3A_480 = arith.constant 4 : i32
        %mul3A_481 = arith.muli %scan3A_261, %mul3A_480 : i32
        %add3A_482 = arith.constant 1 : i32
        %add3A_483 = arith.addi %mul3A_481, %add3A_482 : i32
        %get3A_484 = arith.constant 1 : i32
        %get3A_485 = arith.index_cast %get3A_484 : i32 to index
        %get3A_486 = arith.index_cast %add3A_483 : i32 to index
        %get3A_487 = arith.constant 48 : index
        %get3A_488 = tpu.vector_load %arg6[%get3A_485, %get3A_486, %get3A_487] {strides = array<i32>} : memref<4x128x128xf32, #tpu.memory_space<vmem>>, vector<1x1x16xf32>,
        %get3A_489 = vector.shape_cast %get3A_488 : vector<1x1x16xf32> to vector<16xf32>
        %mul3A_490 = arith.constant 11.3137083 : f32
        %mul3A_491 = vector.broadcast %mul3A_490 : f32 to vector<16xf32>
        %mul3A_492 = arith.mulf %get3A_489, %mul3A_491 : vector<16xf32>
        %swap3A_493 = arith.constant 1 : i32
        %swap3A_494 = arith.index_cast %swap3A_493 : i32 to index
        %swap3A_495 = arith.index_cast %add3A_483 : i32 to index
        %swap3A_496 = arith.constant 48 : index
        %swap3A_497 = tpu.vector_load %arg6[%swap3A_494, %swap3A_495, %swap3A_496] {strides = array<i32>} : memref<4x128x128xf32, #tpu.memory_space<vmem>>, vector<1x1x16xf32>,
        %swap3A_498 = vector.shape_cast %swap3A_497 : vector<1x1x16xf32> to vector<16xf32>
        %swap3A_499 = vector.shape_cast %mul3A_492 : vector<16xf32> to vector<1x1x16xf32>
        tpu.vector_store %arg6[%swap3A_494, %swap3A_495, %swap3A_496], %swap3A_499 {strides = array<i32>} : memref<4x128x128xf32, #tpu.memory_space<vmem>>, vector<1x1x16xf32>,
        %mul3A_500 = arith.constant 4 : i32
        %mul3A_501 = arith.muli %scan3A_261, %mul3A_500 : i32
        %add3A_502 = arith.constant 1 : i32
        %add3A_503 = arith.addi %mul3A_501, %add3A_502 : i32
        %get3A_504 = arith.constant 1 : i32
        %get3A_505 = arith.index_cast %get3A_504 : i32 to index
        %get3A_506 = arith.index_cast %add3A_503 : i32 to index
        %get3A_507 = arith.constant 64 : index
        %get3A_508 = tpu.vector_load %arg6[%get3A_505, %get3A_506, %get3A_507] {strides = array<i32>} : memref<4x128x128xf32, #tpu.memory_space<vmem>>, vector<1x1x16xf32>,
        %get3A_509 = vector.shape_cast %get3A_508 : vector<1x1x16xf32> to vector<16xf32>
        %mul3A_510 = arith.constant 11.3137083 : f32
        %mul3A_511 = vector.broadcast %mul3A_510 : f32 to vector<16xf32>
        %mul3A_512 = arith.mulf %get3A_509, %mul3A_511 : vector<16xf32>
        %swap3A_513 = arith.constant 1 : i32
        %swap3A_514 = arith.index_cast %swap3A_513 : i32 to index
        %swap3A_515 = arith.index_cast %add3A_503 : i32 to index
        %swap3A_516 = arith.constant 64 : index
        %swap3A_517 = tpu.vector_load %arg6[%swap3A_514, %swap3A_515, %swap3A_516] {strides = array<i32>} : memref<4x128x128xf32, #tpu.memory_space<vmem>>, vector<1x1x16xf32>,
        %swap3A_518 = vector.shape_cast %swap3A_517 : vector<1x1x16xf32> to vector<16xf32>
        %swap3A_519 = vector.shape_cast %mul3A_512 : vector<16xf32> to vector<1x1x16xf32>
        tpu.vector_store %arg6[%swap3A_514, %swap3A_515, %swap3A_516], %swap3A_519 {strides = array<i32>} : memref<4x128x128xf32, #tpu.memory_space<vmem>>, vector<1x1x16xf32>,
        %mul3A_520 = arith.constant 4 : i32
        %mul3A_521 = arith.muli %scan3A_261, %mul3A_520 : i32
        %add3A_522 = arith.constant 1 : i32
        %add3A_523 = arith.addi %mul3A_521, %add3A_522 : i32
        %get3A_524 = arith.constant 1 : i32
        %get3A_525 = arith.index_cast %get3A_524 : i32 to index
        %get3A_526 = arith.index_cast %add3A_523 : i32 to index
        %get3A_527 = arith.constant 80 : index
        %get3A_528 = tpu.vector_load %arg6[%get3A_525, %get3A_526, %get3A_527] {strides = array<i32>} : memref<4x128x128xf32, #tpu.memory_space<vmem>>, vector<1x1x16xf32>,
        %get3A_529 = vector.shape_cast %get3A_528 : vector<1x1x16xf32> to vector<16xf32>
        %mul3A_530 = arith.constant 11.3137083 : f32
        %mul3A_531 = vector.broadcast %mul3A_530 : f32 to vector<16xf32>
        %mul3A_532 = arith.mulf %get3A_529, %mul3A_531 : vector<16xf32>
        %swap3A_533 = arith.constant 1 : i32
        %swap3A_534 = arith.index_cast %swap3A_533 : i32 to index
        %swap3A_535 = arith.index_cast %add3A_523 : i32 to index
        %swap3A_536 = arith.constant 80 : index
        %swap3A_537 = tpu.vector_load %arg6[%swap3A_534, %swap3A_535, %swap3A_536] {strides = array<i32>} : memref<4x128x128xf32, #tpu.memory_space<vmem>>, vector<1x1x16xf32>,
        %swap3A_538 = vector.shape_cast %swap3A_537 : vector<1x1x16xf32> to vector<16xf32>
        %swap3A_539 = vector.shape_cast %mul3A_532 : vector<16xf32> to vector<1x1x16xf32>
        tpu.vector_store %arg6[%swap3A_534, %swap3A_535, %swap3A_536], %swap3A_539 {strides = array<i32>} : memref<4x128x128xf32, #tpu.memory_space<vmem>>, vector<1x1x16xf32>,
        %mul3A_540 = arith.constant 4 : i32
        %mul3A_541 = arith.muli %scan3A_261, %mul3A_540 : i32
        %add3A_542 = arith.constant 1 : i32
        %add3A_543 = arith.addi %mul3A_541, %add3A_542 : i32
        %get3A_544 = arith.constant 1 : i32
        %get3A_545 = arith.index_cast %get3A_544 : i32 to index
        %get3A_546 = arith.index_cast %add3A_543 : i32 to index
        %get3A_547 = arith.constant 96 : index
        %get3A_548 = tpu.vector_load %arg6[%get3A_545, %get3A_546, %get3A_547] {strides = array<i32>} : memref<4x128x128xf32, #tpu.memory_space<vmem>>, vector<1x1x16xf32>,
        %get3A_549 = vector.shape_cast %get3A_548 : vector<1x1x16xf32> to vector<16xf32>
        %mul3A_550 = arith.constant 11.3137083 : f32
        %mul3A_551 = vector.broadcast %mul3A_550 : f32 to vector<16xf32>
        %mul3A_552 = arith.mulf %get3A_549, %mul3A_551 : vector<16xf32>
        %swap3A_553 = arith.constant 1 : i32
        %swap3A_554 = arith.index_cast %swap3A_553 : i32 to index
        %swap3A_555 = arith.index_cast %add3A_543 : i32 to index
        %swap3A_556 = arith.constant 96 : index
        %swap3A_557 = tpu.vector_load %arg6[%swap3A_554, %swap3A_555, %swap3A_556] {strides = array<i32>} : memref<4x128x128xf32, #tpu.memory_space<vmem>>, vector<1x1x16xf32>,
        %swap3A_558 = vector.shape_cast %swap3A_557 : vector<1x1x16xf32> to vector<16xf32>
        %swap3A_559 = vector.shape_cast %mul3A_552 : vector<16xf32> to vector<1x1x16xf32>
        tpu.vector_store %arg6[%swap3A_554, %swap3A_555, %swap3A_556], %swap3A_559 {strides = array<i32>} : memref<4x128x128xf32, #tpu.memory_space<vmem>>, vector<1x1x16xf32>,
        %mul3A_560 = arith.constant 4 : i32
        %mul3A_561 = arith.muli %scan3A_261, %mul3A_560 : i32
        %add3A_562 = arith.constant 1 : i32
        %add3A_563 = arith.addi %mul3A_561, %add3A_562 : i32
        %get3A_564 = arith.constant 1 : i32
        %get3A_565 = arith.index_cast %get3A_564 : i32 to index
        %get3A_566 = arith.index_cast %add3A_563 : i32 to index
        %get3A_567 = arith.constant 112 : index
        %get3A_568 = tpu.vector_load %arg6[%get3A_565, %get3A_566, %get3A_567] {strides = array<i32>} : memref<4x128x128xf32, #tpu.memory_space<vmem>>, vector<1x1x16xf32>,
        %get3A_569 = vector.shape_cast %get3A_568 : vector<1x1x16xf32> to vector<16xf32>
        %mul3A_570 = arith.constant 11.3137083 : f32
        %mul3A_571 = vector.broadcast %mul3A_570 : f32 to vector<16xf32>
        %mul3A_572 = arith.mulf %get3A_569, %mul3A_571 : vector<16xf32>
        %swap3A_573 = arith.constant 1 : i32
        %swap3A_574 = arith.index_cast %swap3A_573 : i32 to index
        %swap3A_575 = arith.index_cast %add3A_563 : i32 to index
        %swap3A_576 = arith.constant 112 : index
        %swap3A_577 = tpu.vector_load %arg6[%swap3A_574, %swap3A_575, %swap3A_576] {strides = array<i32>} : memref<4x128x128xf32, #tpu.memory_space<vmem>>, vector<1x1x16xf32>,
        %swap3A_578 = vector.shape_cast %swap3A_577 : vector<1x1x16xf32> to vector<16xf32>
        %swap3A_579 = vector.shape_cast %mul3A_572 : vector<16xf32> to vector<1x1x16xf32>
        tpu.vector_store %arg6[%swap3A_574, %swap3A_575, %swap3A_576], %swap3A_579 {strides = array<i32>} : memref<4x128x128xf32, #tpu.memory_space<vmem>>, vector<1x1x16xf32>,
        %mul3A_580 = arith.constant 4 : i32
        %mul3A_581 = arith.muli %scan3A_261, %mul3A_580 : i32
        %add3A_582 = arith.constant 2 : i32
        %add3A_583 = arith.addi %mul3A_581, %add3A_582 : i32
        %get3A_584 = arith.constant 1 : i32
        %get3A_585 = arith.index_cast %get3A_584 : i32 to index
        %get3A_586 = arith.index_cast %add3A_583 : i32 to index
        %get3A_587 = arith.constant 0 : index
        %get3A_588 = tpu.vector_load %arg6[%get3A_585, %get3A_586, %get3A_587] {strides = array<i32>} : memref<4x128x128xf32, #tpu.memory_space<vmem>>, vector<1x1x16xf32>,
        %get3A_589 = vector.shape_cast %get3A_588 : vector<1x1x16xf32> to vector<16xf32>
        %mul3A_590 = arith.constant 11.3137083 : f32
        %mul3A_591 = vector.broadcast %mul3A_590 : f32 to vector<16xf32>
        %mul3A_592 = arith.mulf %get3A_589, %mul3A_591 : vector<16xf32>
        %swap3A_593 = arith.constant 1 : i32
        %swap3A_594 = arith.index_cast %swap3A_593 : i32 to index
        %swap3A_595 = arith.index_cast %add3A_583 : i32 to index
        %swap3A_596 = arith.constant 0 : index
        %swap3A_597 = tpu.vector_load %arg6[%swap3A_594, %swap3A_595, %swap3A_596] {strides = array<i32>} : memref<4x128x128xf32, #tpu.memory_space<vmem>>, vector<1x1x16xf32>,
        %swap3A_598 = vector.shape_cast %swap3A_597 : vector<1x1x16xf32> to vector<16xf32>
        %swap3A_599 = vector.shape_cast %mul3A_592 : vector<16xf32> to vector<1x1x16xf32>
        tpu.vector_store %arg6[%swap3A_594, %swap3A_595, %swap3A_596], %swap3A_599 {strides = array<i32>} : memref<4x128x128xf32, #tpu.memory_space<vmem>>, vector<1x1x16xf32>,
        %mul3A_600 = arith.constant 4 : i32
        %mul3A_601 = arith.muli %scan3A_261, %mul3A_600 : i32
        %add3A_602 = arith.constant 2 : i32
        %add3A_603 = arith.addi %mul3A_601, %add3A_602 : i32
        %get3A_604 = arith.constant 1 : i32
        %get3A_605 = arith.index_cast %get3A_604 : i32 to index
        %get3A_606 = arith.index_cast %add3A_603 : i32 to index
        %get3A_607 = arith.constant 16 : index
        %get3A_608 = tpu.vector_load %arg6[%get3A_605, %get3A_606, %get3A_607] {strides = array<i32>} : memref<4x128x128xf32, #tpu.memory_space<vmem>>, vector<1x1x16xf32>,
        %get3A_609 = vector.shape_cast %get3A_608 : vector<1x1x16xf32> to vector<16xf32>
        %mul3A_610 = arith.constant 11.3137083 : f32
        %mul3A_611 = vector.broadcast %mul3A_610 : f32 to vector<16xf32>
        %mul3A_612 = arith.mulf %get3A_609, %mul3A_611 : vector<16xf32>
        %swap3A_613 = arith.constant 1 : i32
        %swap3A_614 = arith.index_cast %swap3A_613 : i32 to index
        %swap3A_615 = arith.index_cast %add3A_603 : i32 to index
        %swap3A_616 = arith.constant 16 : index
        %swap3A_617 = tpu.vector_load %arg6[%swap3A_614, %swap3A_615, %swap3A_616] {strides = array<i32>} : memref<4x128x128xf32, #tpu.memory_space<vmem>>, vector<1x1x16xf32>,
        %swap3A_618 = vector.shape_cast %swap3A_617 : vector<1x1x16xf32> to vector<16xf32>
        %swap3A_619 = vector.shape_cast %mul3A_612 : vector<16xf32> to vector<1x1x16xf32>
        tpu.vector_store %arg6[%swap3A_614, %swap3A_615, %swap3A_616], %swap3A_619 {strides = array<i32>} : memref<4x128x128xf32, #tpu.memory_space<vmem>>, vector<1x1x16xf32>,
        %mul3A_620 = arith.constant 4 : i32
        %mul3A_621 = arith.muli %scan3A_261, %mul3A_620 : i32
        %add3A_622 = arith.constant 2 : i32
        %add3A_623 = arith.addi %mul3A_621, %add3A_622 : i32
        %get3A_624 = arith.constant 1 : i32
        %get3A_625 = arith.index_cast %get3A_624 : i32 to index
        %get3A_626 = arith.index_cast %add3A_623 : i32 to index
        %get3A_627 = arith.constant 32 : index
        %get3A_628 = tpu.vector_load %arg6[%get3A_625, %get3A_626, %get3A_627] {strides = array<i32>} : memref<4x128x128xf32, #tpu.memory_space<vmem>>, vector<1x1x16xf32>,
        %get3A_629 = vector.shape_cast %get3A_628 : vector<1x1x16xf32> to vector<16xf32>
        %mul3A_630 = arith.constant 11.3137083 : f32
        %mul3A_631 = vector.broadcast %mul3A_630 : f32 to vector<16xf32>
        %mul3A_632 = arith.mulf %get3A_629, %mul3A_631 : vector<16xf32>
        %swap3A_633 = arith.constant 1 : i32
        %swap3A_634 = arith.index_cast %swap3A_633 : i32 to index
        %swap3A_635 = arith.index_cast %add3A_623 : i32 to index
        %swap3A_636 = arith.constant 32 : index
        %swap3A_637 = tpu.vector_load %arg6[%swap3A_634, %swap3A_635, %swap3A_636] {strides = array<i32>} : memref<4x128x128xf32, #tpu.memory_space<vmem>>, vector<1x1x16xf32>,
        %swap3A_638 = vector.shape_cast %swap3A_637 : vector<1x1x16xf32> to vector<16xf32>
        %swap3A_639 = vector.shape_cast %mul3A_632 : vector<16xf32> to vector<1x1x16xf32>
        tpu.vector_store %arg6[%swap3A_634, %swap3A_635, %swap3A_636], %swap3A_639 {strides = array<i32>} : memref<4x128x128xf32, #tpu.memory_space<vmem>>, vector<1x1x16xf32>,
        %mul3A_640 = arith.constant 4 : i32
        %mul3A_641 = arith.muli %scan3A_261, %mul3A_640 : i32
        %add3A_642 = arith.constant 2 : i32
        %add3A_643 = arith.addi %mul3A_641, %add3A_642 : i32
        %get3A_644 = arith.constant 1 : i32
        %get3A_645 = arith.index_cast %get3A_644 : i32 to index
        %get3A_646 = arith.index_cast %add3A_643 : i32 to index
        %get3A_647 = arith.constant 48 : index
        %get3A_648 = tpu.vector_load %arg6[%get3A_645, %get3A_646, %get3A_647] {strides = array<i32>} : memref<4x128x128xf32, #tpu.memory_space<vmem>>, vector<1x1x16xf32>,
        %get3A_649 = vector.shape_cast %get3A_648 : vector<1x1x16xf32> to vector<16xf32>
        %mul3A_650 = arith.constant 11.3137083 : f32
        %mul3A_651 = vector.broadcast %mul3A_650 : f32 to vector<16xf32>
        %mul3A_652 = arith.mulf %get3A_649, %mul3A_651 : vector<16xf32>
        %swap3A_653 = arith.constant 1 : i32
        %swap3A_654 = arith.index_cast %swap3A_653 : i32 to index
        %swap3A_655 = arith.index_cast %add3A_643 : i32 to index
        %swap3A_656 = arith.constant 48 : index
        %swap3A_657 = tpu.vector_load %arg6[%swap3A_654, %swap3A_655, %swap3A_656] {strides = array<i32>} : memref<4x128x128xf32, #tpu.memory_space<vmem>>, vector<1x1x16xf32>,
        %swap3A_658 = vector.shape_cast %swap3A_657 : vector<1x1x16xf32> to vector<16xf32>
        %swap3A_659 = vector.shape_cast %mul3A_652 : vector<16xf32> to vector<1x1x16xf32>
        tpu.vector_store %arg6[%swap3A_654, %swap3A_655, %swap3A_656], %swap3A_659 {strides = array<i32>} : memref<4x128x128xf32, #tpu.memory_space<vmem>>, vector<1x1x16xf32>,
        %mul3A_660 = arith.constant 4 : i32
        %mul3A_661 = arith.muli %scan3A_261, %mul3A_660 : i32
        %add3A_662 = arith.constant 2 : i32
        %add3A_663 = arith.addi %mul3A_661, %add3A_662 : i32
        %get3A_664 = arith.constant 1 : i32
        %get3A_665 = arith.index_cast %get3A_664 : i32 to index
        %get3A_666 = arith.index_cast %add3A_663 : i32 to index
        %get3A_667 = arith.constant 64 : index
        %get3A_668 = tpu.vector_load %arg6[%get3A_665, %get3A_666, %get3A_667] {strides = array<i32>} : memref<4x128x128xf32, #tpu.memory_space<vmem>>, vector<1x1x16xf32>,
        %get3A_669 = vector.shape_cast %get3A_668 : vector<1x1x16xf32> to vector<16xf32>
        %mul3A_670 = arith.constant 11.3137083 : f32
        %mul3A_671 = vector.broadcast %mul3A_670 : f32 to vector<16xf32>
        %mul3A_672 = arith.mulf %get3A_669, %mul3A_671 : vector<16xf32>
        %swap3A_673 = arith.constant 1 : i32
        %swap3A_674 = arith.index_cast %swap3A_673 : i32 to index
        %swap3A_675 = arith.index_cast %add3A_663 : i32 to index
        %swap3A_676 = arith.constant 64 : index
        %swap3A_677 = tpu.vector_load %arg6[%swap3A_674, %swap3A_675, %swap3A_676] {strides = array<i32>} : memref<4x128x128xf32, #tpu.memory_space<vmem>>, vector<1x1x16xf32>,
        %swap3A_678 = vector.shape_cast %swap3A_677 : vector<1x1x16xf32> to vector<16xf32>
        %swap3A_679 = vector.shape_cast %mul3A_672 : vector<16xf32> to vector<1x1x16xf32>
        tpu.vector_store %arg6[%swap3A_674, %swap3A_675, %swap3A_676], %swap3A_679 {strides = array<i32>} : memref<4x128x128xf32, #tpu.memory_space<vmem>>, vector<1x1x16xf32>,
        %mul3A_680 = arith.constant 4 : i32
        %mul3A_681 = arith.muli %scan3A_261, %mul3A_680 : i32
        %add3A_682 = arith.constant 2 : i32
        %add3A_683 = arith.addi %mul3A_681, %add3A_682 : i32
        %get3A_684 = arith.constant 1 : i32
        %get3A_685 = arith.index_cast %get3A_684 : i32 to index
        %get3A_686 = arith.index_cast %add3A_683 : i32 to index
        %get3A_687 = arith.constant 80 : index
        %get3A_688 = tpu.vector_load %arg6[%get3A_685, %get3A_686, %get3A_687] {strides = array<i32>} : memref<4x128x128xf32, #tpu.memory_space<vmem>>, vector<1x1x16xf32>,
        %get3A_689 = vector.shape_cast %get3A_688 : vector<1x1x16xf32> to vector<16xf32>
        %mul3A_690 = arith.constant 11.3137083 : f32
        %mul3A_691 = vector.broadcast %mul3A_690 : f32 to vector<16xf32>
        %mul3A_692 = arith.mulf %get3A_689, %mul3A_691 : vector<16xf32>
        %swap3A_693 = arith.constant 1 : i32
        %swap3A_694 = arith.index_cast %swap3A_693 : i32 to index
        %swap3A_695 = arith.index_cast %add3A_683 : i32 to index
        %swap3A_696 = arith.constant 80 : index
        %swap3A_697 = tpu.vector_load %arg6[%swap3A_694, %swap3A_695, %swap3A_696] {strides = array<i32>} : memref<4x128x128xf32, #tpu.memory_space<vmem>>, vector<1x1x16xf32>,
        %swap3A_698 = vector.shape_cast %swap3A_697 : vector<1x1x16xf32> to vector<16xf32>
        %swap3A_699 = vector.shape_cast %mul3A_692 : vector<16xf32> to vector<1x1x16xf32>
        tpu.vector_store %arg6[%swap3A_694, %swap3A_695, %swap3A_696], %swap3A_699 {strides = array<i32>} : memref<4x128x128xf32, #tpu.memory_space<vmem>>, vector<1x1x16xf32>,
        %mul3A_700 = arith.constant 4 : i32
        %mul3A_701 = arith.muli %scan3A_261, %mul3A_700 : i32
        %add3A_702 = arith.constant 2 : i32
        %add3A_703 = arith.addi %mul3A_701, %add3A_702 : i32
        %get3A_704 = arith.constant 1 : i32
        %get3A_705 = arith.index_cast %get3A_704 : i32 to index
        %get3A_706 = arith.index_cast %add3A_703 : i32 to index
        %get3A_707 = arith.constant 96 : index
        %get3A_708 = tpu.vector_load %arg6[%get3A_705, %get3A_706, %get3A_707] {strides = array<i32>} : memref<4x128x128xf32, #tpu.memory_space<vmem>>, vector<1x1x16xf32>,
        %get3A_709 = vector.shape_cast %get3A_708 : vector<1x1x16xf32> to vector<16xf32>
        %mul3A_710 = arith.constant 11.3137083 : f32
        %mul3A_711 = vector.broadcast %mul3A_710 : f32 to vector<16xf32>
        %mul3A_712 = arith.mulf %get3A_709, %mul3A_711 : vector<16xf32>
        %swap3A_713 = arith.constant 1 : i32
        %swap3A_714 = arith.index_cast %swap3A_713 : i32 to index
        %swap3A_715 = arith.index_cast %add3A_703 : i32 to index
        %swap3A_716 = arith.constant 96 : index
        %swap3A_717 = tpu.vector_load %arg6[%swap3A_714, %swap3A_715, %swap3A_716] {strides = array<i32>} : memref<4x128x128xf32, #tpu.memory_space<vmem>>, vector<1x1x16xf32>,
        %swap3A_718 = vector.shape_cast %swap3A_717 : vector<1x1x16xf32> to vector<16xf32>
        %swap3A_719 = vector.shape_cast %mul3A_712 : vector<16xf32> to vector<1x1x16xf32>
        tpu.vector_store %arg6[%swap3A_714, %swap3A_715, %swap3A_716], %swap3A_719 {strides = array<i32>} : memref<4x128x128xf32, #tpu.memory_space<vmem>>, vector<1x1x16xf32>,
        %mul3A_720 = arith.constant 4 : i32
        %mul3A_721 = arith.muli %scan3A_261, %mul3A_720 : i32
        %add3A_722 = arith.constant 2 : i32
        %add3A_723 = arith.addi %mul3A_721, %add3A_722 : i32
        %get3A_724 = arith.constant 1 : i32
        %get3A_725 = arith.index_cast %get3A_724 : i32 to index
        %get3A_726 = arith.index_cast %add3A_723 : i32 to index
        %get3A_727 = arith.constant 112 : index
        %get3A_728 = tpu.vector_load %arg6[%get3A_725, %get3A_726, %get3A_727] {strides = array<i32>} : memref<4x128x128xf32, #tpu.memory_space<vmem>>, vector<1x1x16xf32>,
        %get3A_729 = vector.shape_cast %get3A_728 : vector<1x1x16xf32> to vector<16xf32>
        %mul3A_730 = arith.constant 11.3137083 : f32
        %mul3A_731 = vector.broadcast %mul3A_730 : f32 to vector<16xf32>
        %mul3A_732 = arith.mulf %get3A_729, %mul3A_731 : vector<16xf32>
        %swap3A_733 = arith.constant 1 : i32
        %swap3A_734 = arith.index_cast %swap3A_733 : i32 to index
        %swap3A_735 = arith.index_cast %add3A_723 : i32 to index
        %swap3A_736 = arith.constant 112 : index
        %swap3A_737 = tpu.vector_load %arg6[%swap3A_734, %swap3A_735, %swap3A_736] {strides = array<i32>} : memref<4x128x128xf32, #tpu.memory_space<vmem>>, vector<1x1x16xf32>,
        %swap3A_738 = vector.shape_cast %swap3A_737 : vector<1x1x16xf32> to vector<16xf32>
        %swap3A_739 = vector.shape_cast %mul3A_732 : vector<16xf32> to vector<1x1x16xf32>
        tpu.vector_store %arg6[%swap3A_734, %swap3A_735, %swap3A_736], %swap3A_739 {strides = array<i32>} : memref<4x128x128xf32, #tpu.memory_space<vmem>>, vector<1x1x16xf32>,
        %mul3A_740 = arith.constant 4 : i32
        %mul3A_741 = arith.muli %scan3A_261, %mul3A_740 : i32
        %add3A_742 = arith.constant 3 : i32
        %add3A_743 = arith.addi %mul3A_741, %add3A_742 : i32
        %get3A_744 = arith.constant 1 : i32
        %get3A_745 = arith.index_cast %get3A_744 : i32 to index
        %get3A_746 = arith.index_cast %add3A_743 : i32 to index
        %get3A_747 = arith.constant 0 : index
        %get3A_748 = tpu.vector_load %arg6[%get3A_745, %get3A_746, %get3A_747] {strides = array<i32>} : memref<4x128x128xf32, #tpu.memory_space<vmem>>, vector<1x1x16xf32>,
        %get3A_749 = vector.shape_cast %get3A_748 : vector<1x1x16xf32> to vector<16xf32>
        %mul3A_750 = arith.constant 11.3137083 : f32
        %mul3A_751 = vector.broadcast %mul3A_750 : f32 to vector<16xf32>
        %mul3A_752 = arith.mulf %get3A_749, %mul3A_751 : vector<16xf32>
        %swap3A_753 = arith.constant 1 : i32
        %swap3A_754 = arith.index_cast %swap3A_753 : i32 to index
        %swap3A_755 = arith.index_cast %add3A_743 : i32 to index
        %swap3A_756 = arith.constant 0 : index
        %swap3A_757 = tpu.vector_load %arg6[%swap3A_754, %swap3A_755, %swap3A_756] {strides = array<i32>} : memref<4x128x128xf32, #tpu.memory_space<vmem>>, vector<1x1x16xf32>,
        %swap3A_758 = vector.shape_cast %swap3A_757 : vector<1x1x16xf32> to vector<16xf32>
        %swap3A_759 = vector.shape_cast %mul3A_752 : vector<16xf32> to vector<1x1x16xf32>
        tpu.vector_store %arg6[%swap3A_754, %swap3A_755, %swap3A_756], %swap3A_759 {strides = array<i32>} : memref<4x128x128xf32, #tpu.memory_space<vmem>>, vector<1x1x16xf32>,
        %mul3A_760 = arith.constant 4 : i32
        %mul3A_761 = arith.muli %scan3A_261, %mul3A_760 : i32
        %add3A_762 = arith.constant 3 : i32
        %add3A_763 = arith.addi %mul3A_761, %add3A_762 : i32
        %get3A_764 = arith.constant 1 : i32
        %get3A_765 = arith.index_cast %get3A_764 : i32 to index
        %get3A_766 = arith.index_cast %add3A_763 : i32 to index
        %get3A_767 = arith.constant 16 : index
        %get3A_768 = tpu.vector_load %arg6[%get3A_765, %get3A_766, %get3A_767] {strides = array<i32>} : memref<4x128x128xf32, #tpu.memory_space<vmem>>, vector<1x1x16xf32>,
        %get3A_769 = vector.shape_cast %get3A_768 : vector<1x1x16xf32> to vector<16xf32>
        %mul3A_770 = arith.constant 11.3137083 : f32
        %mul3A_771 = vector.broadcast %mul3A_770 : f32 to vector<16xf32>
        %mul3A_772 = arith.mulf %get3A_769, %mul3A_771 : vector<16xf32>
        %swap3A_773 = arith.constant 1 : i32
        %swap3A_774 = arith.index_cast %swap3A_773 : i32 to index
        %swap3A_775 = arith.index_cast %add3A_763 : i32 to index
        %swap3A_776 = arith.constant 16 : index
        %swap3A_777 = tpu.vector_load %arg6[%swap3A_774, %swap3A_775, %swap3A_776] {strides = array<i32>} : memref<4x128x128xf32, #tpu.memory_space<vmem>>, vector<1x1x16xf32>,
        %swap3A_778 = vector.shape_cast %swap3A_777 : vector<1x1x16xf32> to vector<16xf32>
        %swap3A_779 = vector.shape_cast %mul3A_772 : vector<16xf32> to vector<1x1x16xf32>
        tpu.vector_store %arg6[%swap3A_774, %swap3A_775, %swap3A_776], %swap3A_779 {strides = array<i32>} : memref<4x128x128xf32, #tpu.memory_space<vmem>>, vector<1x1x16xf32>,
        %mul3A_780 = arith.constant 4 : i32
        %mul3A_781 = arith.muli %scan3A_261, %mul3A_780 : i32
        %add3A_782 = arith.constant 3 : i32
        %add3A_783 = arith.addi %mul3A_781, %add3A_782 : i32
        %get3A_784 = arith.constant 1 : i32
        %get3A_785 = arith.index_cast %get3A_784 : i32 to index
        %get3A_786 = arith.index_cast %add3A_783 : i32 to index
        %get3A_787 = arith.constant 32 : index
        %get3A_788 = tpu.vector_load %arg6[%get3A_785, %get3A_786, %get3A_787] {strides = array<i32>} : memref<4x128x128xf32, #tpu.memory_space<vmem>>, vector<1x1x16xf32>,
        %get3A_789 = vector.shape_cast %get3A_788 : vector<1x1x16xf32> to vector<16xf32>
        %mul3A_790 = arith.constant 11.3137083 : f32
        %mul3A_791 = vector.broadcast %mul3A_790 : f32 to vector<16xf32>
        %mul3A_792 = arith.mulf %get3A_789, %mul3A_791 : vector<16xf32>
        %swap3A_793 = arith.constant 1 : i32
        %swap3A_794 = arith.index_cast %swap3A_793 : i32 to index
        %swap3A_795 = arith.index_cast %add3A_783 : i32 to index
        %swap3A_796 = arith.constant 32 : index
        %swap3A_797 = tpu.vector_load %arg6[%swap3A_794, %swap3A_795, %swap3A_796] {strides = array<i32>} : memref<4x128x128xf32, #tpu.memory_space<vmem>>, vector<1x1x16xf32>,
        %swap3A_798 = vector.shape_cast %swap3A_797 : vector<1x1x16xf32> to vector<16xf32>
        %swap3A_799 = vector.shape_cast %mul3A_792 : vector<16xf32> to vector<1x1x16xf32>
        tpu.vector_store %arg6[%swap3A_794, %swap3A_795, %swap3A_796], %swap3A_799 {strides = array<i32>} : memref<4x128x128xf32, #tpu.memory_space<vmem>>, vector<1x1x16xf32>,
        %mul3A_800 = arith.constant 4 : i32
        %mul3A_801 = arith.muli %scan3A_261, %mul3A_800 : i32
        %add3A_802 = arith.constant 3 : i32
        %add3A_803 = arith.addi %mul3A_801, %add3A_802 : i32
        %get3A_804 = arith.constant 1 : i32
        %get3A_805 = arith.index_cast %get3A_804 : i32 to index
        %get3A_806 = arith.index_cast %add3A_803 : i32 to index
        %get3A_807 = arith.constant 48 : index
        %get3A_808 = tpu.vector_load %arg6[%get3A_805, %get3A_806, %get3A_807] {strides = array<i32>} : memref<4x128x128xf32, #tpu.memory_space<vmem>>, vector<1x1x16xf32>,
        %get3A_809 = vector.shape_cast %get3A_808 : vector<1x1x16xf32> to vector<16xf32>
        %mul3A_810 = arith.constant 11.3137083 : f32
        %mul3A_811 = vector.broadcast %mul3A_810 : f32 to vector<16xf32>
        %mul3A_812 = arith.mulf %get3A_809, %mul3A_811 : vector<16xf32>
        %swap3A_813 = arith.constant 1 : i32
        %swap3A_814 = arith.index_cast %swap3A_813 : i32 to index
        %swap3A_815 = arith.index_cast %add3A_803 : i32 to index
        %swap3A_816 = arith.constant 48 : index
        %swap3A_817 = tpu.vector_load %arg6[%swap3A_814, %swap3A_815, %swap3A_816] {strides = array<i32>} : memref<4x128x128xf32, #tpu.memory_space<vmem>>, vector<1x1x16xf32>,
        %swap3A_818 = vector.shape_cast %swap3A_817 : vector<1x1x16xf32> to vector<16xf32>
        %swap3A_819 = vector.shape_cast %mul3A_812 : vector<16xf32> to vector<1x1x16xf32>
        tpu.vector_store %arg6[%swap3A_814, %swap3A_815, %swap3A_816], %swap3A_819 {strides = array<i32>} : memref<4x128x128xf32, #tpu.memory_space<vmem>>, vector<1x1x16xf32>,
        %mul3A_820 = arith.constant 4 : i32
        %mul3A_821 = arith.muli %scan3A_261, %mul3A_820 : i32
        %add3A_822 = arith.constant 3 : i32
        %add3A_823 = arith.addi %mul3A_821, %add3A_822 : i32
        %get3A_824 = arith.constant 1 : i32
        %get3A_825 = arith.index_cast %get3A_824 : i32 to index
        %get3A_826 = arith.index_cast %add3A_823 : i32 to index
        %get3A_827 = arith.constant 64 : index
        %get3A_828 = tpu.vector_load %arg6[%get3A_825, %get3A_826, %get3A_827] {strides = array<i32>} : memref<4x128x128xf32, #tpu.memory_space<vmem>>, vector<1x1x16xf32>,
        %get3A_829 = vector.shape_cast %get3A_828 : vector<1x1x16xf32> to vector<16xf32>
        %mul3A_830 = arith.constant 11.3137083 : f32
        %mul3A_831 = vector.broadcast %mul3A_830 : f32 to vector<16xf32>
        %mul3A_832 = arith.mulf %get3A_829, %mul3A_831 : vector<16xf32>
        %swap3A_833 = arith.constant 1 : i32
        %swap3A_834 = arith.index_cast %swap3A_833 : i32 to index
        %swap3A_835 = arith.index_cast %add3A_823 : i32 to index
        %swap3A_836 = arith.constant 64 : index
        %swap3A_837 = tpu.vector_load %arg6[%swap3A_834, %swap3A_835, %swap3A_836] {strides = array<i32>} : memref<4x128x128xf32, #tpu.memory_space<vmem>>, vector<1x1x16xf32>,
        %swap3A_838 = vector.shape_cast %swap3A_837 : vector<1x1x16xf32> to vector<16xf32>
        %swap3A_839 = vector.shape_cast %mul3A_832 : vector<16xf32> to vector<1x1x16xf32>
        tpu.vector_store %arg6[%swap3A_834, %swap3A_835, %swap3A_836], %swap3A_839 {strides = array<i32>} : memref<4x128x128xf32, #tpu.memory_space<vmem>>, vector<1x1x16xf32>,
        %mul3A_840 = arith.constant 4 : i32
        %mul3A_841 = arith.muli %scan3A_261, %mul3A_840 : i32
        %add3A_842 = arith.constant 3 : i32
        %add3A_843 = arith.addi %mul3A_841, %add3A_842 : i32
        %get3A_844 = arith.constant 1 : i32
        %get3A_845 = arith.index_cast %get3A_844 : i32 to index
        %get3A_846 = arith.index_cast %add3A_843 : i32 to index
        %get3A_847 = arith.constant 80 : index
        %get3A_848 = tpu.vector_load %arg6[%get3A_845, %get3A_846, %get3A_847] {strides = array<i32>} : memref<4x128x128xf32, #tpu.memory_space<vmem>>, vector<1x1x16xf32>,
        %get3A_849 = vector.shape_cast %get3A_848 : vector<1x1x16xf32> to vector<16xf32>
        %mul3A_850 = arith.constant 11.3137083 : f32
        %mul3A_851 = vector.broadcast %mul3A_850 : f32 to vector<16xf32>
        %mul3A_852 = arith.mulf %get3A_849, %mul3A_851 : vector<16xf32>
        %swap3A_853 = arith.constant 1 : i32
        %swap3A_854 = arith.index_cast %swap3A_853 : i32 to index
        %swap3A_855 = arith.index_cast %add3A_843 : i32 to index
        %swap3A_856 = arith.constant 80 : index
        %swap3A_857 = tpu.vector_load %arg6[%swap3A_854, %swap3A_855, %swap3A_856] {strides = array<i32>} : memref<4x128x128xf32, #tpu.memory_space<vmem>>, vector<1x1x16xf32>,
        %swap3A_858 = vector.shape_cast %swap3A_857 : vector<1x1x16xf32> to vector<16xf32>
        %swap3A_859 = vector.shape_cast %mul3A_852 : vector<16xf32> to vector<1x1x16xf32>
        tpu.vector_store %arg6[%swap3A_854, %swap3A_855, %swap3A_856], %swap3A_859 {strides = array<i32>} : memref<4x128x128xf32, #tpu.memory_space<vmem>>, vector<1x1x16xf32>,
        %mul3A_860 = arith.constant 4 : i32
        %mul3A_861 = arith.muli %scan3A_261, %mul3A_860 : i32
        %add3A_862 = arith.constant 3 : i32
        %add3A_863 = arith.addi %mul3A_861, %add3A_862 : i32
        %get3A_864 = arith.constant 1 : i32
        %get3A_865 = arith.index_cast %get3A_864 : i32 to index
        %get3A_866 = arith.index_cast %add3A_863 : i32 to index
        %get3A_867 = arith.constant 96 : index
        %get3A_868 = tpu.vector_load %arg6[%get3A_865, %get3A_866, %get3A_867] {strides = array<i32>} : memref<4x128x128xf32, #tpu.memory_space<vmem>>, vector<1x1x16xf32>,
        %get3A_869 = vector.shape_cast %get3A_868 : vector<1x1x16xf32> to vector<16xf32>
        %mul3A_870 = arith.constant 11.3137083 : f32
        %mul3A_871 = vector.broadcast %mul3A_870 : f32 to vector<16xf32>
        %mul3A_872 = arith.mulf %get3A_869, %mul3A_871 : vector<16xf32>
        %swap3A_873 = arith.constant 1 : i32
        %swap3A_874 = arith.index_cast %swap3A_873 : i32 to index
        %swap3A_875 = arith.index_cast %add3A_863 : i32 to index
        %swap3A_876 = arith.constant 96 : index
        %swap3A_877 = tpu.vector_load %arg6[%swap3A_874, %swap3A_875, %swap3A_876] {strides = array<i32>} : memref<4x128x128xf32, #tpu.memory_space<vmem>>, vector<1x1x16xf32>,
        %swap3A_878 = vector.shape_cast %swap3A_877 : vector<1x1x16xf32> to vector<16xf32>
        %swap3A_879 = vector.shape_cast %mul3A_872 : vector<16xf32> to vector<1x1x16xf32>
        tpu.vector_store %arg6[%swap3A_874, %swap3A_875, %swap3A_876], %swap3A_879 {strides = array<i32>} : memref<4x128x128xf32, #tpu.memory_space<vmem>>, vector<1x1x16xf32>,
        %mul3A_880 = arith.constant 4 : i32
        %mul3A_881 = arith.muli %scan3A_261, %mul3A_880 : i32
        %add3A_882 = arith.constant 3 : i32
        %add3A_883 = arith.addi %mul3A_881, %add3A_882 : i32
        %get3A_884 = arith.constant 1 : i32
        %get3A_885 = arith.index_cast %get3A_884 : i32 to index
        %get3A_886 = arith.index_cast %add3A_883 : i32 to index
        %get3A_887 = arith.constant 112 : index
        %get3A_888 = tpu.vector_load %arg6[%get3A_885, %get3A_886, %get3A_887] {strides = array<i32>} : memref<4x128x128xf32, #tpu.memory_space<vmem>>, vector<1x1x16xf32>,
        %get3A_889 = vector.shape_cast %get3A_888 : vector<1x1x16xf32> to vector<16xf32>
        %mul3A_890 = arith.constant 11.3137083 : f32
        %mul3A_891 = vector.broadcast %mul3A_890 : f32 to vector<16xf32>
        %mul3A_892 = arith.mulf %get3A_889, %mul3A_891 : vector<16xf32>
        %swap3A_893 = arith.constant 1 : i32
        %swap3A_894 = arith.index_cast %swap3A_893 : i32 to index
        %swap3A_895 = arith.index_cast %add3A_883 : i32 to index
        %swap3A_896 = arith.constant 112 : index
        %swap3A_897 = tpu.vector_load %arg6[%swap3A_894, %swap3A_895, %swap3A_896] {strides = array<i32>} : memref<4x128x128xf32, #tpu.memory_space<vmem>>, vector<1x1x16xf32>,
        %swap3A_898 = vector.shape_cast %swap3A_897 : vector<1x1x16xf32> to vector<16xf32>
        %swap3A_899 = vector.shape_cast %mul3A_892 : vector<16xf32> to vector<1x1x16xf32>
        tpu.vector_store %arg6[%swap3A_894, %swap3A_895, %swap3A_896], %swap3A_899 {strides = array<i32>} : memref<4x128x128xf32, #tpu.memory_space<vmem>>, vector<1x1x16xf32>,
      }
      %scan3A_162 = arith.constant 32 : i32
      %mul3A_163 = arith.constant 4 : i32
      %mul3A_164 = arith.muli %scan3A_106, %mul3A_163 : i32
      %add3A_165 = arith.constant 1 : i32
      %add3A_166 = arith.addi %mul3A_164, %add3A_165 : i32
      %mul3A_167 = arith.constant 128 : i32
      %mul3A_168 = arith.muli %add3A_166, %mul3A_167 : i32
      %add3A_169 = arith.addi %mul3A_2, %mul3A_168 : i32
      %dma_start3A_170 = arith.constant 1 : i32
      %dma_start3A_171 = arith.constant 0 : i32
      %dma_start3A_172 = arith.constant 0 : i32
      %dma_start3A_173 = tpu.memref_slice %arg6[%dma_start3A_170, %dma_start3A_171, %dma_start3A_172] : memref<4x128x128xf32, #tpu.memory_space<vmem>> -> memref<1x128x128xf32, #tpu.memory_space<vmem>>
      %dma_start3A_174 = tpu.memref_squeeze %dma_start3A_173 : memref<1x128x128xf32, #tpu.memory_space<vmem>> -> memref<128x128xf32, #tpu.memory_space<vmem>>
      %dma_start3A_175 = arith.constant 0 : i32
      %dma_start3A_176 = tpu.memref_slice %arg4[%add3A_169, %dma_start3A_175] : memref<819200x128xf32, #tpu.memory_space<hbm>> -> memref<128x128xf32, #tpu.memory_space<hbm>>
      %dma_start3A_177 = arith.constant 0 : i32
      %dma_start3A_178 = tpu.memref_slice %arg4[%add3A_169, %dma_start3A_177] : memref<819200x128xf32, #tpu.memory_space<hbm>> -> memref<128x128xf32, #tpu.memory_space<hbm>>
      %dma_start3A_179 = arith.constant 0 : i32
      %dma_start3A_180 = arith.constant 0 : i32
      %dma_start3A_181 = tpu.memref_slice %arg6[%dma_start3A_170, %dma_start3A_179, %dma_start3A_180] : memref<4x128x128xf32, #tpu.memory_space<vmem>> -> memref<1x128x128xf32, #tpu.memory_space<vmem>>
      %dma_start3A_182 = tpu.memref_squeeze %dma_start3A_181 : memref<1x128x128xf32, #tpu.memory_space<vmem>> -> memref<128x128xf32, #tpu.memory_space<vmem>>
      tpu.enqueue_dma source(%dma_start3A_182 : memref<128x128xf32, #tpu.memory_space<vmem>>) target(%dma_start3A_178 : memref<128x128xf32, #tpu.memory_space<hbm>>) target_semaphore(%arg12 : memref<!tpu.dma_semaphore, #tpu.memory_space<semaphore_mem>>)
      %dma_wait3A_183 = arith.constant 0 : i32
      %dma_wait3A_184 = arith.constant 2 : i32
      %dma_wait3A_185 = arith.constant 0 : i32
      %dma_wait3A_186 = arith.constant 0 : i32
      %dma_wait3A_187 = tpu.memref_slice %arg6[%dma_wait3A_184, %dma_wait3A_185, %dma_wait3A_186] : memref<4x128x128xf32, #tpu.memory_space<vmem>> -> memref<1x128x128xf32, #tpu.memory_space<vmem>>
      %dma_wait3A_188 = tpu.memref_squeeze %dma_wait3A_187 : memref<1x128x128xf32, #tpu.memory_space<vmem>> -> memref<128x128xf32, #tpu.memory_space<vmem>>
      %dma_wait3A_189 = arith.constant 0 : i32
      %dma_wait3A_190 = tpu.memref_slice %arg5[%dma_wait3A_183, %dma_wait3A_189] : memref<200x128xi32, #tpu.memory_space<vmem>> -> memref<1x128xi32, #tpu.memory_space<vmem>>
      %dma_wait3A_191 = tpu.memref_squeeze %dma_wait3A_190 : memref<1x128xi32, #tpu.memory_space<vmem>> -> memref<128xi32, #tpu.memory_space<vmem>>
      %dma_wait3A_192 = arith.constant 0 : i32
      %dma_wait3A_193 = arith.constant 0 : i32
      %dma_wait3A_194 = tpu.memref_slice %arg2[%dma_wait3A_192, %dma_wait3A_193] : memref<100000x128xf32, #tpu.memory_space<hbm>> -> memref<100000x128xf32, #tpu.memory_space<hbm>>
      tpu.wait_indirect_dma semaphore(%arg9 : memref<!tpu.dma_semaphore, #tpu.memory_space<semaphore_mem>>) src(%dma_wait3A_194 : memref<100000x128xf32, #tpu.memory_space<hbm>>) dst(%dma_wait3A_188 : memref<128x128xf32, #tpu.memory_space<vmem>>)
      %scan3A_195 = arith.constant 0 : i32
      %scan3A_196 = arith.constant 0 : i32
      %scan3A_197 = arith.constant 32 : i32
      %scan3A_198 = arith.addi %scan3A_196, %scan3A_197 : i32
      %scan3A_199 = arith.constant 1 : i32
      scf.for %scan3A_261 = %scan3A_196 to %scan3A_198 step %scan3A_199  : i32 {
        %mul3A_262 = arith.constant 4 : i32
        %mul3A_263 = arith.muli %scan3A_261, %mul3A_262 : i32
        %add3A_264 = arith.constant 0 : i32
        %add3A_265 = arith.addi %mul3A_263, %add3A_264 : i32
        %get3A = arith.constant 2 : i32
        %get3A_266 = arith.index_cast %get3A : i32 to index
        %get3A_267 = arith.index_cast %add3A_265 : i32 to index
        %get3A_268 = arith.constant 0 : index
        %get3A_269 = tpu.vector_load %arg6[%get3A_266, %get3A_267, %get3A_268] {strides = array<i32>} : memref<4x128x128xf32, #tpu.memory_space<vmem>>, vector<1x1x16xf32>,
        %get3A_270 = vector.shape_cast %get3A_269 : vector<1x1x16xf32> to vector<16xf32>
        %mul3A_271 = arith.constant 11.3137083 : f32
        %mul3A_272 = vector.broadcast %mul3A_271 : f32 to vector<16xf32>
        %mul3A_273 = arith.mulf %get3A_270, %mul3A_272 : vector<16xf32>
        %swap3A = arith.constant 2 : i32
        %swap3A_274 = arith.index_cast %swap3A : i32 to index
        %swap3A_275 = arith.index_cast %add3A_265 : i32 to index
        %swap3A_276 = arith.constant 0 : index
        %swap3A_277 = tpu.vector_load %arg6[%swap3A_274, %swap3A_275, %swap3A_276] {strides = array<i32>} : memref<4x128x128xf32, #tpu.memory_space<vmem>>, vector<1x1x16xf32>,
        %swap3A_278 = vector.shape_cast %swap3A_277 : vector<1x1x16xf32> to vector<16xf32>
        %swap3A_279 = vector.shape_cast %mul3A_273 : vector<16xf32> to vector<1x1x16xf32>
        tpu.vector_store %arg6[%swap3A_274, %swap3A_275, %swap3A_276], %swap3A_279 {strides = array<i32>} : memref<4x128x128xf32, #tpu.memory_space<vmem>>, vector<1x1x16xf32>,
        %mul3A_280 = arith.constant 4 : i32
        %mul3A_281 = arith.muli %scan3A_261, %mul3A_280 : i32
        %add3A_282 = arith.constant 0 : i32
        %add3A_283 = arith.addi %mul3A_281, %add3A_282 : i32
        %get3A_284 = arith.constant 2 : i32
        %get3A_285 = arith.index_cast %get3A_284 : i32 to index
        %get3A_286 = arith.index_cast %add3A_283 : i32 to index
        %get3A_287 = arith.constant 16 : index
        %get3A_288 = tpu.vector_load %arg6[%get3A_285, %get3A_286, %get3A_287] {strides = array<i32>} : memref<4x128x128xf32, #tpu.memory_space<vmem>>, vector<1x1x16xf32>,
        %get3A_289 = vector.shape_cast %get3A_288 : vector<1x1x16xf32> to vector<16xf32>
        %mul3A_290 = arith.constant 11.3137083 : f32
        %mul3A_291 = vector.broadcast %mul3A_290 : f32 to vector<16xf32>
        %mul3A_292 = arith.mulf %get3A_289, %mul3A_291 : vector<16xf32>
        %swap3A_293 = arith.constant 2 : i32
        %swap3A_294 = arith.index_cast %swap3A_293 : i32 to index
        %swap3A_295 = arith.index_cast %add3A_283 : i32 to index
        %swap3A_296 = arith.constant 16 : index
        %swap3A_297 = tpu.vector_load %arg6[%swap3A_294, %swap3A_295, %swap3A_296] {strides = array<i32>} : memref<4x128x128xf32, #tpu.memory_space<vmem>>, vector<1x1x16xf32>,
        %swap3A_298 = vector.shape_cast %swap3A_297 : vector<1x1x16xf32> to vector<16xf32>
        %swap3A_299 = vector.shape_cast %mul3A_292 : vector<16xf32> to vector<1x1x16xf32>
        tpu.vector_store %arg6[%swap3A_294, %swap3A_295, %swap3A_296], %swap3A_299 {strides = array<i32>} : memref<4x128x128xf32, #tpu.memory_space<vmem>>, vector<1x1x16xf32>,
        %mul3A_300 = arith.constant 4 : i32
        %mul3A_301 = arith.muli %scan3A_261, %mul3A_300 : i32
        %add3A_302 = arith.constant 0 : i32
        %add3A_303 = arith.addi %mul3A_301, %add3A_302 : i32
        %get3A_304 = arith.constant 2 : i32
        %get3A_305 = arith.index_cast %get3A_304 : i32 to index
        %get3A_306 = arith.index_cast %add3A_303 : i32 to index
        %get3A_307 = arith.constant 32 : index
        %get3A_308 = tpu.vector_load %arg6[%get3A_305, %get3A_306, %get3A_307] {strides = array<i32>} : memref<4x128x128xf32, #tpu.memory_space<vmem>>, vector<1x1x16xf32>,
        %get3A_309 = vector.shape_cast %get3A_308 : vector<1x1x16xf32> to vector<16xf32>
        %mul3A_310 = arith.constant 11.3137083 : f32
        %mul3A_311 = vector.broadcast %mul3A_310 : f32 to vector<16xf32>
        %mul3A_312 = arith.mulf %get3A_309, %mul3A_311 : vector<16xf32>
        %swap3A_313 = arith.constant 2 : i32
        %swap3A_314 = arith.index_cast %swap3A_313 : i32 to index
        %swap3A_315 = arith.index_cast %add3A_303 : i32 to index
        %swap3A_316 = arith.constant 32 : index
        %swap3A_317 = tpu.vector_load %arg6[%swap3A_314, %swap3A_315, %swap3A_316] {strides = array<i32>} : memref<4x128x128xf32, #tpu.memory_space<vmem>>, vector<1x1x16xf32>,
        %swap3A_318 = vector.shape_cast %swap3A_317 : vector<1x1x16xf32> to vector<16xf32>
        %swap3A_319 = vector.shape_cast %mul3A_312 : vector<16xf32> to vector<1x1x16xf32>
        tpu.vector_store %arg6[%swap3A_314, %swap3A_315, %swap3A_316], %swap3A_319 {strides = array<i32>} : memref<4x128x128xf32, #tpu.memory_space<vmem>>, vector<1x1x16xf32>,
        %mul3A_320 = arith.constant 4 : i32
        %mul3A_321 = arith.muli %scan3A_261, %mul3A_320 : i32
        %add3A_322 = arith.constant 0 : i32
        %add3A_323 = arith.addi %mul3A_321, %add3A_322 : i32
        %get3A_324 = arith.constant 2 : i32
        %get3A_325 = arith.index_cast %get3A_324 : i32 to index
        %get3A_326 = arith.index_cast %add3A_323 : i32 to index
        %get3A_327 = arith.constant 48 : index
        %get3A_328 = tpu.vector_load %arg6[%get3A_325, %get3A_326, %get3A_327] {strides = array<i32>} : memref<4x128x128xf32, #tpu.memory_space<vmem>>, vector<1x1x16xf32>,
        %get3A_329 = vector.shape_cast %get3A_328 : vector<1x1x16xf32> to vector<16xf32>
        %mul3A_330 = arith.constant 11.3137083 : f32
        %mul3A_331 = vector.broadcast %mul3A_330 : f32 to vector<16xf32>
        %mul3A_332 = arith.mulf %get3A_329, %mul3A_331 : vector<16xf32>
        %swap3A_333 = arith.constant 2 : i32
        %swap3A_334 = arith.index_cast %swap3A_333 : i32 to index
        %swap3A_335 = arith.index_cast %add3A_323 : i32 to index
        %swap3A_336 = arith.constant 48 : index
        %swap3A_337 = tpu.vector_load %arg6[%swap3A_334, %swap3A_335, %swap3A_336] {strides = array<i32>} : memref<4x128x128xf32, #tpu.memory_space<vmem>>, vector<1x1x16xf32>,
        %swap3A_338 = vector.shape_cast %swap3A_337 : vector<1x1x16xf32> to vector<16xf32>
        %swap3A_339 = vector.shape_cast %mul3A_332 : vector<16xf32> to vector<1x1x16xf32>
        tpu.vector_store %arg6[%swap3A_334, %swap3A_335, %swap3A_336], %swap3A_339 {strides = array<i32>} : memref<4x128x128xf32, #tpu.memory_space<vmem>>, vector<1x1x16xf32>,
        %mul3A_340 = arith.constant 4 : i32
        %mul3A_341 = arith.muli %scan3A_261, %mul3A_340 : i32
        %add3A_342 = arith.constant 0 : i32
        %add3A_343 = arith.addi %mul3A_341, %add3A_342 : i32
        %get3A_344 = arith.constant 2 : i32
        %get3A_345 = arith.index_cast %get3A_344 : i32 to index
        %get3A_346 = arith.index_cast %add3A_343 : i32 to index
        %get3A_347 = arith.constant 64 : index
        %get3A_348 = tpu.vector_load %arg6[%get3A_345, %get3A_346, %get3A_347] {strides = array<i32>} : memref<4x128x128xf32, #tpu.memory_space<vmem>>, vector<1x1x16xf32>,
        %get3A_349 = vector.shape_cast %get3A_348 : vector<1x1x16xf32> to vector<16xf32>
        %mul3A_350 = arith.constant 11.3137083 : f32
        %mul3A_351 = vector.broadcast %mul3A_350 : f32 to vector<16xf32>
        %mul3A_352 = arith.mulf %get3A_349, %mul3A_351 : vector<16xf32>
        %swap3A_353 = arith.constant 2 : i32
        %swap3A_354 = arith.index_cast %swap3A_353 : i32 to index
        %swap3A_355 = arith.index_cast %add3A_343 : i32 to index
        %swap3A_356 = arith.constant 64 : index
        %swap3A_357 = tpu.vector_load %arg6[%swap3A_354, %swap3A_355, %swap3A_356] {strides = array<i32>} : memref<4x128x128xf32, #tpu.memory_space<vmem>>, vector<1x1x16xf32>,
        %swap3A_358 = vector.shape_cast %swap3A_357 : vector<1x1x16xf32> to vector<16xf32>
        %swap3A_359 = vector.shape_cast %mul3A_352 : vector<16xf32> to vector<1x1x16xf32>
        tpu.vector_store %arg6[%swap3A_354, %swap3A_355, %swap3A_356], %swap3A_359 {strides = array<i32>} : memref<4x128x128xf32, #tpu.memory_space<vmem>>, vector<1x1x16xf32>,
        %mul3A_360 = arith.constant 4 : i32
        %mul3A_361 = arith.muli %scan3A_261, %mul3A_360 : i32
        %add3A_362 = arith.constant 0 : i32
        %add3A_363 = arith.addi %mul3A_361, %add3A_362 : i32
        %get3A_364 = arith.constant 2 : i32
        %get3A_365 = arith.index_cast %get3A_364 : i32 to index
        %get3A_366 = arith.index_cast %add3A_363 : i32 to index
        %get3A_367 = arith.constant 80 : index
        %get3A_368 = tpu.vector_load %arg6[%get3A_365, %get3A_366, %get3A_367] {strides = array<i32>} : memref<4x128x128xf32, #tpu.memory_space<vmem>>, vector<1x1x16xf32>,
        %get3A_369 = vector.shape_cast %get3A_368 : vector<1x1x16xf32> to vector<16xf32>
        %mul3A_370 = arith.constant 11.3137083 : f32
        %mul3A_371 = vector.broadcast %mul3A_370 : f32 to vector<16xf32>
        %mul3A_372 = arith.mulf %get3A_369, %mul3A_371 : vector<16xf32>
        %swap3A_373 = arith.constant 2 : i32
        %swap3A_374 = arith.index_cast %swap3A_373 : i32 to index
        %swap3A_375 = arith.index_cast %add3A_363 : i32 to index
        %swap3A_376 = arith.constant 80 : index
        %swap3A_377 = tpu.vector_load %arg6[%swap3A_374, %swap3A_375, %swap3A_376] {strides = array<i32>} : memref<4x128x128xf32, #tpu.memory_space<vmem>>, vector<1x1x16xf32>,
        %swap3A_378 = vector.shape_cast %swap3A_377 : vector<1x1x16xf32> to vector<16xf32>
        %swap3A_379 = vector.shape_cast %mul3A_372 : vector<16xf32> to vector<1x1x16xf32>
        tpu.vector_store %arg6[%swap3A_374, %swap3A_375, %swap3A_376], %swap3A_379 {strides = array<i32>} : memref<4x128x128xf32, #tpu.memory_space<vmem>>, vector<1x1x16xf32>,
        %mul3A_380 = arith.constant 4 : i32
        %mul3A_381 = arith.muli %scan3A_261, %mul3A_380 : i32
        %add3A_382 = arith.constant 0 : i32
        %add3A_383 = arith.addi %mul3A_381, %add3A_382 : i32
        %get3A_384 = arith.constant 2 : i32
        %get3A_385 = arith.index_cast %get3A_384 : i32 to index
        %get3A_386 = arith.index_cast %add3A_383 : i32 to index
        %get3A_387 = arith.constant 96 : index
        %get3A_388 = tpu.vector_load %arg6[%get3A_385, %get3A_386, %get3A_387] {strides = array<i32>} : memref<4x128x128xf32, #tpu.memory_space<vmem>>, vector<1x1x16xf32>,
        %get3A_389 = vector.shape_cast %get3A_388 : vector<1x1x16xf32> to vector<16xf32>
        %mul3A_390 = arith.constant 11.3137083 : f32
        %mul3A_391 = vector.broadcast %mul3A_390 : f32 to vector<16xf32>
        %mul3A_392 = arith.mulf %get3A_389, %mul3A_391 : vector<16xf32>
        %swap3A_393 = arith.constant 2 : i32
        %swap3A_394 = arith.index_cast %swap3A_393 : i32 to index
        %swap3A_395 = arith.index_cast %add3A_383 : i32 to index
        %swap3A_396 = arith.constant 96 : index
        %swap3A_397 = tpu.vector_load %arg6[%swap3A_394, %swap3A_395, %swap3A_396] {strides = array<i32>} : memref<4x128x128xf32, #tpu.memory_space<vmem>>, vector<1x1x16xf32>,
        %swap3A_398 = vector.shape_cast %swap3A_397 : vector<1x1x16xf32> to vector<16xf32>
        %swap3A_399 = vector.shape_cast %mul3A_392 : vector<16xf32> to vector<1x1x16xf32>
        tpu.vector_store %arg6[%swap3A_394, %swap3A_395, %swap3A_396], %swap3A_399 {strides = array<i32>} : memref<4x128x128xf32, #tpu.memory_space<vmem>>, vector<1x1x16xf32>,
        %mul3A_400 = arith.constant 4 : i32
        %mul3A_401 = arith.muli %scan3A_261, %mul3A_400 : i32
        %add3A_402 = arith.constant 0 : i32
        %add3A_403 = arith.addi %mul3A_401, %add3A_402 : i32
        %get3A_404 = arith.constant 2 : i32
        %get3A_405 = arith.index_cast %get3A_404 : i32 to index
        %get3A_406 = arith.index_cast %add3A_403 : i32 to index
        %get3A_407 = arith.constant 112 : index
        %get3A_408 = tpu.vector_load %arg6[%get3A_405, %get3A_406, %get3A_407] {strides = array<i32>} : memref<4x128x128xf32, #tpu.memory_space<vmem>>, vector<1x1x16xf32>,
        %get3A_409 = vector.shape_cast %get3A_408 : vector<1x1x16xf32> to vector<16xf32>
        %mul3A_410 = arith.constant 11.3137083 : f32
        %mul3A_411 = vector.broadcast %mul3A_410 : f32 to vector<16xf32>
        %mul3A_412 = arith.mulf %get3A_409, %mul3A_411 : vector<16xf32>
        %swap3A_413 = arith.constant 2 : i32
        %swap3A_414 = arith.index_cast %swap3A_413 : i32 to index
        %swap3A_415 = arith.index_cast %add3A_403 : i32 to index
        %swap3A_416 = arith.constant 112 : index
        %swap3A_417 = tpu.vector_load %arg6[%swap3A_414, %swap3A_415, %swap3A_416] {strides = array<i32>} : memref<4x128x128xf32, #tpu.memory_space<vmem>>, vector<1x1x16xf32>,
        %swap3A_418 = vector.shape_cast %swap3A_417 : vector<1x1x16xf32> to vector<16xf32>
        %swap3A_419 = vector.shape_cast %mul3A_412 : vector<16xf32> to vector<1x1x16xf32>
        tpu.vector_store %arg6[%swap3A_414, %swap3A_415, %swap3A_416], %swap3A_419 {strides = array<i32>} : memref<4x128x128xf32, #tpu.memory_space<vmem>>, vector<1x1x16xf32>,
        %mul3A_420 = arith.constant 4 : i32
        %mul3A_421 = arith.muli %scan3A_261, %mul3A_420 : i32
        %add3A_422 = arith.constant 1 : i32
        %add3A_423 = arith.addi %mul3A_421, %add3A_422 : i32
        %get3A_424 = arith.constant 2 : i32
        %get3A_425 = arith.index_cast %get3A_424 : i32 to index
        %get3A_426 = arith.index_cast %add3A_423 : i32 to index
        %get3A_427 = arith.constant 0 : index
        %get3A_428 = tpu.vector_load %arg6[%get3A_425, %get3A_426, %get3A_427] {strides = array<i32>} : memref<4x128x128xf32, #tpu.memory_space<vmem>>, vector<1x1x16xf32>,
        %get3A_429 = vector.shape_cast %get3A_428 : vector<1x1x16xf32> to vector<16xf32>
        %mul3A_430 = arith.constant 11.3137083 : f32
        %mul3A_431 = vector.broadcast %mul3A_430 : f32 to vector<16xf32>
        %mul3A_432 = arith.mulf %get3A_429, %mul3A_431 : vector<16xf32>
        %swap3A_433 = arith.constant 2 : i32
        %swap3A_434 = arith.index_cast %swap3A_433 : i32 to index
        %swap3A_435 = arith.index_cast %add3A_423 : i32 to index
        %swap3A_436 = arith.constant 0 : index
        %swap3A_437 = tpu.vector_load %arg6[%swap3A_434, %swap3A_435, %swap3A_436] {strides = array<i32>} : memref<4x128x128xf32, #tpu.memory_space<vmem>>, vector<1x1x16xf32>,
        %swap3A_438 = vector.shape_cast %swap3A_437 : vector<1x1x16xf32> to vector<16xf32>
        %swap3A_439 = vector.shape_cast %mul3A_432 : vector<16xf32> to vector<1x1x16xf32>
        tpu.vector_store %arg6[%swap3A_434, %swap3A_435, %swap3A_436], %swap3A_439 {strides = array<i32>} : memref<4x128x128xf32, #tpu.memory_space<vmem>>, vector<1x1x16xf32>,
        %mul3A_440 = arith.constant 4 : i32
        %mul3A_441 = arith.muli %scan3A_261, %mul3A_440 : i32
        %add3A_442 = arith.constant 1 : i32
        %add3A_443 = arith.addi %mul3A_441, %add3A_442 : i32
        %get3A_444 = arith.constant 2 : i32
        %get3A_445 = arith.index_cast %get3A_444 : i32 to index
        %get3A_446 = arith.index_cast %add3A_443 : i32 to index
        %get3A_447 = arith.constant 16 : index
        %get3A_448 = tpu.vector_load %arg6[%get3A_445, %get3A_446, %get3A_447] {strides = array<i32>} : memref<4x128x128xf32, #tpu.memory_space<vmem>>, vector<1x1x16xf32>,
        %get3A_449 = vector.shape_cast %get3A_448 : vector<1x1x16xf32> to vector<16xf32>
        %mul3A_450 = arith.constant 11.3137083 : f32
        %mul3A_451 = vector.broadcast %mul3A_450 : f32 to vector<16xf32>
        %mul3A_452 = arith.mulf %get3A_449, %mul3A_451 : vector<16xf32>
        %swap3A_453 = arith.constant 2 : i32
        %swap3A_454 = arith.index_cast %swap3A_453 : i32 to index
        %swap3A_455 = arith.index_cast %add3A_443 : i32 to index
        %swap3A_456 = arith.constant 16 : index
        %swap3A_457 = tpu.vector_load %arg6[%swap3A_454, %swap3A_455, %swap3A_456] {strides = array<i32>} : memref<4x128x128xf32, #tpu.memory_space<vmem>>, vector<1x1x16xf32>,
        %swap3A_458 = vector.shape_cast %swap3A_457 : vector<1x1x16xf32> to vector<16xf32>
        %swap3A_459 = vector.shape_cast %mul3A_452 : vector<16xf32> to vector<1x1x16xf32>
        tpu.vector_store %arg6[%swap3A_454, %swap3A_455, %swap3A_456], %swap3A_459 {strides = array<i32>} : memref<4x128x128xf32, #tpu.memory_space<vmem>>, vector<1x1x16xf32>,
        %mul3A_460 = arith.constant 4 : i32
        %mul3A_461 = arith.muli %scan3A_261, %mul3A_460 : i32
        %add3A_462 = arith.constant 1 : i32
        %add3A_463 = arith.addi %mul3A_461, %add3A_462 : i32
        %get3A_464 = arith.constant 2 : i32
        %get3A_465 = arith.index_cast %get3A_464 : i32 to index
        %get3A_466 = arith.index_cast %add3A_463 : i32 to index
        %get3A_467 = arith.constant 32 : index
        %get3A_468 = tpu.vector_load %arg6[%get3A_465, %get3A_466, %get3A_467] {strides = array<i32>} : memref<4x128x128xf32, #tpu.memory_space<vmem>>, vector<1x1x16xf32>,
        %get3A_469 = vector.shape_cast %get3A_468 : vector<1x1x16xf32> to vector<16xf32>
        %mul3A_470 = arith.constant 11.3137083 : f32
        %mul3A_471 = vector.broadcast %mul3A_470 : f32 to vector<16xf32>
        %mul3A_472 = arith.mulf %get3A_469, %mul3A_471 : vector<16xf32>
        %swap3A_473 = arith.constant 2 : i32
        %swap3A_474 = arith.index_cast %swap3A_473 : i32 to index
        %swap3A_475 = arith.index_cast %add3A_463 : i32 to index
        %swap3A_476 = arith.constant 32 : index
        %swap3A_477 = tpu.vector_load %arg6[%swap3A_474, %swap3A_475, %swap3A_476] {strides = array<i32>} : memref<4x128x128xf32, #tpu.memory_space<vmem>>, vector<1x1x16xf32>,
        %swap3A_478 = vector.shape_cast %swap3A_477 : vector<1x1x16xf32> to vector<16xf32>
        %swap3A_479 = vector.shape_cast %mul3A_472 : vector<16xf32> to vector<1x1x16xf32>
        tpu.vector_store %arg6[%swap3A_474, %swap3A_475, %swap3A_476], %swap3A_479 {strides = array<i32>} : memref<4x128x128xf32, #tpu.memory_space<vmem>>, vector<1x1x16xf32>,
        %mul3A_480 = arith.constant 4 : i32
        %mul3A_481 = arith.muli %scan3A_261, %mul3A_480 : i32
        %add3A_482 = arith.constant 1 : i32
        %add3A_483 = arith.addi %mul3A_481, %add3A_482 : i32
        %get3A_484 = arith.constant 2 : i32
        %get3A_485 = arith.index_cast %get3A_484 : i32 to index
        %get3A_486 = arith.index_cast %add3A_483 : i32 to index
        %get3A_487 = arith.constant 48 : index
        %get3A_488 = tpu.vector_load %arg6[%get3A_485, %get3A_486, %get3A_487] {strides = array<i32>} : memref<4x128x128xf32, #tpu.memory_space<vmem>>, vector<1x1x16xf32>,
        %get3A_489 = vector.shape_cast %get3A_488 : vector<1x1x16xf32> to vector<16xf32>
        %mul3A_490 = arith.constant 11.3137083 : f32
        %mul3A_491 = vector.broadcast %mul3A_490 : f32 to vector<16xf32>
        %mul3A_492 = arith.mulf %get3A_489, %mul3A_491 : vector<16xf32>
        %swap3A_493 = arith.constant 2 : i32
        %swap3A_494 = arith.index_cast %swap3A_493 : i32 to index
        %swap3A_495 = arith.index_cast %add3A_483 : i32 to index
        %swap3A_496 = arith.constant 48 : index
        %swap3A_497 = tpu.vector_load %arg6[%swap3A_494, %swap3A_495, %swap3A_496] {strides = array<i32>} : memref<4x128x128xf32, #tpu.memory_space<vmem>>, vector<1x1x16xf32>,
        %swap3A_498 = vector.shape_cast %swap3A_497 : vector<1x1x16xf32> to vector<16xf32>
        %swap3A_499 = vector.shape_cast %mul3A_492 : vector<16xf32> to vector<1x1x16xf32>
        tpu.vector_store %arg6[%swap3A_494, %swap3A_495, %swap3A_496], %swap3A_499 {strides = array<i32>} : memref<4x128x128xf32, #tpu.memory_space<vmem>>, vector<1x1x16xf32>,
        %mul3A_500 = arith.constant 4 : i32
        %mul3A_501 = arith.muli %scan3A_261, %mul3A_500 : i32
        %add3A_502 = arith.constant 1 : i32
        %add3A_503 = arith.addi %mul3A_501, %add3A_502 : i32
        %get3A_504 = arith.constant 2 : i32
        %get3A_505 = arith.index_cast %get3A_504 : i32 to index
        %get3A_506 = arith.index_cast %add3A_503 : i32 to index
        %get3A_507 = arith.constant 64 : index
        %get3A_508 = tpu.vector_load %arg6[%get3A_505, %get3A_506, %get3A_507] {strides = array<i32>} : memref<4x128x128xf32, #tpu.memory_space<vmem>>, vector<1x1x16xf32>,
        %get3A_509 = vector.shape_cast %get3A_508 : vector<1x1x16xf32> to vector<16xf32>
        %mul3A_510 = arith.constant 11.3137083 : f32
        %mul3A_511 = vector.broadcast %mul3A_510 : f32 to vector<16xf32>
        %mul3A_512 = arith.mulf %get3A_509, %mul3A_511 : vector<16xf32>
        %swap3A_513 = arith.constant 2 : i32
        %swap3A_514 = arith.index_cast %swap3A_513 : i32 to index
        %swap3A_515 = arith.index_cast %add3A_503 : i32 to index
        %swap3A_516 = arith.constant 64 : index
        %swap3A_517 = tpu.vector_load %arg6[%swap3A_514, %swap3A_515, %swap3A_516] {strides = array<i32>} : memref<4x128x128xf32, #tpu.memory_space<vmem>>, vector<1x1x16xf32>,
        %swap3A_518 = vector.shape_cast %swap3A_517 : vector<1x1x16xf32> to vector<16xf32>
        %swap3A_519 = vector.shape_cast %mul3A_512 : vector<16xf32> to vector<1x1x16xf32>
        tpu.vector_store %arg6[%swap3A_514, %swap3A_515, %swap3A_516], %swap3A_519 {strides = array<i32>} : memref<4x128x128xf32, #tpu.memory_space<vmem>>, vector<1x1x16xf32>,
        %mul3A_520 = arith.constant 4 : i32
        %mul3A_521 = arith.muli %scan3A_261, %mul3A_520 : i32
        %add3A_522 = arith.constant 1 : i32
        %add3A_523 = arith.addi %mul3A_521, %add3A_522 : i32
        %get3A_524 = arith.constant 2 : i32
        %get3A_525 = arith.index_cast %get3A_524 : i32 to index
        %get3A_526 = arith.index_cast %add3A_523 : i32 to index
        %get3A_527 = arith.constant 80 : index
        %get3A_528 = tpu.vector_load %arg6[%get3A_525, %get3A_526, %get3A_527] {strides = array<i32>} : memref<4x128x128xf32, #tpu.memory_space<vmem>>, vector<1x1x16xf32>,
        %get3A_529 = vector.shape_cast %get3A_528 : vector<1x1x16xf32> to vector<16xf32>
        %mul3A_530 = arith.constant 11.3137083 : f32
        %mul3A_531 = vector.broadcast %mul3A_530 : f32 to vector<16xf32>
        %mul3A_532 = arith.mulf %get3A_529, %mul3A_531 : vector<16xf32>
        %swap3A_533 = arith.constant 2 : i32
        %swap3A_534 = arith.index_cast %swap3A_533 : i32 to index
        %swap3A_535 = arith.index_cast %add3A_523 : i32 to index
        %swap3A_536 = arith.constant 80 : index
        %swap3A_537 = tpu.vector_load %arg6[%swap3A_534, %swap3A_535, %swap3A_536] {strides = array<i32>} : memref<4x128x128xf32, #tpu.memory_space<vmem>>, vector<1x1x16xf32>,
        %swap3A_538 = vector.shape_cast %swap3A_537 : vector<1x1x16xf32> to vector<16xf32>
        %swap3A_539 = vector.shape_cast %mul3A_532 : vector<16xf32> to vector<1x1x16xf32>
        tpu.vector_store %arg6[%swap3A_534, %swap3A_535, %swap3A_536], %swap3A_539 {strides = array<i32>} : memref<4x128x128xf32, #tpu.memory_space<vmem>>, vector<1x1x16xf32>,
        %mul3A_540 = arith.constant 4 : i32
        %mul3A_541 = arith.muli %scan3A_261, %mul3A_540 : i32
        %add3A_542 = arith.constant 1 : i32
        %add3A_543 = arith.addi %mul3A_541, %add3A_542 : i32
        %get3A_544 = arith.constant 2 : i32
        %get3A_545 = arith.index_cast %get3A_544 : i32 to index
        %get3A_546 = arith.index_cast %add3A_543 : i32 to index
        %get3A_547 = arith.constant 96 : index
        %get3A_548 = tpu.vector_load %arg6[%get3A_545, %get3A_546, %get3A_547] {strides = array<i32>} : memref<4x128x128xf32, #tpu.memory_space<vmem>>, vector<1x1x16xf32>,
        %get3A_549 = vector.shape_cast %get3A_548 : vector<1x1x16xf32> to vector<16xf32>
        %mul3A_550 = arith.constant 11.3137083 : f32
        %mul3A_551 = vector.broadcast %mul3A_550 : f32 to vector<16xf32>
        %mul3A_552 = arith.mulf %get3A_549, %mul3A_551 : vector<16xf32>
        %swap3A_553 = arith.constant 2 : i32
        %swap3A_554 = arith.index_cast %swap3A_553 : i32 to index
        %swap3A_555 = arith.index_cast %add3A_543 : i32 to index
        %swap3A_556 = arith.constant 96 : index
        %swap3A_557 = tpu.vector_load %arg6[%swap3A_554, %swap3A_555, %swap3A_556] {strides = array<i32>} : memref<4x128x128xf32, #tpu.memory_space<vmem>>, vector<1x1x16xf32>,
        %swap3A_558 = vector.shape_cast %swap3A_557 : vector<1x1x16xf32> to vector<16xf32>
        %swap3A_559 = vector.shape_cast %mul3A_552 : vector<16xf32> to vector<1x1x16xf32>
        tpu.vector_store %arg6[%swap3A_554, %swap3A_555, %swap3A_556], %swap3A_559 {strides = array<i32>} : memref<4x128x128xf32, #tpu.memory_space<vmem>>, vector<1x1x16xf32>,
        %mul3A_560 = arith.constant 4 : i32
        %mul3A_561 = arith.muli %scan3A_261, %mul3A_560 : i32
        %add3A_562 = arith.constant 1 : i32
        %add3A_563 = arith.addi %mul3A_561, %add3A_562 : i32
        %get3A_564 = arith.constant 2 : i32
        %get3A_565 = arith.index_cast %get3A_564 : i32 to index
        %get3A_566 = arith.index_cast %add3A_563 : i32 to index
        %get3A_567 = arith.constant 112 : index
        %get3A_568 = tpu.vector_load %arg6[%get3A_565, %get3A_566, %get3A_567] {strides = array<i32>} : memref<4x128x128xf32, #tpu.memory_space<vmem>>, vector<1x1x16xf32>,
        %get3A_569 = vector.shape_cast %get3A_568 : vector<1x1x16xf32> to vector<16xf32>
        %mul3A_570 = arith.constant 11.3137083 : f32
        %mul3A_571 = vector.broadcast %mul3A_570 : f32 to vector<16xf32>
        %mul3A_572 = arith.mulf %get3A_569, %mul3A_571 : vector<16xf32>
        %swap3A_573 = arith.constant 2 : i32
        %swap3A_574 = arith.index_cast %swap3A_573 : i32 to index
        %swap3A_575 = arith.index_cast %add3A_563 : i32 to index
        %swap3A_576 = arith.constant 112 : index
        %swap3A_577 = tpu.vector_load %arg6[%swap3A_574, %swap3A_575, %swap3A_576] {strides = array<i32>} : memref<4x128x128xf32, #tpu.memory_space<vmem>>, vector<1x1x16xf32>,
        %swap3A_578 = vector.shape_cast %swap3A_577 : vector<1x1x16xf32> to vector<16xf32>
        %swap3A_579 = vector.shape_cast %mul3A_572 : vector<16xf32> to vector<1x1x16xf32>
        tpu.vector_store %arg6[%swap3A_574, %swap3A_575, %swap3A_576], %swap3A_579 {strides = array<i32>} : memref<4x128x128xf32, #tpu.memory_space<vmem>>, vector<1x1x16xf32>,
        %mul3A_580 = arith.constant 4 : i32
        %mul3A_581 = arith.muli %scan3A_261, %mul3A_580 : i32
        %add3A_582 = arith.constant 2 : i32
        %add3A_583 = arith.addi %mul3A_581, %add3A_582 : i32
        %get3A_584 = arith.constant 2 : i32
        %get3A_585 = arith.index_cast %get3A_584 : i32 to index
        %get3A_586 = arith.index_cast %add3A_583 : i32 to index
        %get3A_587 = arith.constant 0 : index
        %get3A_588 = tpu.vector_load %arg6[%get3A_585, %get3A_586, %get3A_587] {strides = array<i32>} : memref<4x128x128xf32, #tpu.memory_space<vmem>>, vector<1x1x16xf32>,
        %get3A_589 = vector.shape_cast %get3A_588 : vector<1x1x16xf32> to vector<16xf32>
        %mul3A_590 = arith.constant 11.3137083 : f32
        %mul3A_591 = vector.broadcast %mul3A_590 : f32 to vector<16xf32>
        %mul3A_592 = arith.mulf %get3A_589, %mul3A_591 : vector<16xf32>
        %swap3A_593 = arith.constant 2 : i32
        %swap3A_594 = arith.index_cast %swap3A_593 : i32 to index
        %swap3A_595 = arith.index_cast %add3A_583 : i32 to index
        %swap3A_596 = arith.constant 0 : index
        %swap3A_597 = tpu.vector_load %arg6[%swap3A_594, %swap3A_595, %swap3A_596] {strides = array<i32>} : memref<4x128x128xf32, #tpu.memory_space<vmem>>, vector<1x1x16xf32>,
        %swap3A_598 = vector.shape_cast %swap3A_597 : vector<1x1x16xf32> to vector<16xf32>
        %swap3A_599 = vector.shape_cast %mul3A_592 : vector<16xf32> to vector<1x1x16xf32>
        tpu.vector_store %arg6[%swap3A_594, %swap3A_595, %swap3A_596], %swap3A_599 {strides = array<i32>} : memref<4x128x128xf32, #tpu.memory_space<vmem>>, vector<1x1x16xf32>,
        %mul3A_600 = arith.constant 4 : i32
        %mul3A_601 = arith.muli %scan3A_261, %mul3A_600 : i32
        %add3A_602 = arith.constant 2 : i32
        %add3A_603 = arith.addi %mul3A_601, %add3A_602 : i32
        %get3A_604 = arith.constant 2 : i32
        %get3A_605 = arith.index_cast %get3A_604 : i32 to index
        %get3A_606 = arith.index_cast %add3A_603 : i32 to index
        %get3A_607 = arith.constant 16 : index
        %get3A_608 = tpu.vector_load %arg6[%get3A_605, %get3A_606, %get3A_607] {strides = array<i32>} : memref<4x128x128xf32, #tpu.memory_space<vmem>>, vector<1x1x16xf32>,
        %get3A_609 = vector.shape_cast %get3A_608 : vector<1x1x16xf32> to vector<16xf32>
        %mul3A_610 = arith.constant 11.3137083 : f32
        %mul3A_611 = vector.broadcast %mul3A_610 : f32 to vector<16xf32>
        %mul3A_612 = arith.mulf %get3A_609, %mul3A_611 : vector<16xf32>
        %swap3A_613 = arith.constant 2 : i32
        %swap3A_614 = arith.index_cast %swap3A_613 : i32 to index
        %swap3A_615 = arith.index_cast %add3A_603 : i32 to index
        %swap3A_616 = arith.constant 16 : index
        %swap3A_617 = tpu.vector_load %arg6[%swap3A_614, %swap3A_615, %swap3A_616] {strides = array<i32>} : memref<4x128x128xf32, #tpu.memory_space<vmem>>, vector<1x1x16xf32>,
        %swap3A_618 = vector.shape_cast %swap3A_617 : vector<1x1x16xf32> to vector<16xf32>
        %swap3A_619 = vector.shape_cast %mul3A_612 : vector<16xf32> to vector<1x1x16xf32>
        tpu.vector_store %arg6[%swap3A_614, %swap3A_615, %swap3A_616], %swap3A_619 {strides = array<i32>} : memref<4x128x128xf32, #tpu.memory_space<vmem>>, vector<1x1x16xf32>,
        %mul3A_620 = arith.constant 4 : i32
        %mul3A_621 = arith.muli %scan3A_261, %mul3A_620 : i32
        %add3A_622 = arith.constant 2 : i32
        %add3A_623 = arith.addi %mul3A_621, %add3A_622 : i32
        %get3A_624 = arith.constant 2 : i32
        %get3A_625 = arith.index_cast %get3A_624 : i32 to index
        %get3A_626 = arith.index_cast %add3A_623 : i32 to index
        %get3A_627 = arith.constant 32 : index
        %get3A_628 = tpu.vector_load %arg6[%get3A_625, %get3A_626, %get3A_627] {strides = array<i32>} : memref<4x128x128xf32, #tpu.memory_space<vmem>>, vector<1x1x16xf32>,
        %get3A_629 = vector.shape_cast %get3A_628 : vector<1x1x16xf32> to vector<16xf32>
        %mul3A_630 = arith.constant 11.3137083 : f32
        %mul3A_631 = vector.broadcast %mul3A_630 : f32 to vector<16xf32>
        %mul3A_632 = arith.mulf %get3A_629, %mul3A_631 : vector<16xf32>
        %swap3A_633 = arith.constant 2 : i32
        %swap3A_634 = arith.index_cast %swap3A_633 : i32 to index
        %swap3A_635 = arith.index_cast %add3A_623 : i32 to index
        %swap3A_636 = arith.constant 32 : index
        %swap3A_637 = tpu.vector_load %arg6[%swap3A_634, %swap3A_635, %swap3A_636] {strides = array<i32>} : memref<4x128x128xf32, #tpu.memory_space<vmem>>, vector<1x1x16xf32>,
        %swap3A_638 = vector.shape_cast %swap3A_637 : vector<1x1x16xf32> to vector<16xf32>
        %swap3A_639 = vector.shape_cast %mul3A_632 : vector<16xf32> to vector<1x1x16xf32>
        tpu.vector_store %arg6[%swap3A_634, %swap3A_635, %swap3A_636], %swap3A_639 {strides = array<i32>} : memref<4x128x128xf32, #tpu.memory_space<vmem>>, vector<1x1x16xf32>,
        %mul3A_640 = arith.constant 4 : i32
        %mul3A_641 = arith.muli %scan3A_261, %mul3A_640 : i32
        %add3A_642 = arith.constant 2 : i32
        %add3A_643 = arith.addi %mul3A_641, %add3A_642 : i32
        %get3A_644 = arith.constant 2 : i32
        %get3A_645 = arith.index_cast %get3A_644 : i32 to index
        %get3A_646 = arith.index_cast %add3A_643 : i32 to index
        %get3A_647 = arith.constant 48 : index
        %get3A_648 = tpu.vector_load %arg6[%get3A_645, %get3A_646, %get3A_647] {strides = array<i32>} : memref<4x128x128xf32, #tpu.memory_space<vmem>>, vector<1x1x16xf32>,
        %get3A_649 = vector.shape_cast %get3A_648 : vector<1x1x16xf32> to vector<16xf32>
        %mul3A_650 = arith.constant 11.3137083 : f32
        %mul3A_651 = vector.broadcast %mul3A_650 : f32 to vector<16xf32>
        %mul3A_652 = arith.mulf %get3A_649, %mul3A_651 : vector<16xf32>
        %swap3A_653 = arith.constant 2 : i32
        %swap3A_654 = arith.index_cast %swap3A_653 : i32 to index
        %swap3A_655 = arith.index_cast %add3A_643 : i32 to index
        %swap3A_656 = arith.constant 48 : index
        %swap3A_657 = tpu.vector_load %arg6[%swap3A_654, %swap3A_655, %swap3A_656] {strides = array<i32>} : memref<4x128x128xf32, #tpu.memory_space<vmem>>, vector<1x1x16xf32>,
        %swap3A_658 = vector.shape_cast %swap3A_657 : vector<1x1x16xf32> to vector<16xf32>
        %swap3A_659 = vector.shape_cast %mul3A_652 : vector<16xf32> to vector<1x1x16xf32>
        tpu.vector_store %arg6[%swap3A_654, %swap3A_655, %swap3A_656], %swap3A_659 {strides = array<i32>} : memref<4x128x128xf32, #tpu.memory_space<vmem>>, vector<1x1x16xf32>,
        %mul3A_660 = arith.constant 4 : i32
        %mul3A_661 = arith.muli %scan3A_261, %mul3A_660 : i32
        %add3A_662 = arith.constant 2 : i32
        %add3A_663 = arith.addi %mul3A_661, %add3A_662 : i32
        %get3A_664 = arith.constant 2 : i32
        %get3A_665 = arith.index_cast %get3A_664 : i32 to index
        %get3A_666 = arith.index_cast %add3A_663 : i32 to index
        %get3A_667 = arith.constant 64 : index
        %get3A_668 = tpu.vector_load %arg6[%get3A_665, %get3A_666, %get3A_667] {strides = array<i32>} : memref<4x128x128xf32, #tpu.memory_space<vmem>>, vector<1x1x16xf32>,
        %get3A_669 = vector.shape_cast %get3A_668 : vector<1x1x16xf32> to vector<16xf32>
        %mul3A_670 = arith.constant 11.3137083 : f32
        %mul3A_671 = vector.broadcast %mul3A_670 : f32 to vector<16xf32>
        %mul3A_672 = arith.mulf %get3A_669, %mul3A_671 : vector<16xf32>
        %swap3A_673 = arith.constant 2 : i32
        %swap3A_674 = arith.index_cast %swap3A_673 : i32 to index
        %swap3A_675 = arith.index_cast %add3A_663 : i32 to index
        %swap3A_676 = arith.constant 64 : index
        %swap3A_677 = tpu.vector_load %arg6[%swap3A_674, %swap3A_675, %swap3A_676] {strides = array<i32>} : memref<4x128x128xf32, #tpu.memory_space<vmem>>, vector<1x1x16xf32>,
        %swap3A_678 = vector.shape_cast %swap3A_677 : vector<1x1x16xf32> to vector<16xf32>
        %swap3A_679 = vector.shape_cast %mul3A_672 : vector<16xf32> to vector<1x1x16xf32>
        tpu.vector_store %arg6[%swap3A_674, %swap3A_675, %swap3A_676], %swap3A_679 {strides = array<i32>} : memref<4x128x128xf32, #tpu.memory_space<vmem>>, vector<1x1x16xf32>,
        %mul3A_680 = arith.constant 4 : i32
        %mul3A_681 = arith.muli %scan3A_261, %mul3A_680 : i32
        %add3A_682 = arith.constant 2 : i32
        %add3A_683 = arith.addi %mul3A_681, %add3A_682 : i32
        %get3A_684 = arith.constant 2 : i32
        %get3A_685 = arith.index_cast %get3A_684 : i32 to index
        %get3A_686 = arith.index_cast %add3A_683 : i32 to index
        %get3A_687 = arith.constant 80 : index
        %get3A_688 = tpu.vector_load %arg6[%get3A_685, %get3A_686, %get3A_687] {strides = array<i32>} : memref<4x128x128xf32, #tpu.memory_space<vmem>>, vector<1x1x16xf32>,
        %get3A_689 = vector.shape_cast %get3A_688 : vector<1x1x16xf32> to vector<16xf32>
        %mul3A_690 = arith.constant 11.3137083 : f32
        %mul3A_691 = vector.broadcast %mul3A_690 : f32 to vector<16xf32>
        %mul3A_692 = arith.mulf %get3A_689, %mul3A_691 : vector<16xf32>
        %swap3A_693 = arith.constant 2 : i32
        %swap3A_694 = arith.index_cast %swap3A_693 : i32 to index
        %swap3A_695 = arith.index_cast %add3A_683 : i32 to index
        %swap3A_696 = arith.constant 80 : index
        %swap3A_697 = tpu.vector_load %arg6[%swap3A_694, %swap3A_695, %swap3A_696] {strides = array<i32>} : memref<4x128x128xf32, #tpu.memory_space<vmem>>, vector<1x1x16xf32>,
        %swap3A_698 = vector.shape_cast %swap3A_697 : vector<1x1x16xf32> to vector<16xf32>
        %swap3A_699 = vector.shape_cast %mul3A_692 : vector<16xf32> to vector<1x1x16xf32>
        tpu.vector_store %arg6[%swap3A_694, %swap3A_695, %swap3A_696], %swap3A_699 {strides = array<i32>} : memref<4x128x128xf32, #tpu.memory_space<vmem>>, vector<1x1x16xf32>,
        %mul3A_700 = arith.constant 4 : i32
        %mul3A_701 = arith.muli %scan3A_261, %mul3A_700 : i32
        %add3A_702 = arith.constant 2 : i32
        %add3A_703 = arith.addi %mul3A_701, %add3A_702 : i32
        %get3A_704 = arith.constant 2 : i32
        %get3A_705 = arith.index_cast %get3A_704 : i32 to index
        %get3A_706 = arith.index_cast %add3A_703 : i32 to index
        %get3A_707 = arith.constant 96 : index
        %get3A_708 = tpu.vector_load %arg6[%get3A_705, %get3A_706, %get3A_707] {strides = array<i32>} : memref<4x128x128xf32, #tpu.memory_space<vmem>>, vector<1x1x16xf32>,
        %get3A_709 = vector.shape_cast %get3A_708 : vector<1x1x16xf32> to vector<16xf32>
        %mul3A_710 = arith.constant 11.3137083 : f32
        %mul3A_711 = vector.broadcast %mul3A_710 : f32 to vector<16xf32>
        %mul3A_712 = arith.mulf %get3A_709, %mul3A_711 : vector<16xf32>
        %swap3A_713 = arith.constant 2 : i32
        %swap3A_714 = arith.index_cast %swap3A_713 : i32 to index
        %swap3A_715 = arith.index_cast %add3A_703 : i32 to index
        %swap3A_716 = arith.constant 96 : index
        %swap3A_717 = tpu.vector_load %arg6[%swap3A_714, %swap3A_715, %swap3A_716] {strides = array<i32>} : memref<4x128x128xf32, #tpu.memory_space<vmem>>, vector<1x1x16xf32>,
        %swap3A_718 = vector.shape_cast %swap3A_717 : vector<1x1x16xf32> to vector<16xf32>
        %swap3A_719 = vector.shape_cast %mul3A_712 : vector<16xf32> to vector<1x1x16xf32>
        tpu.vector_store %arg6[%swap3A_714, %swap3A_715, %swap3A_716], %swap3A_719 {strides = array<i32>} : memref<4x128x128xf32, #tpu.memory_space<vmem>>, vector<1x1x16xf32>,
        %mul3A_720 = arith.constant 4 : i32
        %mul3A_721 = arith.muli %scan3A_261, %mul3A_720 : i32
        %add3A_722 = arith.constant 2 : i32
        %add3A_723 = arith.addi %mul3A_721, %add3A_722 : i32
        %get3A_724 = arith.constant 2 : i32
        %get3A_725 = arith.index_cast %get3A_724 : i32 to index
        %get3A_726 = arith.index_cast %add3A_723 : i32 to index
        %get3A_727 = arith.constant 112 : index
        %get3A_728 = tpu.vector_load %arg6[%get3A_725, %get3A_726, %get3A_727] {strides = array<i32>} : memref<4x128x128xf32, #tpu.memory_space<vmem>>, vector<1x1x16xf32>,
        %get3A_729 = vector.shape_cast %get3A_728 : vector<1x1x16xf32> to vector<16xf32>
        %mul3A_730 = arith.constant 11.3137083 : f32
        %mul3A_731 = vector.broadcast %mul3A_730 : f32 to vector<16xf32>
        %mul3A_732 = arith.mulf %get3A_729, %mul3A_731 : vector<16xf32>
        %swap3A_733 = arith.constant 2 : i32
        %swap3A_734 = arith.index_cast %swap3A_733 : i32 to index
        %swap3A_735 = arith.index_cast %add3A_723 : i32 to index
        %swap3A_736 = arith.constant 112 : index
        %swap3A_737 = tpu.vector_load %arg6[%swap3A_734, %swap3A_735, %swap3A_736] {strides = array<i32>} : memref<4x128x128xf32, #tpu.memory_space<vmem>>, vector<1x1x16xf32>,
        %swap3A_738 = vector.shape_cast %swap3A_737 : vector<1x1x16xf32> to vector<16xf32>
        %swap3A_739 = vector.shape_cast %mul3A_732 : vector<16xf32> to vector<1x1x16xf32>
        tpu.vector_store %arg6[%swap3A_734, %swap3A_735, %swap3A_736], %swap3A_739 {strides = array<i32>} : memref<4x128x128xf32, #tpu.memory_space<vmem>>, vector<1x1x16xf32>,
        %mul3A_740 = arith.constant 4 : i32
        %mul3A_741 = arith.muli %scan3A_261, %mul3A_740 : i32
        %add3A_742 = arith.constant 3 : i32
        %add3A_743 = arith.addi %mul3A_741, %add3A_742 : i32
        %get3A_744 = arith.constant 2 : i32
        %get3A_745 = arith.index_cast %get3A_744 : i32 to index
        %get3A_746 = arith.index_cast %add3A_743 : i32 to index
        %get3A_747 = arith.constant 0 : index
        %get3A_748 = tpu.vector_load %arg6[%get3A_745, %get3A_746, %get3A_747] {strides = array<i32>} : memref<4x128x128xf32, #tpu.memory_space<vmem>>, vector<1x1x16xf32>,
        %get3A_749 = vector.shape_cast %get3A_748 : vector<1x1x16xf32> to vector<16xf32>
        %mul3A_750 = arith.constant 11.3137083 : f32
        %mul3A_751 = vector.broadcast %mul3A_750 : f32 to vector<16xf32>
        %mul3A_752 = arith.mulf %get3A_749, %mul3A_751 : vector<16xf32>
        %swap3A_753 = arith.constant 2 : i32
        %swap3A_754 = arith.index_cast %swap3A_753 : i32 to index
        %swap3A_755 = arith.index_cast %add3A_743 : i32 to index
        %swap3A_756 = arith.constant 0 : index
        %swap3A_757 = tpu.vector_load %arg6[%swap3A_754, %swap3A_755, %swap3A_756] {strides = array<i32>} : memref<4x128x128xf32, #tpu.memory_space<vmem>>, vector<1x1x16xf32>,
        %swap3A_758 = vector.shape_cast %swap3A_757 : vector<1x1x16xf32> to vector<16xf32>
        %swap3A_759 = vector.shape_cast %mul3A_752 : vector<16xf32> to vector<1x1x16xf32>
        tpu.vector_store %arg6[%swap3A_754, %swap3A_755, %swap3A_756], %swap3A_759 {strides = array<i32>} : memref<4x128x128xf32, #tpu.memory_space<vmem>>, vector<1x1x16xf32>,
        %mul3A_760 = arith.constant 4 : i32
        %mul3A_761 = arith.muli %scan3A_261, %mul3A_760 : i32
        %add3A_762 = arith.constant 3 : i32
        %add3A_763 = arith.addi %mul3A_761, %add3A_762 : i32
        %get3A_764 = arith.constant 2 : i32
        %get3A_765 = arith.index_cast %get3A_764 : i32 to index
        %get3A_766 = arith.index_cast %add3A_763 : i32 to index
        %get3A_767 = arith.constant 16 : index
        %get3A_768 = tpu.vector_load %arg6[%get3A_765, %get3A_766, %get3A_767] {strides = array<i32>} : memref<4x128x128xf32, #tpu.memory_space<vmem>>, vector<1x1x16xf32>,
        %get3A_769 = vector.shape_cast %get3A_768 : vector<1x1x16xf32> to vector<16xf32>
        %mul3A_770 = arith.constant 11.3137083 : f32
        %mul3A_771 = vector.broadcast %mul3A_770 : f32 to vector<16xf32>
        %mul3A_772 = arith.mulf %get3A_769, %mul3A_771 : vector<16xf32>
        %swap3A_773 = arith.constant 2 : i32
        %swap3A_774 = arith.index_cast %swap3A_773 : i32 to index
        %swap3A_775 = arith.index_cast %add3A_763 : i32 to index
        %swap3A_776 = arith.constant 16 : index
        %swap3A_777 = tpu.vector_load %arg6[%swap3A_774, %swap3A_775, %swap3A_776] {strides = array<i32>} : memref<4x128x128xf32, #tpu.memory_space<vmem>>, vector<1x1x16xf32>,
        %swap3A_778 = vector.shape_cast %swap3A_777 : vector<1x1x16xf32> to vector<16xf32>
        %swap3A_779 = vector.shape_cast %mul3A_772 : vector<16xf32> to vector<1x1x16xf32>
        tpu.vector_store %arg6[%swap3A_774, %swap3A_775, %swap3A_776], %swap3A_779 {strides = array<i32>} : memref<4x128x128xf32, #tpu.memory_space<vmem>>, vector<1x1x16xf32>,
        %mul3A_780 = arith.constant 4 : i32
        %mul3A_781 = arith.muli %scan3A_261, %mul3A_780 : i32
        %add3A_782 = arith.constant 3 : i32
        %add3A_783 = arith.addi %mul3A_781, %add3A_782 : i32
        %get3A_784 = arith.constant 2 : i32
        %get3A_785 = arith.index_cast %get3A_784 : i32 to index
        %get3A_786 = arith.index_cast %add3A_783 : i32 to index
        %get3A_787 = arith.constant 32 : index
        %get3A_788 = tpu.vector_load %arg6[%get3A_785, %get3A_786, %get3A_787] {strides = array<i32>} : memref<4x128x128xf32, #tpu.memory_space<vmem>>, vector<1x1x16xf32>,
        %get3A_789 = vector.shape_cast %get3A_788 : vector<1x1x16xf32> to vector<16xf32>
        %mul3A_790 = arith.constant 11.3137083 : f32
        %mul3A_791 = vector.broadcast %mul3A_790 : f32 to vector<16xf32>
        %mul3A_792 = arith.mulf %get3A_789, %mul3A_791 : vector<16xf32>
        %swap3A_793 = arith.constant 2 : i32
        %swap3A_794 = arith.index_cast %swap3A_793 : i32 to index
        %swap3A_795 = arith.index_cast %add3A_783 : i32 to index
        %swap3A_796 = arith.constant 32 : index
        %swap3A_797 = tpu.vector_load %arg6[%swap3A_794, %swap3A_795, %swap3A_796] {strides = array<i32>} : memref<4x128x128xf32, #tpu.memory_space<vmem>>, vector<1x1x16xf32>,
        %swap3A_798 = vector.shape_cast %swap3A_797 : vector<1x1x16xf32> to vector<16xf32>
        %swap3A_799 = vector.shape_cast %mul3A_792 : vector<16xf32> to vector<1x1x16xf32>
        tpu.vector_store %arg6[%swap3A_794, %swap3A_795, %swap3A_796], %swap3A_799 {strides = array<i32>} : memref<4x128x128xf32, #tpu.memory_space<vmem>>, vector<1x1x16xf32>,
        %mul3A_800 = arith.constant 4 : i32
        %mul3A_801 = arith.muli %scan3A_261, %mul3A_800 : i32
        %add3A_802 = arith.constant 3 : i32
        %add3A_803 = arith.addi %mul3A_801, %add3A_802 : i32
        %get3A_804 = arith.constant 2 : i32
        %get3A_805 = arith.index_cast %get3A_804 : i32 to index
        %get3A_806 = arith.index_cast %add3A_803 : i32 to index
        %get3A_807 = arith.constant 48 : index
        %get3A_808 = tpu.vector_load %arg6[%get3A_805, %get3A_806, %get3A_807] {strides = array<i32>} : memref<4x128x128xf32, #tpu.memory_space<vmem>>, vector<1x1x16xf32>,
        %get3A_809 = vector.shape_cast %get3A_808 : vector<1x1x16xf32> to vector<16xf32>
        %mul3A_810 = arith.constant 11.3137083 : f32
        %mul3A_811 = vector.broadcast %mul3A_810 : f32 to vector<16xf32>
        %mul3A_812 = arith.mulf %get3A_809, %mul3A_811 : vector<16xf32>
        %swap3A_813 = arith.constant 2 : i32
        %swap3A_814 = arith.index_cast %swap3A_813 : i32 to index
        %swap3A_815 = arith.index_cast %add3A_803 : i32 to index
        %swap3A_816 = arith.constant 48 : index
        %swap3A_817 = tpu.vector_load %arg6[%swap3A_814, %swap3A_815, %swap3A_816] {strides = array<i32>} : memref<4x128x128xf32, #tpu.memory_space<vmem>>, vector<1x1x16xf32>,
        %swap3A_818 = vector.shape_cast %swap3A_817 : vector<1x1x16xf32> to vector<16xf32>
        %swap3A_819 = vector.shape_cast %mul3A_812 : vector<16xf32> to vector<1x1x16xf32>
        tpu.vector_store %arg6[%swap3A_814, %swap3A_815, %swap3A_816], %swap3A_819 {strides = array<i32>} : memref<4x128x128xf32, #tpu.memory_space<vmem>>, vector<1x1x16xf32>,
        %mul3A_820 = arith.constant 4 : i32
        %mul3A_821 = arith.muli %scan3A_261, %mul3A_820 : i32
        %add3A_822 = arith.constant 3 : i32
        %add3A_823 = arith.addi %mul3A_821, %add3A_822 : i32
        %get3A_824 = arith.constant 2 : i32
        %get3A_825 = arith.index_cast %get3A_824 : i32 to index
        %get3A_826 = arith.index_cast %add3A_823 : i32 to index
        %get3A_827 = arith.constant 64 : index
        %get3A_828 = tpu.vector_load %arg6[%get3A_825, %get3A_826, %get3A_827] {strides = array<i32>} : memref<4x128x128xf32, #tpu.memory_space<vmem>>, vector<1x1x16xf32>,
        %get3A_829 = vector.shape_cast %get3A_828 : vector<1x1x16xf32> to vector<16xf32>
        %mul3A_830 = arith.constant 11.3137083 : f32
        %mul3A_831 = vector.broadcast %mul3A_830 : f32 to vector<16xf32>
        %mul3A_832 = arith.mulf %get3A_829, %mul3A_831 : vector<16xf32>
        %swap3A_833 = arith.constant 2 : i32
        %swap3A_834 = arith.index_cast %swap3A_833 : i32 to index
        %swap3A_835 = arith.index_cast %add3A_823 : i32 to index
        %swap3A_836 = arith.constant 64 : index
        %swap3A_837 = tpu.vector_load %arg6[%swap3A_834, %swap3A_835, %swap3A_836] {strides = array<i32>} : memref<4x128x128xf32, #tpu.memory_space<vmem>>, vector<1x1x16xf32>,
        %swap3A_838 = vector.shape_cast %swap3A_837 : vector<1x1x16xf32> to vector<16xf32>
        %swap3A_839 = vector.shape_cast %mul3A_832 : vector<16xf32> to vector<1x1x16xf32>
        tpu.vector_store %arg6[%swap3A_834, %swap3A_835, %swap3A_836], %swap3A_839 {strides = array<i32>} : memref<4x128x128xf32, #tpu.memory_space<vmem>>, vector<1x1x16xf32>,
        %mul3A_840 = arith.constant 4 : i32
        %mul3A_841 = arith.muli %scan3A_261, %mul3A_840 : i32
        %add3A_842 = arith.constant 3 : i32
        %add3A_843 = arith.addi %mul3A_841, %add3A_842 : i32
        %get3A_844 = arith.constant 2 : i32
        %get3A_845 = arith.index_cast %get3A_844 : i32 to index
        %get3A_846 = arith.index_cast %add3A_843 : i32 to index
        %get3A_847 = arith.constant 80 : index
        %get3A_848 = tpu.vector_load %arg6[%get3A_845, %get3A_846, %get3A_847] {strides = array<i32>} : memref<4x128x128xf32, #tpu.memory_space<vmem>>, vector<1x1x16xf32>,
        %get3A_849 = vector.shape_cast %get3A_848 : vector<1x1x16xf32> to vector<16xf32>
        %mul3A_850 = arith.constant 11.3137083 : f32
        %mul3A_851 = vector.broadcast %mul3A_850 : f32 to vector<16xf32>
        %mul3A_852 = arith.mulf %get3A_849, %mul3A_851 : vector<16xf32>
        %swap3A_853 = arith.constant 2 : i32
        %swap3A_854 = arith.index_cast %swap3A_853 : i32 to index
        %swap3A_855 = arith.index_cast %add3A_843 : i32 to index
        %swap3A_856 = arith.constant 80 : index
        %swap3A_857 = tpu.vector_load %arg6[%swap3A_854, %swap3A_855, %swap3A_856] {strides = array<i32>} : memref<4x128x128xf32, #tpu.memory_space<vmem>>, vector<1x1x16xf32>,
        %swap3A_858 = vector.shape_cast %swap3A_857 : vector<1x1x16xf32> to vector<16xf32>
        %swap3A_859 = vector.shape_cast %mul3A_852 : vector<16xf32> to vector<1x1x16xf32>
        tpu.vector_store %arg6[%swap3A_854, %swap3A_855, %swap3A_856], %swap3A_859 {strides = array<i32>} : memref<4x128x128xf32, #tpu.memory_space<vmem>>, vector<1x1x16xf32>,
        %mul3A_860 = arith.constant 4 : i32
        %mul3A_861 = arith.muli %scan3A_261, %mul3A_860 : i32
        %add3A_862 = arith.constant 3 : i32
        %add3A_863 = arith.addi %mul3A_861, %add3A_862 : i32
        %get3A_864 = arith.constant 2 : i32
        %get3A_865 = arith.index_cast %get3A_864 : i32 to index
        %get3A_866 = arith.index_cast %add3A_863 : i32 to index
        %get3A_867 = arith.constant 96 : index
        %get3A_868 = tpu.vector_load %arg6[%get3A_865, %get3A_866, %get3A_867] {strides = array<i32>} : memref<4x128x128xf32, #tpu.memory_space<vmem>>, vector<1x1x16xf32>,
        %get3A_869 = vector.shape_cast %get3A_868 : vector<1x1x16xf32> to vector<16xf32>
        %mul3A_870 = arith.constant 11.3137083 : f32
        %mul3A_871 = vector.broadcast %mul3A_870 : f32 to vector<16xf32>
        %mul3A_872 = arith.mulf %get3A_869, %mul3A_871 : vector<16xf32>
        %swap3A_873 = arith.constant 2 : i32
        %swap3A_874 = arith.index_cast %swap3A_873 : i32 to index
        %swap3A_875 = arith.index_cast %add3A_863 : i32 to index
        %swap3A_876 = arith.constant 96 : index
        %swap3A_877 = tpu.vector_load %arg6[%swap3A_874, %swap3A_875, %swap3A_876] {strides = array<i32>} : memref<4x128x128xf32, #tpu.memory_space<vmem>>, vector<1x1x16xf32>,
        %swap3A_878 = vector.shape_cast %swap3A_877 : vector<1x1x16xf32> to vector<16xf32>
        %swap3A_879 = vector.shape_cast %mul3A_872 : vector<16xf32> to vector<1x1x16xf32>
        tpu.vector_store %arg6[%swap3A_874, %swap3A_875, %swap3A_876], %swap3A_879 {strides = array<i32>} : memref<4x128x128xf32, #tpu.memory_space<vmem>>, vector<1x1x16xf32>,
        %mul3A_880 = arith.constant 4 : i32
        %mul3A_881 = arith.muli %scan3A_261, %mul3A_880 : i32
        %add3A_882 = arith.constant 3 : i32
        %add3A_883 = arith.addi %mul3A_881, %add3A_882 : i32
        %get3A_884 = arith.constant 2 : i32
        %get3A_885 = arith.index_cast %get3A_884 : i32 to index
        %get3A_886 = arith.index_cast %add3A_883 : i32 to index
        %get3A_887 = arith.constant 112 : index
        %get3A_888 = tpu.vector_load %arg6[%get3A_885, %get3A_886, %get3A_887] {strides = array<i32>} : memref<4x128x128xf32, #tpu.memory_space<vmem>>, vector<1x1x16xf32>,
        %get3A_889 = vector.shape_cast %get3A_888 : vector<1x1x16xf32> to vector<16xf32>
        %mul3A_890 = arith.constant 11.3137083 : f32
        %mul3A_891 = vector.broadcast %mul3A_890 : f32 to vector<16xf32>
        %mul3A_892 = arith.mulf %get3A_889, %mul3A_891 : vector<16xf32>
        %swap3A_893 = arith.constant 2 : i32
        %swap3A_894 = arith.index_cast %swap3A_893 : i32 to index
        %swap3A_895 = arith.index_cast %add3A_883 : i32 to index
        %swap3A_896 = arith.constant 112 : index
        %swap3A_897 = tpu.vector_load %arg6[%swap3A_894, %swap3A_895, %swap3A_896] {strides = array<i32>} : memref<4x128x128xf32, #tpu.memory_space<vmem>>, vector<1x1x16xf32>,
        %swap3A_898 = vector.shape_cast %swap3A_897 : vector<1x1x16xf32> to vector<16xf32>
        %swap3A_899 = vector.shape_cast %mul3A_892 : vector<16xf32> to vector<1x1x16xf32>
        tpu.vector_store %arg6[%swap3A_894, %swap3A_895, %swap3A_896], %swap3A_899 {strides = array<i32>} : memref<4x128x128xf32, #tpu.memory_space<vmem>>, vector<1x1x16xf32>,
      }
      %scan3A_200 = arith.constant 32 : i32
      %mul3A_201 = arith.constant 4 : i32
      %mul3A_202 = arith.muli %scan3A_106, %mul3A_201 : i32
      %add3A_203 = arith.constant 2 : i32
      %add3A_204 = arith.addi %mul3A_202, %add3A_203 : i32
      %mul3A_205 = arith.constant 128 : i32
      %mul3A_206 = arith.muli %add3A_204, %mul3A_205 : i32
      %add3A_207 = arith.addi %mul3A_2, %mul3A_206 : i32
      %dma_start3A_208 = arith.constant 2 : i32
      %dma_start3A_209 = arith.constant 0 : i32
      %dma_start3A_210 = arith.constant 0 : i32
      %dma_start3A_211 = tpu.memref_slice %arg6[%dma_start3A_208, %dma_start3A_209, %dma_start3A_210] : memref<4x128x128xf32, #tpu.memory_space<vmem>> -> memref<1x128x128xf32, #tpu.memory_space<vmem>>
      %dma_start3A_212 = tpu.memref_squeeze %dma_start3A_211 : memref<1x128x128xf32, #tpu.memory_space<vmem>> -> memref<128x128xf32, #tpu.memory_space<vmem>>
      %dma_start3A_213 = arith.constant 0 : i32
      %dma_start3A_214 = tpu.memref_slice %arg4[%add3A_207, %dma_start3A_213] : memref<819200x128xf32, #tpu.memory_space<hbm>> -> memref<128x128xf32, #tpu.memory_space<hbm>>
      %dma_start3A_215 = arith.constant 0 : i32
      %dma_start3A_216 = tpu.memref_slice %arg4[%add3A_207, %dma_start3A_215] : memref<819200x128xf32, #tpu.memory_space<hbm>> -> memref<128x128xf32, #tpu.memory_space<hbm>>
      %dma_start3A_217 = arith.constant 0 : i32
      %dma_start3A_218 = arith.constant 0 : i32
      %dma_start3A_219 = tpu.memref_slice %arg6[%dma_start3A_208, %dma_start3A_217, %dma_start3A_218] : memref<4x128x128xf32, #tpu.memory_space<vmem>> -> memref<1x128x128xf32, #tpu.memory_space<vmem>>
      %dma_start3A_220 = tpu.memref_squeeze %dma_start3A_219 : memref<1x128x128xf32, #tpu.memory_space<vmem>> -> memref<128x128xf32, #tpu.memory_space<vmem>>
      tpu.enqueue_dma source(%dma_start3A_220 : memref<128x128xf32, #tpu.memory_space<vmem>>) target(%dma_start3A_216 : memref<128x128xf32, #tpu.memory_space<hbm>>) target_semaphore(%arg13 : memref<!tpu.dma_semaphore, #tpu.memory_space<semaphore_mem>>)
      %dma_wait3A_221 = arith.constant 0 : i32
      %dma_wait3A_222 = arith.constant 3 : i32
      %dma_wait3A_223 = arith.constant 0 : i32
      %dma_wait3A_224 = arith.constant 0 : i32
      %dma_wait3A_225 = tpu.memref_slice %arg6[%dma_wait3A_222, %dma_wait3A_223, %dma_wait3A_224] : memref<4x128x128xf32, #tpu.memory_space<vmem>> -> memref<1x128x128xf32, #tpu.memory_space<vmem>>
      %dma_wait3A_226 = tpu.memref_squeeze %dma_wait3A_225 : memref<1x128x128xf32, #tpu.memory_space<vmem>> -> memref<128x128xf32, #tpu.memory_space<vmem>>
      %dma_wait3A_227 = arith.constant 0 : i32
      %dma_wait3A_228 = tpu.memref_slice %arg5[%dma_wait3A_221, %dma_wait3A_227] : memref<200x128xi32, #tpu.memory_space<vmem>> -> memref<1x128xi32, #tpu.memory_space<vmem>>
      %dma_wait3A_229 = tpu.memref_squeeze %dma_wait3A_228 : memref<1x128xi32, #tpu.memory_space<vmem>> -> memref<128xi32, #tpu.memory_space<vmem>>
      %dma_wait3A_230 = arith.constant 0 : i32
      %dma_wait3A_231 = arith.constant 0 : i32
      %dma_wait3A_232 = tpu.memref_slice %arg2[%dma_wait3A_230, %dma_wait3A_231] : memref<100000x128xf32, #tpu.memory_space<hbm>> -> memref<100000x128xf32, #tpu.memory_space<hbm>>
      tpu.wait_indirect_dma semaphore(%arg10 : memref<!tpu.dma_semaphore, #tpu.memory_space<semaphore_mem>>) src(%dma_wait3A_232 : memref<100000x128xf32, #tpu.memory_space<hbm>>) dst(%dma_wait3A_226 : memref<128x128xf32, #tpu.memory_space<vmem>>)
      %scan3A_233 = arith.constant 0 : i32
      %scan3A_234 = arith.constant 0 : i32
      %scan3A_235 = arith.constant 32 : i32
      %scan3A_236 = arith.addi %scan3A_234, %scan3A_235 : i32
      %scan3A_237 = arith.constant 1 : i32
      scf.for %scan3A_261 = %scan3A_234 to %scan3A_236 step %scan3A_237  : i32 {
        %mul3A_262 = arith.constant 4 : i32
        %mul3A_263 = arith.muli %scan3A_261, %mul3A_262 : i32
        %add3A_264 = arith.constant 0 : i32
        %add3A_265 = arith.addi %mul3A_263, %add3A_264 : i32
        %get3A = arith.constant 3 : i32
        %get3A_266 = arith.index_cast %get3A : i32 to index
        %get3A_267 = arith.index_cast %add3A_265 : i32 to index
        %get3A_268 = arith.constant 0 : index
        %get3A_269 = tpu.vector_load %arg6[%get3A_266, %get3A_267, %get3A_268] {strides = array<i32>} : memref<4x128x128xf32, #tpu.memory_space<vmem>>, vector<1x1x16xf32>,
        %get3A_270 = vector.shape_cast %get3A_269 : vector<1x1x16xf32> to vector<16xf32>
        %mul3A_271 = arith.constant 11.3137083 : f32
        %mul3A_272 = vector.broadcast %mul3A_271 : f32 to vector<16xf32>
        %mul3A_273 = arith.mulf %get3A_270, %mul3A_272 : vector<16xf32>
        %swap3A = arith.constant 3 : i32
        %swap3A_274 = arith.index_cast %swap3A : i32 to index
        %swap3A_275 = arith.index_cast %add3A_265 : i32 to index
        %swap3A_276 = arith.constant 0 : index
        %swap3A_277 = tpu.vector_load %arg6[%swap3A_274, %swap3A_275, %swap3A_276] {strides = array<i32>} : memref<4x128x128xf32, #tpu.memory_space<vmem>>, vector<1x1x16xf32>,
        %swap3A_278 = vector.shape_cast %swap3A_277 : vector<1x1x16xf32> to vector<16xf32>
        %swap3A_279 = vector.shape_cast %mul3A_273 : vector<16xf32> to vector<1x1x16xf32>
        tpu.vector_store %arg6[%swap3A_274, %swap3A_275, %swap3A_276], %swap3A_279 {strides = array<i32>} : memref<4x128x128xf32, #tpu.memory_space<vmem>>, vector<1x1x16xf32>,
        %mul3A_280 = arith.constant 4 : i32
        %mul3A_281 = arith.muli %scan3A_261, %mul3A_280 : i32
        %add3A_282 = arith.constant 0 : i32
        %add3A_283 = arith.addi %mul3A_281, %add3A_282 : i32
        %get3A_284 = arith.constant 3 : i32
        %get3A_285 = arith.index_cast %get3A_284 : i32 to index
        %get3A_286 = arith.index_cast %add3A_283 : i32 to index
        %get3A_287 = arith.constant 16 : index
        %get3A_288 = tpu.vector_load %arg6[%get3A_285, %get3A_286, %get3A_287] {strides = array<i32>} : memref<4x128x128xf32, #tpu.memory_space<vmem>>, vector<1x1x16xf32>,
        %get3A_289 = vector.shape_cast %get3A_288 : vector<1x1x16xf32> to vector<16xf32>
        %mul3A_290 = arith.constant 11.3137083 : f32
        %mul3A_291 = vector.broadcast %mul3A_290 : f32 to vector<16xf32>
        %mul3A_292 = arith.mulf %get3A_289, %mul3A_291 : vector<16xf32>
        %swap3A_293 = arith.constant 3 : i32
        %swap3A_294 = arith.index_cast %swap3A_293 : i32 to index
        %swap3A_295 = arith.index_cast %add3A_283 : i32 to index
        %swap3A_296 = arith.constant 16 : index
        %swap3A_297 = tpu.vector_load %arg6[%swap3A_294, %swap3A_295, %swap3A_296] {strides = array<i32>} : memref<4x128x128xf32, #tpu.memory_space<vmem>>, vector<1x1x16xf32>,
        %swap3A_298 = vector.shape_cast %swap3A_297 : vector<1x1x16xf32> to vector<16xf32>
        %swap3A_299 = vector.shape_cast %mul3A_292 : vector<16xf32> to vector<1x1x16xf32>
        tpu.vector_store %arg6[%swap3A_294, %swap3A_295, %swap3A_296], %swap3A_299 {strides = array<i32>} : memref<4x128x128xf32, #tpu.memory_space<vmem>>, vector<1x1x16xf32>,
        %mul3A_300 = arith.constant 4 : i32
        %mul3A_301 = arith.muli %scan3A_261, %mul3A_300 : i32
        %add3A_302 = arith.constant 0 : i32
        %add3A_303 = arith.addi %mul3A_301, %add3A_302 : i32
        %get3A_304 = arith.constant 3 : i32
        %get3A_305 = arith.index_cast %get3A_304 : i32 to index
        %get3A_306 = arith.index_cast %add3A_303 : i32 to index
        %get3A_307 = arith.constant 32 : index
        %get3A_308 = tpu.vector_load %arg6[%get3A_305, %get3A_306, %get3A_307] {strides = array<i32>} : memref<4x128x128xf32, #tpu.memory_space<vmem>>, vector<1x1x16xf32>,
        %get3A_309 = vector.shape_cast %get3A_308 : vector<1x1x16xf32> to vector<16xf32>
        %mul3A_310 = arith.constant 11.3137083 : f32
        %mul3A_311 = vector.broadcast %mul3A_310 : f32 to vector<16xf32>
        %mul3A_312 = arith.mulf %get3A_309, %mul3A_311 : vector<16xf32>
        %swap3A_313 = arith.constant 3 : i32
        %swap3A_314 = arith.index_cast %swap3A_313 : i32 to index
        %swap3A_315 = arith.index_cast %add3A_303 : i32 to index
        %swap3A_316 = arith.constant 32 : index
        %swap3A_317 = tpu.vector_load %arg6[%swap3A_314, %swap3A_315, %swap3A_316] {strides = array<i32>} : memref<4x128x128xf32, #tpu.memory_space<vmem>>, vector<1x1x16xf32>,
        %swap3A_318 = vector.shape_cast %swap3A_317 : vector<1x1x16xf32> to vector<16xf32>
        %swap3A_319 = vector.shape_cast %mul3A_312 : vector<16xf32> to vector<1x1x16xf32>
        tpu.vector_store %arg6[%swap3A_314, %swap3A_315, %swap3A_316], %swap3A_319 {strides = array<i32>} : memref<4x128x128xf32, #tpu.memory_space<vmem>>, vector<1x1x16xf32>,
        %mul3A_320 = arith.constant 4 : i32
        %mul3A_321 = arith.muli %scan3A_261, %mul3A_320 : i32
        %add3A_322 = arith.constant 0 : i32
        %add3A_323 = arith.addi %mul3A_321, %add3A_322 : i32
        %get3A_324 = arith.constant 3 : i32
        %get3A_325 = arith.index_cast %get3A_324 : i32 to index
        %get3A_326 = arith.index_cast %add3A_323 : i32 to index
        %get3A_327 = arith.constant 48 : index
        %get3A_328 = tpu.vector_load %arg6[%get3A_325, %get3A_326, %get3A_327] {strides = array<i32>} : memref<4x128x128xf32, #tpu.memory_space<vmem>>, vector<1x1x16xf32>,
        %get3A_329 = vector.shape_cast %get3A_328 : vector<1x1x16xf32> to vector<16xf32>
        %mul3A_330 = arith.constant 11.3137083 : f32
        %mul3A_331 = vector.broadcast %mul3A_330 : f32 to vector<16xf32>
        %mul3A_332 = arith.mulf %get3A_329, %mul3A_331 : vector<16xf32>
        %swap3A_333 = arith.constant 3 : i32
        %swap3A_334 = arith.index_cast %swap3A_333 : i32 to index
        %swap3A_335 = arith.index_cast %add3A_323 : i32 to index
        %swap3A_336 = arith.constant 48 : index
        %swap3A_337 = tpu.vector_load %arg6[%swap3A_334, %swap3A_335, %swap3A_336] {strides = array<i32>} : memref<4x128x128xf32, #tpu.memory_space<vmem>>, vector<1x1x16xf32>,
        %swap3A_338 = vector.shape_cast %swap3A_337 : vector<1x1x16xf32> to vector<16xf32>
        %swap3A_339 = vector.shape_cast %mul3A_332 : vector<16xf32> to vector<1x1x16xf32>
        tpu.vector_store %arg6[%swap3A_334, %swap3A_335, %swap3A_336], %swap3A_339 {strides = array<i32>} : memref<4x128x128xf32, #tpu.memory_space<vmem>>, vector<1x1x16xf32>,
        %mul3A_340 = arith.constant 4 : i32
        %mul3A_341 = arith.muli %scan3A_261, %mul3A_340 : i32
        %add3A_342 = arith.constant 0 : i32
        %add3A_343 = arith.addi %mul3A_341, %add3A_342 : i32
        %get3A_344 = arith.constant 3 : i32
        %get3A_345 = arith.index_cast %get3A_344 : i32 to index
        %get3A_346 = arith.index_cast %add3A_343 : i32 to index
        %get3A_347 = arith.constant 64 : index
        %get3A_348 = tpu.vector_load %arg6[%get3A_345, %get3A_346, %get3A_347] {strides = array<i32>} : memref<4x128x128xf32, #tpu.memory_space<vmem>>, vector<1x1x16xf32>,
        %get3A_349 = vector.shape_cast %get3A_348 : vector<1x1x16xf32> to vector<16xf32>
        %mul3A_350 = arith.constant 11.3137083 : f32
        %mul3A_351 = vector.broadcast %mul3A_350 : f32 to vector<16xf32>
        %mul3A_352 = arith.mulf %get3A_349, %mul3A_351 : vector<16xf32>
        %swap3A_353 = arith.constant 3 : i32
        %swap3A_354 = arith.index_cast %swap3A_353 : i32 to index
        %swap3A_355 = arith.index_cast %add3A_343 : i32 to index
        %swap3A_356 = arith.constant 64 : index
        %swap3A_357 = tpu.vector_load %arg6[%swap3A_354, %swap3A_355, %swap3A_356] {strides = array<i32>} : memref<4x128x128xf32, #tpu.memory_space<vmem>>, vector<1x1x16xf32>,
        %swap3A_358 = vector.shape_cast %swap3A_357 : vector<1x1x16xf32> to vector<16xf32>
        %swap3A_359 = vector.shape_cast %mul3A_352 : vector<16xf32> to vector<1x1x16xf32>
        tpu.vector_store %arg6[%swap3A_354, %swap3A_355, %swap3A_356], %swap3A_359 {strides = array<i32>} : memref<4x128x128xf32, #tpu.memory_space<vmem>>, vector<1x1x16xf32>,
        %mul3A_360 = arith.constant 4 : i32
        %mul3A_361 = arith.muli %scan3A_261, %mul3A_360 : i32
        %add3A_362 = arith.constant 0 : i32
        %add3A_363 = arith.addi %mul3A_361, %add3A_362 : i32
        %get3A_364 = arith.constant 3 : i32
        %get3A_365 = arith.index_cast %get3A_364 : i32 to index
        %get3A_366 = arith.index_cast %add3A_363 : i32 to index
        %get3A_367 = arith.constant 80 : index
        %get3A_368 = tpu.vector_load %arg6[%get3A_365, %get3A_366, %get3A_367] {strides = array<i32>} : memref<4x128x128xf32, #tpu.memory_space<vmem>>, vector<1x1x16xf32>,
        %get3A_369 = vector.shape_cast %get3A_368 : vector<1x1x16xf32> to vector<16xf32>
        %mul3A_370 = arith.constant 11.3137083 : f32
        %mul3A_371 = vector.broadcast %mul3A_370 : f32 to vector<16xf32>
        %mul3A_372 = arith.mulf %get3A_369, %mul3A_371 : vector<16xf32>
        %swap3A_373 = arith.constant 3 : i32
        %swap3A_374 = arith.index_cast %swap3A_373 : i32 to index
        %swap3A_375 = arith.index_cast %add3A_363 : i32 to index
        %swap3A_376 = arith.constant 80 : index
        %swap3A_377 = tpu.vector_load %arg6[%swap3A_374, %swap3A_375, %swap3A_376] {strides = array<i32>} : memref<4x128x128xf32, #tpu.memory_space<vmem>>, vector<1x1x16xf32>,
        %swap3A_378 = vector.shape_cast %swap3A_377 : vector<1x1x16xf32> to vector<16xf32>
        %swap3A_379 = vector.shape_cast %mul3A_372 : vector<16xf32> to vector<1x1x16xf32>
        tpu.vector_store %arg6[%swap3A_374, %swap3A_375, %swap3A_376], %swap3A_379 {strides = array<i32>} : memref<4x128x128xf32, #tpu.memory_space<vmem>>, vector<1x1x16xf32>,
        %mul3A_380 = arith.constant 4 : i32
        %mul3A_381 = arith.muli %scan3A_261, %mul3A_380 : i32
        %add3A_382 = arith.constant 0 : i32
        %add3A_383 = arith.addi %mul3A_381, %add3A_382 : i32
        %get3A_384 = arith.constant 3 : i32
        %get3A_385 = arith.index_cast %get3A_384 : i32 to index
        %get3A_386 = arith.index_cast %add3A_383 : i32 to index
        %get3A_387 = arith.constant 96 : index
        %get3A_388 = tpu.vector_load %arg6[%get3A_385, %get3A_386, %get3A_387] {strides = array<i32>} : memref<4x128x128xf32, #tpu.memory_space<vmem>>, vector<1x1x16xf32>,
        %get3A_389 = vector.shape_cast %get3A_388 : vector<1x1x16xf32> to vector<16xf32>
        %mul3A_390 = arith.constant 11.3137083 : f32
        %mul3A_391 = vector.broadcast %mul3A_390 : f32 to vector<16xf32>
        %mul3A_392 = arith.mulf %get3A_389, %mul3A_391 : vector<16xf32>
        %swap3A_393 = arith.constant 3 : i32
        %swap3A_394 = arith.index_cast %swap3A_393 : i32 to index
        %swap3A_395 = arith.index_cast %add3A_383 : i32 to index
        %swap3A_396 = arith.constant 96 : index
        %swap3A_397 = tpu.vector_load %arg6[%swap3A_394, %swap3A_395, %swap3A_396] {strides = array<i32>} : memref<4x128x128xf32, #tpu.memory_space<vmem>>, vector<1x1x16xf32>,
        %swap3A_398 = vector.shape_cast %swap3A_397 : vector<1x1x16xf32> to vector<16xf32>
        %swap3A_399 = vector.shape_cast %mul3A_392 : vector<16xf32> to vector<1x1x16xf32>
        tpu.vector_store %arg6[%swap3A_394, %swap3A_395, %swap3A_396], %swap3A_399 {strides = array<i32>} : memref<4x128x128xf32, #tpu.memory_space<vmem>>, vector<1x1x16xf32>,
        %mul3A_400 = arith.constant 4 : i32
        %mul3A_401 = arith.muli %scan3A_261, %mul3A_400 : i32
        %add3A_402 = arith.constant 0 : i32
        %add3A_403 = arith.addi %mul3A_401, %add3A_402 : i32
        %get3A_404 = arith.constant 3 : i32
        %get3A_405 = arith.index_cast %get3A_404 : i32 to index
        %get3A_406 = arith.index_cast %add3A_403 : i32 to index
        %get3A_407 = arith.constant 112 : index
        %get3A_408 = tpu.vector_load %arg6[%get3A_405, %get3A_406, %get3A_407] {strides = array<i32>} : memref<4x128x128xf32, #tpu.memory_space<vmem>>, vector<1x1x16xf32>,
        %get3A_409 = vector.shape_cast %get3A_408 : vector<1x1x16xf32> to vector<16xf32>
        %mul3A_410 = arith.constant 11.3137083 : f32
        %mul3A_411 = vector.broadcast %mul3A_410 : f32 to vector<16xf32>
        %mul3A_412 = arith.mulf %get3A_409, %mul3A_411 : vector<16xf32>
        %swap3A_413 = arith.constant 3 : i32
        %swap3A_414 = arith.index_cast %swap3A_413 : i32 to index
        %swap3A_415 = arith.index_cast %add3A_403 : i32 to index
        %swap3A_416 = arith.constant 112 : index
        %swap3A_417 = tpu.vector_load %arg6[%swap3A_414, %swap3A_415, %swap3A_416] {strides = array<i32>} : memref<4x128x128xf32, #tpu.memory_space<vmem>>, vector<1x1x16xf32>,
        %swap3A_418 = vector.shape_cast %swap3A_417 : vector<1x1x16xf32> to vector<16xf32>
        %swap3A_419 = vector.shape_cast %mul3A_412 : vector<16xf32> to vector<1x1x16xf32>
        tpu.vector_store %arg6[%swap3A_414, %swap3A_415, %swap3A_416], %swap3A_419 {strides = array<i32>} : memref<4x128x128xf32, #tpu.memory_space<vmem>>, vector<1x1x16xf32>,
        %mul3A_420 = arith.constant 4 : i32
        %mul3A_421 = arith.muli %scan3A_261, %mul3A_420 : i32
        %add3A_422 = arith.constant 1 : i32
        %add3A_423 = arith.addi %mul3A_421, %add3A_422 : i32
        %get3A_424 = arith.constant 3 : i32
        %get3A_425 = arith.index_cast %get3A_424 : i32 to index
        %get3A_426 = arith.index_cast %add3A_423 : i32 to index
        %get3A_427 = arith.constant 0 : index
        %get3A_428 = tpu.vector_load %arg6[%get3A_425, %get3A_426, %get3A_427] {strides = array<i32>} : memref<4x128x128xf32, #tpu.memory_space<vmem>>, vector<1x1x16xf32>,
        %get3A_429 = vector.shape_cast %get3A_428 : vector<1x1x16xf32> to vector<16xf32>
        %mul3A_430 = arith.constant 11.3137083 : f32
        %mul3A_431 = vector.broadcast %mul3A_430 : f32 to vector<16xf32>
        %mul3A_432 = arith.mulf %get3A_429, %mul3A_431 : vector<16xf32>
        %swap3A_433 = arith.constant 3 : i32
        %swap3A_434 = arith.index_cast %swap3A_433 : i32 to index
        %swap3A_435 = arith.index_cast %add3A_423 : i32 to index
        %swap3A_436 = arith.constant 0 : index
        %swap3A_437 = tpu.vector_load %arg6[%swap3A_434, %swap3A_435, %swap3A_436] {strides = array<i32>} : memref<4x128x128xf32, #tpu.memory_space<vmem>>, vector<1x1x16xf32>,
        %swap3A_438 = vector.shape_cast %swap3A_437 : vector<1x1x16xf32> to vector<16xf32>
        %swap3A_439 = vector.shape_cast %mul3A_432 : vector<16xf32> to vector<1x1x16xf32>
        tpu.vector_store %arg6[%swap3A_434, %swap3A_435, %swap3A_436], %swap3A_439 {strides = array<i32>} : memref<4x128x128xf32, #tpu.memory_space<vmem>>, vector<1x1x16xf32>,
        %mul3A_440 = arith.constant 4 : i32
        %mul3A_441 = arith.muli %scan3A_261, %mul3A_440 : i32
        %add3A_442 = arith.constant 1 : i32
        %add3A_443 = arith.addi %mul3A_441, %add3A_442 : i32
        %get3A_444 = arith.constant 3 : i32
        %get3A_445 = arith.index_cast %get3A_444 : i32 to index
        %get3A_446 = arith.index_cast %add3A_443 : i32 to index
        %get3A_447 = arith.constant 16 : index
        %get3A_448 = tpu.vector_load %arg6[%get3A_445, %get3A_446, %get3A_447] {strides = array<i32>} : memref<4x128x128xf32, #tpu.memory_space<vmem>>, vector<1x1x16xf32>,
        %get3A_449 = vector.shape_cast %get3A_448 : vector<1x1x16xf32> to vector<16xf32>
        %mul3A_450 = arith.constant 11.3137083 : f32
        %mul3A_451 = vector.broadcast %mul3A_450 : f32 to vector<16xf32>
        %mul3A_452 = arith.mulf %get3A_449, %mul3A_451 : vector<16xf32>
        %swap3A_453 = arith.constant 3 : i32
        %swap3A_454 = arith.index_cast %swap3A_453 : i32 to index
        %swap3A_455 = arith.index_cast %add3A_443 : i32 to index
        %swap3A_456 = arith.constant 16 : index
        %swap3A_457 = tpu.vector_load %arg6[%swap3A_454, %swap3A_455, %swap3A_456] {strides = array<i32>} : memref<4x128x128xf32, #tpu.memory_space<vmem>>, vector<1x1x16xf32>,
        %swap3A_458 = vector.shape_cast %swap3A_457 : vector<1x1x16xf32> to vector<16xf32>
        %swap3A_459 = vector.shape_cast %mul3A_452 : vector<16xf32> to vector<1x1x16xf32>
        tpu.vector_store %arg6[%swap3A_454, %swap3A_455, %swap3A_456], %swap3A_459 {strides = array<i32>} : memref<4x128x128xf32, #tpu.memory_space<vmem>>, vector<1x1x16xf32>,
        %mul3A_460 = arith.constant 4 : i32
        %mul3A_461 = arith.muli %scan3A_261, %mul3A_460 : i32
        %add3A_462 = arith.constant 1 : i32
        %add3A_463 = arith.addi %mul3A_461, %add3A_462 : i32
        %get3A_464 = arith.constant 3 : i32
        %get3A_465 = arith.index_cast %get3A_464 : i32 to index
        %get3A_466 = arith.index_cast %add3A_463 : i32 to index
        %get3A_467 = arith.constant 32 : index
        %get3A_468 = tpu.vector_load %arg6[%get3A_465, %get3A_466, %get3A_467] {strides = array<i32>} : memref<4x128x128xf32, #tpu.memory_space<vmem>>, vector<1x1x16xf32>,
        %get3A_469 = vector.shape_cast %get3A_468 : vector<1x1x16xf32> to vector<16xf32>
        %mul3A_470 = arith.constant 11.3137083 : f32
        %mul3A_471 = vector.broadcast %mul3A_470 : f32 to vector<16xf32>
        %mul3A_472 = arith.mulf %get3A_469, %mul3A_471 : vector<16xf32>
        %swap3A_473 = arith.constant 3 : i32
        %swap3A_474 = arith.index_cast %swap3A_473 : i32 to index
        %swap3A_475 = arith.index_cast %add3A_463 : i32 to index
        %swap3A_476 = arith.constant 32 : index
        %swap3A_477 = tpu.vector_load %arg6[%swap3A_474, %swap3A_475, %swap3A_476] {strides = array<i32>} : memref<4x128x128xf32, #tpu.memory_space<vmem>>, vector<1x1x16xf32>,
        %swap3A_478 = vector.shape_cast %swap3A_477 : vector<1x1x16xf32> to vector<16xf32>
        %swap3A_479 = vector.shape_cast %mul3A_472 : vector<16xf32> to vector<1x1x16xf32>
        tpu.vector_store %arg6[%swap3A_474, %swap3A_475, %swap3A_476], %swap3A_479 {strides = array<i32>} : memref<4x128x128xf32, #tpu.memory_space<vmem>>, vector<1x1x16xf32>,
        %mul3A_480 = arith.constant 4 : i32
        %mul3A_481 = arith.muli %scan3A_261, %mul3A_480 : i32
        %add3A_482 = arith.constant 1 : i32
        %add3A_483 = arith.addi %mul3A_481, %add3A_482 : i32
        %get3A_484 = arith.constant 3 : i32
        %get3A_485 = arith.index_cast %get3A_484 : i32 to index
        %get3A_486 = arith.index_cast %add3A_483 : i32 to index
        %get3A_487 = arith.constant 48 : index
        %get3A_488 = tpu.vector_load %arg6[%get3A_485, %get3A_486, %get3A_487] {strides = array<i32>} : memref<4x128x128xf32, #tpu.memory_space<vmem>>, vector<1x1x16xf32>,
        %get3A_489 = vector.shape_cast %get3A_488 : vector<1x1x16xf32> to vector<16xf32>
        %mul3A_490 = arith.constant 11.3137083 : f32
        %mul3A_491 = vector.broadcast %mul3A_490 : f32 to vector<16xf32>
        %mul3A_492 = arith.mulf %get3A_489, %mul3A_491 : vector<16xf32>
        %swap3A_493 = arith.constant 3 : i32
        %swap3A_494 = arith.index_cast %swap3A_493 : i32 to index
        %swap3A_495 = arith.index_cast %add3A_483 : i32 to index
        %swap3A_496 = arith.constant 48 : index
        %swap3A_497 = tpu.vector_load %arg6[%swap3A_494, %swap3A_495, %swap3A_496] {strides = array<i32>} : memref<4x128x128xf32, #tpu.memory_space<vmem>>, vector<1x1x16xf32>,
        %swap3A_498 = vector.shape_cast %swap3A_497 : vector<1x1x16xf32> to vector<16xf32>
        %swap3A_499 = vector.shape_cast %mul3A_492 : vector<16xf32> to vector<1x1x16xf32>
        tpu.vector_store %arg6[%swap3A_494, %swap3A_495, %swap3A_496], %swap3A_499 {strides = array<i32>} : memref<4x128x128xf32, #tpu.memory_space<vmem>>, vector<1x1x16xf32>,
        %mul3A_500 = arith.constant 4 : i32
        %mul3A_501 = arith.muli %scan3A_261, %mul3A_500 : i32
        %add3A_502 = arith.constant 1 : i32
        %add3A_503 = arith.addi %mul3A_501, %add3A_502 : i32
        %get3A_504 = arith.constant 3 : i32
        %get3A_505 = arith.index_cast %get3A_504 : i32 to index
        %get3A_506 = arith.index_cast %add3A_503 : i32 to index
        %get3A_507 = arith.constant 64 : index
        %get3A_508 = tpu.vector_load %arg6[%get3A_505, %get3A_506, %get3A_507] {strides = array<i32>} : memref<4x128x128xf32, #tpu.memory_space<vmem>>, vector<1x1x16xf32>,
        %get3A_509 = vector.shape_cast %get3A_508 : vector<1x1x16xf32> to vector<16xf32>
        %mul3A_510 = arith.constant 11.3137083 : f32
        %mul3A_511 = vector.broadcast %mul3A_510 : f32 to vector<16xf32>
        %mul3A_512 = arith.mulf %get3A_509, %mul3A_511 : vector<16xf32>
        %swap3A_513 = arith.constant 3 : i32
        %swap3A_514 = arith.index_cast %swap3A_513 : i32 to index
        %swap3A_515 = arith.index_cast %add3A_503 : i32 to index
        %swap3A_516 = arith.constant 64 : index
        %swap3A_517 = tpu.vector_load %arg6[%swap3A_514, %swap3A_515, %swap3A_516] {strides = array<i32>} : memref<4x128x128xf32, #tpu.memory_space<vmem>>, vector<1x1x16xf32>,
        %swap3A_518 = vector.shape_cast %swap3A_517 : vector<1x1x16xf32> to vector<16xf32>
        %swap3A_519 = vector.shape_cast %mul3A_512 : vector<16xf32> to vector<1x1x16xf32>
        tpu.vector_store %arg6[%swap3A_514, %swap3A_515, %swap3A_516], %swap3A_519 {strides = array<i32>} : memref<4x128x128xf32, #tpu.memory_space<vmem>>, vector<1x1x16xf32>,
        %mul3A_520 = arith.constant 4 : i32
        %mul3A_521 = arith.muli %scan3A_261, %mul3A_520 : i32
        %add3A_522 = arith.constant 1 : i32
        %add3A_523 = arith.addi %mul3A_521, %add3A_522 : i32
        %get3A_524 = arith.constant 3 : i32
        %get3A_525 = arith.index_cast %get3A_524 : i32 to index
        %get3A_526 = arith.index_cast %add3A_523 : i32 to index
        %get3A_527 = arith.constant 80 : index
        %get3A_528 = tpu.vector_load %arg6[%get3A_525, %get3A_526, %get3A_527] {strides = array<i32>} : memref<4x128x128xf32, #tpu.memory_space<vmem>>, vector<1x1x16xf32>,
        %get3A_529 = vector.shape_cast %get3A_528 : vector<1x1x16xf32> to vector<16xf32>
        %mul3A_530 = arith.constant 11.3137083 : f32
        %mul3A_531 = vector.broadcast %mul3A_530 : f32 to vector<16xf32>
        %mul3A_532 = arith.mulf %get3A_529, %mul3A_531 : vector<16xf32>
        %swap3A_533 = arith.constant 3 : i32
        %swap3A_534 = arith.index_cast %swap3A_533 : i32 to index
        %swap3A_535 = arith.index_cast %add3A_523 : i32 to index
        %swap3A_536 = arith.constant 80 : index
        %swap3A_537 = tpu.vector_load %arg6[%swap3A_534, %swap3A_535, %swap3A_536] {strides = array<i32>} : memref<4x128x128xf32, #tpu.memory_space<vmem>>, vector<1x1x16xf32>,
        %swap3A_538 = vector.shape_cast %swap3A_537 : vector<1x1x16xf32> to vector<16xf32>
        %swap3A_539 = vector.shape_cast %mul3A_532 : vector<16xf32> to vector<1x1x16xf32>
        tpu.vector_store %arg6[%swap3A_534, %swap3A_535, %swap3A_536], %swap3A_539 {strides = array<i32>} : memref<4x128x128xf32, #tpu.memory_space<vmem>>, vector<1x1x16xf32>,
        %mul3A_540 = arith.constant 4 : i32
        %mul3A_541 = arith.muli %scan3A_261, %mul3A_540 : i32
        %add3A_542 = arith.constant 1 : i32
        %add3A_543 = arith.addi %mul3A_541, %add3A_542 : i32
        %get3A_544 = arith.constant 3 : i32
        %get3A_545 = arith.index_cast %get3A_544 : i32 to index
        %get3A_546 = arith.index_cast %add3A_543 : i32 to index
        %get3A_547 = arith.constant 96 : index
        %get3A_548 = tpu.vector_load %arg6[%get3A_545, %get3A_546, %get3A_547] {strides = array<i32>} : memref<4x128x128xf32, #tpu.memory_space<vmem>>, vector<1x1x16xf32>,
        %get3A_549 = vector.shape_cast %get3A_548 : vector<1x1x16xf32> to vector<16xf32>
        %mul3A_550 = arith.constant 11.3137083 : f32
        %mul3A_551 = vector.broadcast %mul3A_550 : f32 to vector<16xf32>
        %mul3A_552 = arith.mulf %get3A_549, %mul3A_551 : vector<16xf32>
        %swap3A_553 = arith.constant 3 : i32
        %swap3A_554 = arith.index_cast %swap3A_553 : i32 to index
        %swap3A_555 = arith.index_cast %add3A_543 : i32 to index
        %swap3A_556 = arith.constant 96 : index
        %swap3A_557 = tpu.vector_load %arg6[%swap3A_554, %swap3A_555, %swap3A_556] {strides = array<i32>} : memref<4x128x128xf32, #tpu.memory_space<vmem>>, vector<1x1x16xf32>,
        %swap3A_558 = vector.shape_cast %swap3A_557 : vector<1x1x16xf32> to vector<16xf32>
        %swap3A_559 = vector.shape_cast %mul3A_552 : vector<16xf32> to vector<1x1x16xf32>
        tpu.vector_store %arg6[%swap3A_554, %swap3A_555, %swap3A_556], %swap3A_559 {strides = array<i32>} : memref<4x128x128xf32, #tpu.memory_space<vmem>>, vector<1x1x16xf32>,
        %mul3A_560 = arith.constant 4 : i32
        %mul3A_561 = arith.muli %scan3A_261, %mul3A_560 : i32
        %add3A_562 = arith.constant 1 : i32
        %add3A_563 = arith.addi %mul3A_561, %add3A_562 : i32
        %get3A_564 = arith.constant 3 : i32
        %get3A_565 = arith.index_cast %get3A_564 : i32 to index
        %get3A_566 = arith.index_cast %add3A_563 : i32 to index
        %get3A_567 = arith.constant 112 : index
        %get3A_568 = tpu.vector_load %arg6[%get3A_565, %get3A_566, %get3A_567] {strides = array<i32>} : memref<4x128x128xf32, #tpu.memory_space<vmem>>, vector<1x1x16xf32>,
        %get3A_569 = vector.shape_cast %get3A_568 : vector<1x1x16xf32> to vector<16xf32>
        %mul3A_570 = arith.constant 11.3137083 : f32
        %mul3A_571 = vector.broadcast %mul3A_570 : f32 to vector<16xf32>
        %mul3A_572 = arith.mulf %get3A_569, %mul3A_571 : vector<16xf32>
        %swap3A_573 = arith.constant 3 : i32
        %swap3A_574 = arith.index_cast %swap3A_573 : i32 to index
        %swap3A_575 = arith.index_cast %add3A_563 : i32 to index
        %swap3A_576 = arith.constant 112 : index
        %swap3A_577 = tpu.vector_load %arg6[%swap3A_574, %swap3A_575, %swap3A_576] {strides = array<i32>} : memref<4x128x128xf32, #tpu.memory_space<vmem>>, vector<1x1x16xf32>,
        %swap3A_578 = vector.shape_cast %swap3A_577 : vector<1x1x16xf32> to vector<16xf32>
        %swap3A_579 = vector.shape_cast %mul3A_572 : vector<16xf32> to vector<1x1x16xf32>
        tpu.vector_store %arg6[%swap3A_574, %swap3A_575, %swap3A_576], %swap3A_579 {strides = array<i32>} : memref<4x128x128xf32, #tpu.memory_space<vmem>>, vector<1x1x16xf32>,
        %mul3A_580 = arith.constant 4 : i32
        %mul3A_581 = arith.muli %scan3A_261, %mul3A_580 : i32
        %add3A_582 = arith.constant 2 : i32
        %add3A_583 = arith.addi %mul3A_581, %add3A_582 : i32
        %get3A_584 = arith.constant 3 : i32
        %get3A_585 = arith.index_cast %get3A_584 : i32 to index
        %get3A_586 = arith.index_cast %add3A_583 : i32 to index
        %get3A_587 = arith.constant 0 : index
        %get3A_588 = tpu.vector_load %arg6[%get3A_585, %get3A_586, %get3A_587] {strides = array<i32>} : memref<4x128x128xf32, #tpu.memory_space<vmem>>, vector<1x1x16xf32>,
        %get3A_589 = vector.shape_cast %get3A_588 : vector<1x1x16xf32> to vector<16xf32>
        %mul3A_590 = arith.constant 11.3137083 : f32
        %mul3A_591 = vector.broadcast %mul3A_590 : f32 to vector<16xf32>
        %mul3A_592 = arith.mulf %get3A_589, %mul3A_591 : vector<16xf32>
        %swap3A_593 = arith.constant 3 : i32
        %swap3A_594 = arith.index_cast %swap3A_593 : i32 to index
        %swap3A_595 = arith.index_cast %add3A_583 : i32 to index
        %swap3A_596 = arith.constant 0 : index
        %swap3A_597 = tpu.vector_load %arg6[%swap3A_594, %swap3A_595, %swap3A_596] {strides = array<i32>} : memref<4x128x128xf32, #tpu.memory_space<vmem>>, vector<1x1x16xf32>,
        %swap3A_598 = vector.shape_cast %swap3A_597 : vector<1x1x16xf32> to vector<16xf32>
        %swap3A_599 = vector.shape_cast %mul3A_592 : vector<16xf32> to vector<1x1x16xf32>
        tpu.vector_store %arg6[%swap3A_594, %swap3A_595, %swap3A_596], %swap3A_599 {strides = array<i32>} : memref<4x128x128xf32, #tpu.memory_space<vmem>>, vector<1x1x16xf32>,
        %mul3A_600 = arith.constant 4 : i32
        %mul3A_601 = arith.muli %scan3A_261, %mul3A_600 : i32
        %add3A_602 = arith.constant 2 : i32
        %add3A_603 = arith.addi %mul3A_601, %add3A_602 : i32
        %get3A_604 = arith.constant 3 : i32
        %get3A_605 = arith.index_cast %get3A_604 : i32 to index
        %get3A_606 = arith.index_cast %add3A_603 : i32 to index
        %get3A_607 = arith.constant 16 : index
        %get3A_608 = tpu.vector_load %arg6[%get3A_605, %get3A_606, %get3A_607] {strides = array<i32>} : memref<4x128x128xf32, #tpu.memory_space<vmem>>, vector<1x1x16xf32>,
        %get3A_609 = vector.shape_cast %get3A_608 : vector<1x1x16xf32> to vector<16xf32>
        %mul3A_610 = arith.constant 11.3137083 : f32
        %mul3A_611 = vector.broadcast %mul3A_610 : f32 to vector<16xf32>
        %mul3A_612 = arith.mulf %get3A_609, %mul3A_611 : vector<16xf32>
        %swap3A_613 = arith.constant 3 : i32
        %swap3A_614 = arith.index_cast %swap3A_613 : i32 to index
        %swap3A_615 = arith.index_cast %add3A_603 : i32 to index
        %swap3A_616 = arith.constant 16 : index
        %swap3A_617 = tpu.vector_load %arg6[%swap3A_614, %swap3A_615, %swap3A_616] {strides = array<i32>} : memref<4x128x128xf32, #tpu.memory_space<vmem>>, vector<1x1x16xf32>,
        %swap3A_618 = vector.shape_cast %swap3A_617 : vector<1x1x16xf32> to vector<16xf32>
        %swap3A_619 = vector.shape_cast %mul3A_612 : vector<16xf32> to vector<1x1x16xf32>
        tpu.vector_store %arg6[%swap3A_614, %swap3A_615, %swap3A_616], %swap3A_619 {strides = array<i32>} : memref<4x128x128xf32, #tpu.memory_space<vmem>>, vector<1x1x16xf32>,
        %mul3A_620 = arith.constant 4 : i32
        %mul3A_621 = arith.muli %scan3A_261, %mul3A_620 : i32
        %add3A_622 = arith.constant 2 : i32
        %add3A_623 = arith.addi %mul3A_621, %add3A_622 : i32
        %get3A_624 = arith.constant 3 : i32
        %get3A_625 = arith.index_cast %get3A_624 : i32 to index
        %get3A_626 = arith.index_cast %add3A_623 : i32 to index
        %get3A_627 = arith.constant 32 : index
        %get3A_628 = tpu.vector_load %arg6[%get3A_625, %get3A_626, %get3A_627] {strides = array<i32>} : memref<4x128x128xf32, #tpu.memory_space<vmem>>, vector<1x1x16xf32>,
        %get3A_629 = vector.shape_cast %get3A_628 : vector<1x1x16xf32> to vector<16xf32>
        %mul3A_630 = arith.constant 11.3137083 : f32
        %mul3A_631 = vector.broadcast %mul3A_630 : f32 to vector<16xf32>
        %mul3A_632 = arith.mulf %get3A_629, %mul3A_631 : vector<16xf32>
        %swap3A_633 = arith.constant 3 : i32
        %swap3A_634 = arith.index_cast %swap3A_633 : i32 to index
        %swap3A_635 = arith.index_cast %add3A_623 : i32 to index
        %swap3A_636 = arith.constant 32 : index
        %swap3A_637 = tpu.vector_load %arg6[%swap3A_634, %swap3A_635, %swap3A_636] {strides = array<i32>} : memref<4x128x128xf32, #tpu.memory_space<vmem>>, vector<1x1x16xf32>,
        %swap3A_638 = vector.shape_cast %swap3A_637 : vector<1x1x16xf32> to vector<16xf32>
        %swap3A_639 = vector.shape_cast %mul3A_632 : vector<16xf32> to vector<1x1x16xf32>
        tpu.vector_store %arg6[%swap3A_634, %swap3A_635, %swap3A_636], %swap3A_639 {strides = array<i32>} : memref<4x128x128xf32, #tpu.memory_space<vmem>>, vector<1x1x16xf32>,
        %mul3A_640 = arith.constant 4 : i32
        %mul3A_641 = arith.muli %scan3A_261, %mul3A_640 : i32
        %add3A_642 = arith.constant 2 : i32
        %add3A_643 = arith.addi %mul3A_641, %add3A_642 : i32
        %get3A_644 = arith.constant 3 : i32
        %get3A_645 = arith.index_cast %get3A_644 : i32 to index
        %get3A_646 = arith.index_cast %add3A_643 : i32 to index
        %get3A_647 = arith.constant 48 : index
        %get3A_648 = tpu.vector_load %arg6[%get3A_645, %get3A_646, %get3A_647] {strides = array<i32>} : memref<4x128x128xf32, #tpu.memory_space<vmem>>, vector<1x1x16xf32>,
        %get3A_649 = vector.shape_cast %get3A_648 : vector<1x1x16xf32> to vector<16xf32>
        %mul3A_650 = arith.constant 11.3137083 : f32
        %mul3A_651 = vector.broadcast %mul3A_650 : f32 to vector<16xf32>
        %mul3A_652 = arith.mulf %get3A_649, %mul3A_651 : vector<16xf32>
        %swap3A_653 = arith.constant 3 : i32
        %swap3A_654 = arith.index_cast %swap3A_653 : i32 to index
        %swap3A_655 = arith.index_cast %add3A_643 : i32 to index
        %swap3A_656 = arith.constant 48 : index
        %swap3A_657 = tpu.vector_load %arg6[%swap3A_654, %swap3A_655, %swap3A_656] {strides = array<i32>} : memref<4x128x128xf32, #tpu.memory_space<vmem>>, vector<1x1x16xf32>,
        %swap3A_658 = vector.shape_cast %swap3A_657 : vector<1x1x16xf32> to vector<16xf32>
        %swap3A_659 = vector.shape_cast %mul3A_652 : vector<16xf32> to vector<1x1x16xf32>
        tpu.vector_store %arg6[%swap3A_654, %swap3A_655, %swap3A_656], %swap3A_659 {strides = array<i32>} : memref<4x128x128xf32, #tpu.memory_space<vmem>>, vector<1x1x16xf32>,
        %mul3A_660 = arith.constant 4 : i32
        %mul3A_661 = arith.muli %scan3A_261, %mul3A_660 : i32
        %add3A_662 = arith.constant 2 : i32
        %add3A_663 = arith.addi %mul3A_661, %add3A_662 : i32
        %get3A_664 = arith.constant 3 : i32
        %get3A_665 = arith.index_cast %get3A_664 : i32 to index
        %get3A_666 = arith.index_cast %add3A_663 : i32 to index
        %get3A_667 = arith.constant 64 : index
        %get3A_668 = tpu.vector_load %arg6[%get3A_665, %get3A_666, %get3A_667] {strides = array<i32>} : memref<4x128x128xf32, #tpu.memory_space<vmem>>, vector<1x1x16xf32>,
        %get3A_669 = vector.shape_cast %get3A_668 : vector<1x1x16xf32> to vector<16xf32>
        %mul3A_670 = arith.constant 11.3137083 : f32
        %mul3A_671 = vector.broadcast %mul3A_670 : f32 to vector<16xf32>
        %mul3A_672 = arith.mulf %get3A_669, %mul3A_671 : vector<16xf32>
        %swap3A_673 = arith.constant 3 : i32
        %swap3A_674 = arith.index_cast %swap3A_673 : i32 to index
        %swap3A_675 = arith.index_cast %add3A_663 : i32 to index
        %swap3A_676 = arith.constant 64 : index
        %swap3A_677 = tpu.vector_load %arg6[%swap3A_674, %swap3A_675, %swap3A_676] {strides = array<i32>} : memref<4x128x128xf32, #tpu.memory_space<vmem>>, vector<1x1x16xf32>,
        %swap3A_678 = vector.shape_cast %swap3A_677 : vector<1x1x16xf32> to vector<16xf32>
        %swap3A_679 = vector.shape_cast %mul3A_672 : vector<16xf32> to vector<1x1x16xf32>
        tpu.vector_store %arg6[%swap3A_674, %swap3A_675, %swap3A_676], %swap3A_679 {strides = array<i32>} : memref<4x128x128xf32, #tpu.memory_space<vmem>>, vector<1x1x16xf32>,
        %mul3A_680 = arith.constant 4 : i32
        %mul3A_681 = arith.muli %scan3A_261, %mul3A_680 : i32
        %add3A_682 = arith.constant 2 : i32
        %add3A_683 = arith.addi %mul3A_681, %add3A_682 : i32
        %get3A_684 = arith.constant 3 : i32
        %get3A_685 = arith.index_cast %get3A_684 : i32 to index
        %get3A_686 = arith.index_cast %add3A_683 : i32 to index
        %get3A_687 = arith.constant 80 : index
        %get3A_688 = tpu.vector_load %arg6[%get3A_685, %get3A_686, %get3A_687] {strides = array<i32>} : memref<4x128x128xf32, #tpu.memory_space<vmem>>, vector<1x1x16xf32>,
        %get3A_689 = vector.shape_cast %get3A_688 : vector<1x1x16xf32> to vector<16xf32>
        %mul3A_690 = arith.constant 11.3137083 : f32
        %mul3A_691 = vector.broadcast %mul3A_690 : f32 to vector<16xf32>
        %mul3A_692 = arith.mulf %get3A_689, %mul3A_691 : vector<16xf32>
        %swap3A_693 = arith.constant 3 : i32
        %swap3A_694 = arith.index_cast %swap3A_693 : i32 to index
        %swap3A_695 = arith.index_cast %add3A_683 : i32 to index
        %swap3A_696 = arith.constant 80 : index
        %swap3A_697 = tpu.vector_load %arg6[%swap3A_694, %swap3A_695, %swap3A_696] {strides = array<i32>} : memref<4x128x128xf32, #tpu.memory_space<vmem>>, vector<1x1x16xf32>,
        %swap3A_698 = vector.shape_cast %swap3A_697 : vector<1x1x16xf32> to vector<16xf32>
        %swap3A_699 = vector.shape_cast %mul3A_692 : vector<16xf32> to vector<1x1x16xf32>
        tpu.vector_store %arg6[%swap3A_694, %swap3A_695, %swap3A_696], %swap3A_699 {strides = array<i32>} : memref<4x128x128xf32, #tpu.memory_space<vmem>>, vector<1x1x16xf32>,
        %mul3A_700 = arith.constant 4 : i32
        %mul3A_701 = arith.muli %scan3A_261, %mul3A_700 : i32
        %add3A_702 = arith.constant 2 : i32
        %add3A_703 = arith.addi %mul3A_701, %add3A_702 : i32
        %get3A_704 = arith.constant 3 : i32
        %get3A_705 = arith.index_cast %get3A_704 : i32 to index
        %get3A_706 = arith.index_cast %add3A_703 : i32 to index
        %get3A_707 = arith.constant 96 : index
        %get3A_708 = tpu.vector_load %arg6[%get3A_705, %get3A_706, %get3A_707] {strides = array<i32>} : memref<4x128x128xf32, #tpu.memory_space<vmem>>, vector<1x1x16xf32>,
        %get3A_709 = vector.shape_cast %get3A_708 : vector<1x1x16xf32> to vector<16xf32>
        %mul3A_710 = arith.constant 11.3137083 : f32
        %mul3A_711 = vector.broadcast %mul3A_710 : f32 to vector<16xf32>
        %mul3A_712 = arith.mulf %get3A_709, %mul3A_711 : vector<16xf32>
        %swap3A_713 = arith.constant 3 : i32
        %swap3A_714 = arith.index_cast %swap3A_713 : i32 to index
        %swap3A_715 = arith.index_cast %add3A_703 : i32 to index
        %swap3A_716 = arith.constant 96 : index
        %swap3A_717 = tpu.vector_load %arg6[%swap3A_714, %swap3A_715, %swap3A_716] {strides = array<i32>} : memref<4x128x128xf32, #tpu.memory_space<vmem>>, vector<1x1x16xf32>,
        %swap3A_718 = vector.shape_cast %swap3A_717 : vector<1x1x16xf32> to vector<16xf32>
        %swap3A_719 = vector.shape_cast %mul3A_712 : vector<16xf32> to vector<1x1x16xf32>
        tpu.vector_store %arg6[%swap3A_714, %swap3A_715, %swap3A_716], %swap3A_719 {strides = array<i32>} : memref<4x128x128xf32, #tpu.memory_space<vmem>>, vector<1x1x16xf32>,
        %mul3A_720 = arith.constant 4 : i32
        %mul3A_721 = arith.muli %scan3A_261, %mul3A_720 : i32
        %add3A_722 = arith.constant 2 : i32
        %add3A_723 = arith.addi %mul3A_721, %add3A_722 : i32
        %get3A_724 = arith.constant 3 : i32
        %get3A_725 = arith.index_cast %get3A_724 : i32 to index
        %get3A_726 = arith.index_cast %add3A_723 : i32 to index
        %get3A_727 = arith.constant 112 : index
        %get3A_728 = tpu.vector_load %arg6[%get3A_725, %get3A_726, %get3A_727] {strides = array<i32>} : memref<4x128x128xf32, #tpu.memory_space<vmem>>, vector<1x1x16xf32>,
        %get3A_729 = vector.shape_cast %get3A_728 : vector<1x1x16xf32> to vector<16xf32>
        %mul3A_730 = arith.constant 11.3137083 : f32
        %mul3A_731 = vector.broadcast %mul3A_730 : f32 to vector<16xf32>
        %mul3A_732 = arith.mulf %get3A_729, %mul3A_731 : vector<16xf32>
        %swap3A_733 = arith.constant 3 : i32
        %swap3A_734 = arith.index_cast %swap3A_733 : i32 to index
        %swap3A_735 = arith.index_cast %add3A_723 : i32 to index
        %swap3A_736 = arith.constant 112 : index
        %swap3A_737 = tpu.vector_load %arg6[%swap3A_734, %swap3A_735, %swap3A_736] {strides = array<i32>} : memref<4x128x128xf32, #tpu.memory_space<vmem>>, vector<1x1x16xf32>,
        %swap3A_738 = vector.shape_cast %swap3A_737 : vector<1x1x16xf32> to vector<16xf32>
        %swap3A_739 = vector.shape_cast %mul3A_732 : vector<16xf32> to vector<1x1x16xf32>
        tpu.vector_store %arg6[%swap3A_734, %swap3A_735, %swap3A_736], %swap3A_739 {strides = array<i32>} : memref<4x128x128xf32, #tpu.memory_space<vmem>>, vector<1x1x16xf32>,
        %mul3A_740 = arith.constant 4 : i32
        %mul3A_741 = arith.muli %scan3A_261, %mul3A_740 : i32
        %add3A_742 = arith.constant 3 : i32
        %add3A_743 = arith.addi %mul3A_741, %add3A_742 : i32
        %get3A_744 = arith.constant 3 : i32
        %get3A_745 = arith.index_cast %get3A_744 : i32 to index
        %get3A_746 = arith.index_cast %add3A_743 : i32 to index
        %get3A_747 = arith.constant 0 : index
        %get3A_748 = tpu.vector_load %arg6[%get3A_745, %get3A_746, %get3A_747] {strides = array<i32>} : memref<4x128x128xf32, #tpu.memory_space<vmem>>, vector<1x1x16xf32>,
        %get3A_749 = vector.shape_cast %get3A_748 : vector<1x1x16xf32> to vector<16xf32>
        %mul3A_750 = arith.constant 11.3137083 : f32
        %mul3A_751 = vector.broadcast %mul3A_750 : f32 to vector<16xf32>
        %mul3A_752 = arith.mulf %get3A_749, %mul3A_751 : vector<16xf32>
        %swap3A_753 = arith.constant 3 : i32
        %swap3A_754 = arith.index_cast %swap3A_753 : i32 to index
        %swap3A_755 = arith.index_cast %add3A_743 : i32 to index
        %swap3A_756 = arith.constant 0 : index
        %swap3A_757 = tpu.vector_load %arg6[%swap3A_754, %swap3A_755, %swap3A_756] {strides = array<i32>} : memref<4x128x128xf32, #tpu.memory_space<vmem>>, vector<1x1x16xf32>,
        %swap3A_758 = vector.shape_cast %swap3A_757 : vector<1x1x16xf32> to vector<16xf32>
        %swap3A_759 = vector.shape_cast %mul3A_752 : vector<16xf32> to vector<1x1x16xf32>
        tpu.vector_store %arg6[%swap3A_754, %swap3A_755, %swap3A_756], %swap3A_759 {strides = array<i32>} : memref<4x128x128xf32, #tpu.memory_space<vmem>>, vector<1x1x16xf32>,
        %mul3A_760 = arith.constant 4 : i32
        %mul3A_761 = arith.muli %scan3A_261, %mul3A_760 : i32
        %add3A_762 = arith.constant 3 : i32
        %add3A_763 = arith.addi %mul3A_761, %add3A_762 : i32
        %get3A_764 = arith.constant 3 : i32
        %get3A_765 = arith.index_cast %get3A_764 : i32 to index
        %get3A_766 = arith.index_cast %add3A_763 : i32 to index
        %get3A_767 = arith.constant 16 : index
        %get3A_768 = tpu.vector_load %arg6[%get3A_765, %get3A_766, %get3A_767] {strides = array<i32>} : memref<4x128x128xf32, #tpu.memory_space<vmem>>, vector<1x1x16xf32>,
        %get3A_769 = vector.shape_cast %get3A_768 : vector<1x1x16xf32> to vector<16xf32>
        %mul3A_770 = arith.constant 11.3137083 : f32
        %mul3A_771 = vector.broadcast %mul3A_770 : f32 to vector<16xf32>
        %mul3A_772 = arith.mulf %get3A_769, %mul3A_771 : vector<16xf32>
        %swap3A_773 = arith.constant 3 : i32
        %swap3A_774 = arith.index_cast %swap3A_773 : i32 to index
        %swap3A_775 = arith.index_cast %add3A_763 : i32 to index
        %swap3A_776 = arith.constant 16 : index
        %swap3A_777 = tpu.vector_load %arg6[%swap3A_774, %swap3A_775, %swap3A_776] {strides = array<i32>} : memref<4x128x128xf32, #tpu.memory_space<vmem>>, vector<1x1x16xf32>,
        %swap3A_778 = vector.shape_cast %swap3A_777 : vector<1x1x16xf32> to vector<16xf32>
        %swap3A_779 = vector.shape_cast %mul3A_772 : vector<16xf32> to vector<1x1x16xf32>
        tpu.vector_store %arg6[%swap3A_774, %swap3A_775, %swap3A_776], %swap3A_779 {strides = array<i32>} : memref<4x128x128xf32, #tpu.memory_space<vmem>>, vector<1x1x16xf32>,
        %mul3A_780 = arith.constant 4 : i32
        %mul3A_781 = arith.muli %scan3A_261, %mul3A_780 : i32
        %add3A_782 = arith.constant 3 : i32
        %add3A_783 = arith.addi %mul3A_781, %add3A_782 : i32
        %get3A_784 = arith.constant 3 : i32
        %get3A_785 = arith.index_cast %get3A_784 : i32 to index
        %get3A_786 = arith.index_cast %add3A_783 : i32 to index
        %get3A_787 = arith.constant 32 : index
        %get3A_788 = tpu.vector_load %arg6[%get3A_785, %get3A_786, %get3A_787] {strides = array<i32>} : memref<4x128x128xf32, #tpu.memory_space<vmem>>, vector<1x1x16xf32>,
        %get3A_789 = vector.shape_cast %get3A_788 : vector<1x1x16xf32> to vector<16xf32>
        %mul3A_790 = arith.constant 11.3137083 : f32
        %mul3A_791 = vector.broadcast %mul3A_790 : f32 to vector<16xf32>
        %mul3A_792 = arith.mulf %get3A_789, %mul3A_791 : vector<16xf32>
        %swap3A_793 = arith.constant 3 : i32
        %swap3A_794 = arith.index_cast %swap3A_793 : i32 to index
        %swap3A_795 = arith.index_cast %add3A_783 : i32 to index
        %swap3A_796 = arith.constant 32 : index
        %swap3A_797 = tpu.vector_load %arg6[%swap3A_794, %swap3A_795, %swap3A_796] {strides = array<i32>} : memref<4x128x128xf32, #tpu.memory_space<vmem>>, vector<1x1x16xf32>,
        %swap3A_798 = vector.shape_cast %swap3A_797 : vector<1x1x16xf32> to vector<16xf32>
        %swap3A_799 = vector.shape_cast %mul3A_792 : vector<16xf32> to vector<1x1x16xf32>
        tpu.vector_store %arg6[%swap3A_794, %swap3A_795, %swap3A_796], %swap3A_799 {strides = array<i32>} : memref<4x128x128xf32, #tpu.memory_space<vmem>>, vector<1x1x16xf32>,
        %mul3A_800 = arith.constant 4 : i32
        %mul3A_801 = arith.muli %scan3A_261, %mul3A_800 : i32
        %add3A_802 = arith.constant 3 : i32
        %add3A_803 = arith.addi %mul3A_801, %add3A_802 : i32
        %get3A_804 = arith.constant 3 : i32
        %get3A_805 = arith.index_cast %get3A_804 : i32 to index
        %get3A_806 = arith.index_cast %add3A_803 : i32 to index
        %get3A_807 = arith.constant 48 : index
        %get3A_808 = tpu.vector_load %arg6[%get3A_805, %get3A_806, %get3A_807] {strides = array<i32>} : memref<4x128x128xf32, #tpu.memory_space<vmem>>, vector<1x1x16xf32>,
        %get3A_809 = vector.shape_cast %get3A_808 : vector<1x1x16xf32> to vector<16xf32>
        %mul3A_810 = arith.constant 11.3137083 : f32
        %mul3A_811 = vector.broadcast %mul3A_810 : f32 to vector<16xf32>
        %mul3A_812 = arith.mulf %get3A_809, %mul3A_811 : vector<16xf32>
        %swap3A_813 = arith.constant 3 : i32
        %swap3A_814 = arith.index_cast %swap3A_813 : i32 to index
        %swap3A_815 = arith.index_cast %add3A_803 : i32 to index
        %swap3A_816 = arith.constant 48 : index
        %swap3A_817 = tpu.vector_load %arg6[%swap3A_814, %swap3A_815, %swap3A_816] {strides = array<i32>} : memref<4x128x128xf32, #tpu.memory_space<vmem>>, vector<1x1x16xf32>,
        %swap3A_818 = vector.shape_cast %swap3A_817 : vector<1x1x16xf32> to vector<16xf32>
        %swap3A_819 = vector.shape_cast %mul3A_812 : vector<16xf32> to vector<1x1x16xf32>
        tpu.vector_store %arg6[%swap3A_814, %swap3A_815, %swap3A_816], %swap3A_819 {strides = array<i32>} : memref<4x128x128xf32, #tpu.memory_space<vmem>>, vector<1x1x16xf32>,
        %mul3A_820 = arith.constant 4 : i32
        %mul3A_821 = arith.muli %scan3A_261, %mul3A_820 : i32
        %add3A_822 = arith.constant 3 : i32
        %add3A_823 = arith.addi %mul3A_821, %add3A_822 : i32
        %get3A_824 = arith.constant 3 : i32
        %get3A_825 = arith.index_cast %get3A_824 : i32 to index
        %get3A_826 = arith.index_cast %add3A_823 : i32 to index
        %get3A_827 = arith.constant 64 : index
        %get3A_828 = tpu.vector_load %arg6[%get3A_825, %get3A_826, %get3A_827] {strides = array<i32>} : memref<4x128x128xf32, #tpu.memory_space<vmem>>, vector<1x1x16xf32>,
        %get3A_829 = vector.shape_cast %get3A_828 : vector<1x1x16xf32> to vector<16xf32>
        %mul3A_830 = arith.constant 11.3137083 : f32
        %mul3A_831 = vector.broadcast %mul3A_830 : f32 to vector<16xf32>
        %mul3A_832 = arith.mulf %get3A_829, %mul3A_831 : vector<16xf32>
        %swap3A_833 = arith.constant 3 : i32
        %swap3A_834 = arith.index_cast %swap3A_833 : i32 to index
        %swap3A_835 = arith.index_cast %add3A_823 : i32 to index
        %swap3A_836 = arith.constant 64 : index
        %swap3A_837 = tpu.vector_load %arg6[%swap3A_834, %swap3A_835, %swap3A_836] {strides = array<i32>} : memref<4x128x128xf32, #tpu.memory_space<vmem>>, vector<1x1x16xf32>,
        %swap3A_838 = vector.shape_cast %swap3A_837 : vector<1x1x16xf32> to vector<16xf32>
        %swap3A_839 = vector.shape_cast %mul3A_832 : vector<16xf32> to vector<1x1x16xf32>
        tpu.vector_store %arg6[%swap3A_834, %swap3A_835, %swap3A_836], %swap3A_839 {strides = array<i32>} : memref<4x128x128xf32, #tpu.memory_space<vmem>>, vector<1x1x16xf32>,
        %mul3A_840 = arith.constant 4 : i32
        %mul3A_841 = arith.muli %scan3A_261, %mul3A_840 : i32
        %add3A_842 = arith.constant 3 : i32
        %add3A_843 = arith.addi %mul3A_841, %add3A_842 : i32
        %get3A_844 = arith.constant 3 : i32
        %get3A_845 = arith.index_cast %get3A_844 : i32 to index
        %get3A_846 = arith.index_cast %add3A_843 : i32 to index
        %get3A_847 = arith.constant 80 : index
        %get3A_848 = tpu.vector_load %arg6[%get3A_845, %get3A_846, %get3A_847] {strides = array<i32>} : memref<4x128x128xf32, #tpu.memory_space<vmem>>, vector<1x1x16xf32>,
        %get3A_849 = vector.shape_cast %get3A_848 : vector<1x1x16xf32> to vector<16xf32>
        %mul3A_850 = arith.constant 11.3137083 : f32
        %mul3A_851 = vector.broadcast %mul3A_850 : f32 to vector<16xf32>
        %mul3A_852 = arith.mulf %get3A_849, %mul3A_851 : vector<16xf32>
        %swap3A_853 = arith.constant 3 : i32
        %swap3A_854 = arith.index_cast %swap3A_853 : i32 to index
        %swap3A_855 = arith.index_cast %add3A_843 : i32 to index
        %swap3A_856 = arith.constant 80 : index
        %swap3A_857 = tpu.vector_load %arg6[%swap3A_854, %swap3A_855, %swap3A_856] {strides = array<i32>} : memref<4x128x128xf32, #tpu.memory_space<vmem>>, vector<1x1x16xf32>,
        %swap3A_858 = vector.shape_cast %swap3A_857 : vector<1x1x16xf32> to vector<16xf32>
        %swap3A_859 = vector.shape_cast %mul3A_852 : vector<16xf32> to vector<1x1x16xf32>
        tpu.vector_store %arg6[%swap3A_854, %swap3A_855, %swap3A_856], %swap3A_859 {strides = array<i32>} : memref<4x128x128xf32, #tpu.memory_space<vmem>>, vector<1x1x16xf32>,
        %mul3A_860 = arith.constant 4 : i32
        %mul3A_861 = arith.muli %scan3A_261, %mul3A_860 : i32
        %add3A_862 = arith.constant 3 : i32
        %add3A_863 = arith.addi %mul3A_861, %add3A_862 : i32
        %get3A_864 = arith.constant 3 : i32
        %get3A_865 = arith.index_cast %get3A_864 : i32 to index
        %get3A_866 = arith.index_cast %add3A_863 : i32 to index
        %get3A_867 = arith.constant 96 : index
        %get3A_868 = tpu.vector_load %arg6[%get3A_865, %get3A_866, %get3A_867] {strides = array<i32>} : memref<4x128x128xf32, #tpu.memory_space<vmem>>, vector<1x1x16xf32>,
        %get3A_869 = vector.shape_cast %get3A_868 : vector<1x1x16xf32> to vector<16xf32>
        %mul3A_870 = arith.constant 11.3137083 : f32
        %mul3A_871 = vector.broadcast %mul3A_870 : f32 to vector<16xf32>
        %mul3A_872 = arith.mulf %get3A_869, %mul3A_871 : vector<16xf32>
        %swap3A_873 = arith.constant 3 : i32
        %swap3A_874 = arith.index_cast %swap3A_873 : i32 to index
        %swap3A_875 = arith.index_cast %add3A_863 : i32 to index
        %swap3A_876 = arith.constant 96 : index
        %swap3A_877 = tpu.vector_load %arg6[%swap3A_874, %swap3A_875, %swap3A_876] {strides = array<i32>} : memref<4x128x128xf32, #tpu.memory_space<vmem>>, vector<1x1x16xf32>,
        %swap3A_878 = vector.shape_cast %swap3A_877 : vector<1x1x16xf32> to vector<16xf32>
        %swap3A_879 = vector.shape_cast %mul3A_872 : vector<16xf32> to vector<1x1x16xf32>
        tpu.vector_store %arg6[%swap3A_874, %swap3A_875, %swap3A_876], %swap3A_879 {strides = array<i32>} : memref<4x128x128xf32, #tpu.memory_space<vmem>>, vector<1x1x16xf32>,
        %mul3A_880 = arith.constant 4 : i32
        %mul3A_881 = arith.muli %scan3A_261, %mul3A_880 : i32
        %add3A_882 = arith.constant 3 : i32
        %add3A_883 = arith.addi %mul3A_881, %add3A_882 : i32
        %get3A_884 = arith.constant 3 : i32
        %get3A_885 = arith.index_cast %get3A_884 : i32 to index
        %get3A_886 = arith.index_cast %add3A_883 : i32 to index
        %get3A_887 = arith.constant 112 : index
        %get3A_888 = tpu.vector_load %arg6[%get3A_885, %get3A_886, %get3A_887] {strides = array<i32>} : memref<4x128x128xf32, #tpu.memory_space<vmem>>, vector<1x1x16xf32>,
        %get3A_889 = vector.shape_cast %get3A_888 : vector<1x1x16xf32> to vector<16xf32>
        %mul3A_890 = arith.constant 11.3137083 : f32
        %mul3A_891 = vector.broadcast %mul3A_890 : f32 to vector<16xf32>
        %mul3A_892 = arith.mulf %get3A_889, %mul3A_891 : vector<16xf32>
        %swap3A_893 = arith.constant 3 : i32
        %swap3A_894 = arith.index_cast %swap3A_893 : i32 to index
        %swap3A_895 = arith.index_cast %add3A_883 : i32 to index
        %swap3A_896 = arith.constant 112 : index
        %swap3A_897 = tpu.vector_load %arg6[%swap3A_894, %swap3A_895, %swap3A_896] {strides = array<i32>} : memref<4x128x128xf32, #tpu.memory_space<vmem>>, vector<1x1x16xf32>,
        %swap3A_898 = vector.shape_cast %swap3A_897 : vector<1x1x16xf32> to vector<16xf32>
        %swap3A_899 = vector.shape_cast %mul3A_892 : vector<16xf32> to vector<1x1x16xf32>
        tpu.vector_store %arg6[%swap3A_894, %swap3A_895, %swap3A_896], %swap3A_899 {strides = array<i32>} : memref<4x128x128xf32, #tpu.memory_space<vmem>>, vector<1x1x16xf32>,
      }
      %scan3A_238 = arith.constant 32 : i32
      %mul3A_239 = arith.constant 4 : i32
      %mul3A_240 = arith.muli %scan3A_106, %mul3A_239 : i32
      %add3A_241 = arith.constant 3 : i32
      %add3A_242 = arith.addi %mul3A_240, %add3A_241 : i32
      %mul3A_243 = arith.constant 128 : i32
      %mul3A_244 = arith.muli %add3A_242, %mul3A_243 : i32
      %add3A_245 = arith.addi %mul3A_2, %mul3A_244 : i32
      %dma_start3A_246 = arith.constant 3 : i32
      %dma_start3A_247 = arith.constant 0 : i32
      %dma_start3A_248 = arith.constant 0 : i32
      %dma_start3A_249 = tpu.memref_slice %arg6[%dma_start3A_246, %dma_start3A_247, %dma_start3A_248] : memref<4x128x128xf32, #tpu.memory_space<vmem>> -> memref<1x128x128xf32, #tpu.memory_space<vmem>>
      %dma_start3A_250 = tpu.memref_squeeze %dma_start3A_249 : memref<1x128x128xf32, #tpu.memory_space<vmem>> -> memref<128x128xf32, #tpu.memory_space<vmem>>
      %dma_start3A_251 = arith.constant 0 : i32
      %dma_start3A_252 = tpu.memref_slice %arg4[%add3A_245, %dma_start3A_251] : memref<819200x128xf32, #tpu.memory_space<hbm>> -> memref<128x128xf32, #tpu.memory_space<hbm>>
      %dma_start3A_253 = arith.constant 0 : i32
      %dma_start3A_254 = tpu.memref_slice %arg4[%add3A_245, %dma_start3A_253] : memref<819200x128xf32, #tpu.memory_space<hbm>> -> memref<128x128xf32, #tpu.memory_space<hbm>>
      %dma_start3A_255 = arith.constant 0 : i32
      %dma_start3A_256 = arith.constant 0 : i32
      %dma_start3A_257 = tpu.memref_slice %arg6[%dma_start3A_246, %dma_start3A_255, %dma_start3A_256] : memref<4x128x128xf32, #tpu.memory_space<vmem>> -> memref<1x128x128xf32, #tpu.memory_space<vmem>>
      %dma_start3A_258 = tpu.memref_squeeze %dma_start3A_257 : memref<1x128x128xf32, #tpu.memory_space<vmem>> -> memref<128x128xf32, #tpu.memory_space<vmem>>
      tpu.enqueue_dma source(%dma_start3A_258 : memref<128x128xf32, #tpu.memory_space<vmem>>) target(%dma_start3A_254 : memref<128x128xf32, #tpu.memory_space<hbm>>) target_semaphore(%arg14 : memref<!tpu.dma_semaphore, #tpu.memory_space<semaphore_mem>>)
      %lt3A = arith.constant 49 : i32
      %lt3A_259 = arith.cmpi slt, %scan3A_106, %lt3A : i32
      %convert_element_type3A = arith.extui %lt3A_259 : i1 to i32
      %cond3A = arith.constant 0 : i32
      %cond3A_260 = arith.cmpi ne, %convert_element_type3A, %cond3A : i32
      scf.if %cond3A_260 {
        %dma_wait3A_261 = arith.constant 0 : i32
        %dma_wait3A_262 = arith.constant 0 : i32
        %dma_wait3A_263 = arith.constant 0 : i32
        %dma_wait3A_264 = tpu.memref_slice %arg6[%dma_wait3A_261, %dma_wait3A_262, %dma_wait3A_263] : memref<4x128x128xf32, #tpu.memory_space<vmem>> -> memref<1x128x128xf32, #tpu.memory_space<vmem>>
        %dma_wait3A_265 = tpu.memref_squeeze %dma_wait3A_264 : memref<1x128x128xf32, #tpu.memory_space<vmem>> -> memref<128x128xf32, #tpu.memory_space<vmem>>
        %dma_wait3A_266 = arith.constant 0 : i32
        %dma_wait3A_267 = tpu.memref_slice %arg4[%mul3A_2, %dma_wait3A_266] : memref<819200x128xf32, #tpu.memory_space<hbm>> -> memref<128x128xf32, #tpu.memory_space<hbm>>
        %dma_wait3A_268 = arith.constant 0 : i32
        %dma_wait3A_269 = tpu.memref_slice %arg4[%mul3A_2, %dma_wait3A_268] : memref<819200x128xf32, #tpu.memory_space<hbm>> -> memref<128x128xf32, #tpu.memory_space<hbm>>
        %dma_wait3A_270 = arith.constant 0 : i32
        %dma_wait3A_271 = arith.constant 0 : i32
        %dma_wait3A_272 = tpu.memref_slice %arg6[%dma_wait3A_261, %dma_wait3A_270, %dma_wait3A_271] : memref<4x128x128xf32, #tpu.memory_space<vmem>> -> memref<1x128x128xf32, #tpu.memory_space<vmem>>
        %dma_wait3A_273 = tpu.memref_squeeze %dma_wait3A_272 : memref<1x128x128xf32, #tpu.memory_space<vmem>> -> memref<128x128xf32, #tpu.memory_space<vmem>>
        tpu.wait_dma2 semaphore(%arg11 : memref<!tpu.dma_semaphore, #tpu.memory_space<semaphore_mem>>) src(%dma_wait3A_273 : memref<128x128xf32, #tpu.memory_space<vmem>>) dst(%dma_wait3A_269 : memref<128x128xf32, #tpu.memory_space<hbm>>)
        %add3A_274 = arith.constant 1 : i32
        %add3A_275 = arith.addi %scan3A_106, %add3A_274 : i32
        %mul3A_276 = arith.constant 4 : i32
        %mul3A_277 = arith.muli %add3A_275, %mul3A_276 : i32
        %add3A_278 = arith.constant 0 : i32
        %add3A_279 = arith.addi %mul3A_277, %add3A_278 : i32
        %dma_start3A_280 = arith.constant 0 : i32
        %dma_start3A_281 = arith.constant 0 : i32
        %dma_start3A_282 = arith.constant 0 : i32
        %dma_start3A_283 = tpu.memref_slice %arg6[%dma_start3A_280, %dma_start3A_281, %dma_start3A_282] : memref<4x128x128xf32, #tpu.memory_space<vmem>> -> memref<1x128x128xf32, #tpu.memory_space<vmem>>
        %dma_start3A_284 = tpu.memref_squeeze %dma_start3A_283 : memref<1x128x128xf32, #tpu.memory_space<vmem>> -> memref<128x128xf32, #tpu.memory_space<vmem>>
        %dma_start3A_285 = arith.constant 0 : i32
        %dma_start3A_286 = tpu.memref_slice %arg5[%add3A_279, %dma_start3A_285] : memref<200x128xi32, #tpu.memory_space<vmem>> -> memref<1x128xi32, #tpu.memory_space<vmem>>
        %dma_start3A_287 = tpu.memref_squeeze %dma_start3A_286 : memref<1x128xi32, #tpu.memory_space<vmem>> -> memref<128xi32, #tpu.memory_space<vmem>>
        %dma_start3A_288 = arith.constant 0 : i32
        %dma_start3A_289 = arith.constant 0 : i32
        %dma_start3A_290 = tpu.memref_slice %arg2[%dma_start3A_288, %dma_start3A_289] : memref<100000x128xf32, #tpu.memory_space<hbm>> -> memref<100000x128xf32, #tpu.memory_space<hbm>>
        tpu.enqueue_indirect_dma source(%dma_start3A_290 : memref<100000x128xf32, #tpu.memory_space<hbm>>) target(%dma_start3A_284 : memref<128x128xf32, #tpu.memory_space<vmem>>) offsets(%dma_start3A_287 : memref<128xi32, #tpu.memory_space<vmem>>) semaphore(%arg7 : memref<!tpu.dma_semaphore, #tpu.memory_space<semaphore_mem>>)
        %dma_wait3A_291 = arith.constant 1 : i32
        %dma_wait3A_292 = arith.constant 0 : i32
        %dma_wait3A_293 = arith.constant 0 : i32
        %dma_wait3A_294 = tpu.memref_slice %arg6[%dma_wait3A_291, %dma_wait3A_292, %dma_wait3A_293] : memref<4x128x128xf32, #tpu.memory_space<vmem>> -> memref<1x128x128xf32, #tpu.memory_space<vmem>>
        %dma_wait3A_295 = tpu.memref_squeeze %dma_wait3A_294 : memref<1x128x128xf32, #tpu.memory_space<vmem>> -> memref<128x128xf32, #tpu.memory_space<vmem>>
        %dma_wait3A_296 = arith.constant 0 : i32
        %dma_wait3A_297 = tpu.memref_slice %arg4[%mul3A_2, %dma_wait3A_296] : memref<819200x128xf32, #tpu.memory_space<hbm>> -> memref<128x128xf32, #tpu.memory_space<hbm>>
        %dma_wait3A_298 = arith.constant 0 : i32
        %dma_wait3A_299 = tpu.memref_slice %arg4[%mul3A_2, %dma_wait3A_298] : memref<819200x128xf32, #tpu.memory_space<hbm>> -> memref<128x128xf32, #tpu.memory_space<hbm>>
        %dma_wait3A_300 = arith.constant 0 : i32
        %dma_wait3A_301 = arith.constant 0 : i32
        %dma_wait3A_302 = tpu.memref_slice %arg6[%dma_wait3A_291, %dma_wait3A_300, %dma_wait3A_301] : memref<4x128x128xf32, #tpu.memory_space<vmem>> -> memref<1x128x128xf32, #tpu.memory_space<vmem>>
        %dma_wait3A_303 = tpu.memref_squeeze %dma_wait3A_302 : memref<1x128x128xf32, #tpu.memory_space<vmem>> -> memref<128x128xf32, #tpu.memory_space<vmem>>
        tpu.wait_dma2 semaphore(%arg12 : memref<!tpu.dma_semaphore, #tpu.memory_space<semaphore_mem>>) src(%dma_wait3A_303 : memref<128x128xf32, #tpu.memory_space<vmem>>) dst(%dma_wait3A_299 : memref<128x128xf32, #tpu.memory_space<hbm>>)
        %add3A_304 = arith.constant 1 : i32
        %add3A_305 = arith.addi %scan3A_106, %add3A_304 : i32
        %mul3A_306 = arith.constant 4 : i32
        %mul3A_307 = arith.muli %add3A_305, %mul3A_306 : i32
        %add3A_308 = arith.constant 1 : i32
        %add3A_309 = arith.addi %mul3A_307, %add3A_308 : i32
        %dma_start3A_310 = arith.constant 1 : i32
        %dma_start3A_311 = arith.constant 0 : i32
        %dma_start3A_312 = arith.constant 0 : i32
        %dma_start3A_313 = tpu.memref_slice %arg6[%dma_start3A_310, %dma_start3A_311, %dma_start3A_312] : memref<4x128x128xf32, #tpu.memory_space<vmem>> -> memref<1x128x128xf32, #tpu.memory_space<vmem>>
        %dma_start3A_314 = tpu.memref_squeeze %dma_start3A_313 : memref<1x128x128xf32, #tpu.memory_space<vmem>> -> memref<128x128xf32, #tpu.memory_space<vmem>>
        %dma_start3A_315 = arith.constant 0 : i32
        %dma_start3A_316 = tpu.memref_slice %arg5[%add3A_309, %dma_start3A_315] : memref<200x128xi32, #tpu.memory_space<vmem>> -> memref<1x128xi32, #tpu.memory_space<vmem>>
        %dma_start3A_317 = tpu.memref_squeeze %dma_start3A_316 : memref<1x128xi32, #tpu.memory_space<vmem>> -> memref<128xi32, #tpu.memory_space<vmem>>
        %dma_start3A_318 = arith.constant 0 : i32
        %dma_start3A_319 = arith.constant 0 : i32
        %dma_start3A_320 = tpu.memref_slice %arg2[%dma_start3A_318, %dma_start3A_319] : memref<100000x128xf32, #tpu.memory_space<hbm>> -> memref<100000x128xf32, #tpu.memory_space<hbm>>
        tpu.enqueue_indirect_dma source(%dma_start3A_320 : memref<100000x128xf32, #tpu.memory_space<hbm>>) target(%dma_start3A_314 : memref<128x128xf32, #tpu.memory_space<vmem>>) offsets(%dma_start3A_317 : memref<128xi32, #tpu.memory_space<vmem>>) semaphore(%arg8 : memref<!tpu.dma_semaphore, #tpu.memory_space<semaphore_mem>>)
        %dma_wait3A_321 = arith.constant 2 : i32
        %dma_wait3A_322 = arith.constant 0 : i32
        %dma_wait3A_323 = arith.constant 0 : i32
        %dma_wait3A_324 = tpu.memref_slice %arg6[%dma_wait3A_321, %dma_wait3A_322, %dma_wait3A_323] : memref<4x128x128xf32, #tpu.memory_space<vmem>> -> memref<1x128x128xf32, #tpu.memory_space<vmem>>
        %dma_wait3A_325 = tpu.memref_squeeze %dma_wait3A_324 : memref<1x128x128xf32, #tpu.memory_space<vmem>> -> memref<128x128xf32, #tpu.memory_space<vmem>>
        %dma_wait3A_326 = arith.constant 0 : i32
        %dma_wait3A_327 = tpu.memref_slice %arg4[%mul3A_2, %dma_wait3A_326] : memref<819200x128xf32, #tpu.memory_space<hbm>> -> memref<128x128xf32, #tpu.memory_space<hbm>>
        %dma_wait3A_328 = arith.constant 0 : i32
        %dma_wait3A_329 = tpu.memref_slice %arg4[%mul3A_2, %dma_wait3A_328] : memref<819200x128xf32, #tpu.memory_space<hbm>> -> memref<128x128xf32, #tpu.memory_space<hbm>>
        %dma_wait3A_330 = arith.constant 0 : i32
        %dma_wait3A_331 = arith.constant 0 : i32
        %dma_wait3A_332 = tpu.memref_slice %arg6[%dma_wait3A_321, %dma_wait3A_330, %dma_wait3A_331] : memref<4x128x128xf32, #tpu.memory_space<vmem>> -> memref<1x128x128xf32, #tpu.memory_space<vmem>>
        %dma_wait3A_333 = tpu.memref_squeeze %dma_wait3A_332 : memref<1x128x128xf32, #tpu.memory_space<vmem>> -> memref<128x128xf32, #tpu.memory_space<vmem>>
        tpu.wait_dma2 semaphore(%arg13 : memref<!tpu.dma_semaphore, #tpu.memory_space<semaphore_mem>>) src(%dma_wait3A_333 : memref<128x128xf32, #tpu.memory_space<vmem>>) dst(%dma_wait3A_329 : memref<128x128xf32, #tpu.memory_space<hbm>>)
        %add3A_334 = arith.constant 1 : i32
        %add3A_335 = arith.addi %scan3A_106, %add3A_334 : i32
        %mul3A_336 = arith.constant 4 : i32
        %mul3A_337 = arith.muli %add3A_335, %mul3A_336 : i32
        %add3A_338 = arith.constant 2 : i32
        %add3A_339 = arith.addi %mul3A_337, %add3A_338 : i32
        %dma_start3A_340 = arith.constant 2 : i32
        %dma_start3A_341 = arith.constant 0 : i32
        %dma_start3A_342 = arith.constant 0 : i32
        %dma_start3A_343 = tpu.memref_slice %arg6[%dma_start3A_340, %dma_start3A_341, %dma_start3A_342] : memref<4x128x128xf32, #tpu.memory_space<vmem>> -> memref<1x128x128xf32, #tpu.memory_space<vmem>>
        %dma_start3A_344 = tpu.memref_squeeze %dma_start3A_343 : memref<1x128x128xf32, #tpu.memory_space<vmem>> -> memref<128x128xf32, #tpu.memory_space<vmem>>
        %dma_start3A_345 = arith.constant 0 : i32
        %dma_start3A_346 = tpu.memref_slice %arg5[%add3A_339, %dma_start3A_345] : memref<200x128xi32, #tpu.memory_space<vmem>> -> memref<1x128xi32, #tpu.memory_space<vmem>>
        %dma_start3A_347 = tpu.memref_squeeze %dma_start3A_346 : memref<1x128xi32, #tpu.memory_space<vmem>> -> memref<128xi32, #tpu.memory_space<vmem>>
        %dma_start3A_348 = arith.constant 0 : i32
        %dma_start3A_349 = arith.constant 0 : i32
        %dma_start3A_350 = tpu.memref_slice %arg2[%dma_start3A_348, %dma_start3A_349] : memref<100000x128xf32, #tpu.memory_space<hbm>> -> memref<100000x128xf32, #tpu.memory_space<hbm>>
        tpu.enqueue_indirect_dma source(%dma_start3A_350 : memref<100000x128xf32, #tpu.memory_space<hbm>>) target(%dma_start3A_344 : memref<128x128xf32, #tpu.memory_space<vmem>>) offsets(%dma_start3A_347 : memref<128xi32, #tpu.memory_space<vmem>>) semaphore(%arg9 : memref<!tpu.dma_semaphore, #tpu.memory_space<semaphore_mem>>)
        %dma_wait3A_351 = arith.constant 3 : i32
        %dma_wait3A_352 = arith.constant 0 : i32
        %dma_wait3A_353 = arith.constant 0 : i32
        %dma_wait3A_354 = tpu.memref_slice %arg6[%dma_wait3A_351, %dma_wait3A_352, %dma_wait3A_353] : memref<4x128x128xf32, #tpu.memory_space<vmem>> -> memref<1x128x128xf32, #tpu.memory_space<vmem>>
        %dma_wait3A_355 = tpu.memref_squeeze %dma_wait3A_354 : memref<1x128x128xf32, #tpu.memory_space<vmem>> -> memref<128x128xf32, #tpu.memory_space<vmem>>
        %dma_wait3A_356 = arith.constant 0 : i32
        %dma_wait3A_357 = tpu.memref_slice %arg4[%mul3A_2, %dma_wait3A_356] : memref<819200x128xf32, #tpu.memory_space<hbm>> -> memref<128x128xf32, #tpu.memory_space<hbm>>
        %dma_wait3A_358 = arith.constant 0 : i32
        %dma_wait3A_359 = tpu.memref_slice %arg4[%mul3A_2, %dma_wait3A_358] : memref<819200x128xf32, #tpu.memory_space<hbm>> -> memref<128x128xf32, #tpu.memory_space<hbm>>
        %dma_wait3A_360 = arith.constant 0 : i32
        %dma_wait3A_361 = arith.constant 0 : i32
        %dma_wait3A_362 = tpu.memref_slice %arg6[%dma_wait3A_351, %dma_wait3A_360, %dma_wait3A_361] : memref<4x128x128xf32, #tpu.memory_space<vmem>> -> memref<1x128x128xf32, #tpu.memory_space<vmem>>
        %dma_wait3A_363 = tpu.memref_squeeze %dma_wait3A_362 : memref<1x128x128xf32, #tpu.memory_space<vmem>> -> memref<128x128xf32, #tpu.memory_space<vmem>>
        tpu.wait_dma2 semaphore(%arg14 : memref<!tpu.dma_semaphore, #tpu.memory_space<semaphore_mem>>) src(%dma_wait3A_363 : memref<128x128xf32, #tpu.memory_space<vmem>>) dst(%dma_wait3A_359 : memref<128x128xf32, #tpu.memory_space<hbm>>)
        %add3A_364 = arith.constant 1 : i32
        %add3A_365 = arith.addi %scan3A_106, %add3A_364 : i32
        %mul3A_366 = arith.constant 4 : i32
        %mul3A_367 = arith.muli %add3A_365, %mul3A_366 : i32
        %add3A_368 = arith.constant 3 : i32
        %add3A_369 = arith.addi %mul3A_367, %add3A_368 : i32
        %dma_start3A_370 = arith.constant 3 : i32
        %dma_start3A_371 = arith.constant 0 : i32
        %dma_start3A_372 = arith.constant 0 : i32
        %dma_start3A_373 = tpu.memref_slice %arg6[%dma_start3A_370, %dma_start3A_371, %dma_start3A_372] : memref<4x128x128xf32, #tpu.memory_space<vmem>> -> memref<1x128x128xf32, #tpu.memory_space<vmem>>
        %dma_start3A_374 = tpu.memref_squeeze %dma_start3A_373 : memref<1x128x128xf32, #tpu.memory_space<vmem>> -> memref<128x128xf32, #tpu.memory_space<vmem>>
        %dma_start3A_375 = arith.constant 0 : i32
        %dma_start3A_376 = tpu.memref_slice %arg5[%add3A_369, %dma_start3A_375] : memref<200x128xi32, #tpu.memory_space<vmem>> -> memref<1x128xi32, #tpu.memory_space<vmem>>
        %dma_start3A_377 = tpu.memref_squeeze %dma_start3A_376 : memref<1x128xi32, #tpu.memory_space<vmem>> -> memref<128xi32, #tpu.memory_space<vmem>>
        %dma_start3A_378 = arith.constant 0 : i32
        %dma_start3A_379 = arith.constant 0 : i32
        %dma_start3A_380 = tpu.memref_slice %arg2[%dma_start3A_378, %dma_start3A_379] : memref<100000x128xf32, #tpu.memory_space<hbm>> -> memref<100000x128xf32, #tpu.memory_space<hbm>>
        tpu.enqueue_indirect_dma source(%dma_start3A_380 : memref<100000x128xf32, #tpu.memory_space<hbm>>) target(%dma_start3A_374 : memref<128x128xf32, #tpu.memory_space<vmem>>) offsets(%dma_start3A_377 : memref<128xi32, #tpu.memory_space<vmem>>) semaphore(%arg10 : memref<!tpu.dma_semaphore, #tpu.memory_space<semaphore_mem>>)
      } else {
      }
    }
    %scan3A_54 = arith.constant 50 : i32
    %dma_wait3A = arith.constant 0 : i32
    %dma_wait3A_55 = arith.constant 0 : i32
    %dma_wait3A_56 = arith.constant 0 : i32
    %dma_wait3A_57 = tpu.memref_slice %arg6[%dma_wait3A, %dma_wait3A_55, %dma_wait3A_56] : memref<4x128x128xf32, #tpu.memory_space<vmem>> -> memref<1x128x128xf32, #tpu.memory_space<vmem>>
    %dma_wait3A_58 = tpu.memref_squeeze %dma_wait3A_57 : memref<1x128x128xf32, #tpu.memory_space<vmem>> -> memref<128x128xf32, #tpu.memory_space<vmem>>
    %dma_wait3A_59 = arith.constant 0 : i32
    %dma_wait3A_60 = tpu.memref_slice %arg4[%mul3A_2, %dma_wait3A_59] : memref<819200x128xf32, #tpu.memory_space<hbm>> -> memref<128x128xf32, #tpu.memory_space<hbm>>
    %dma_wait3A_61 = arith.constant 0 : i32
    %dma_wait3A_62 = tpu.memref_slice %arg4[%mul3A_2, %dma_wait3A_61] : memref<819200x128xf32, #tpu.memory_space<hbm>> -> memref<128x128xf32, #tpu.memory_space<hbm>>
    %dma_wait3A_63 = arith.constant 0 : i32
    %dma_wait3A_64 = arith.constant 0 : i32
    %dma_wait3A_65 = tpu.memref_slice %arg6[%dma_wait3A, %dma_wait3A_63, %dma_wait3A_64] : memref<4x128x128xf32, #tpu.memory_space<vmem>> -> memref<1x128x128xf32, #tpu.memory_space<vmem>>
    %dma_wait3A_66 = tpu.memref_squeeze %dma_wait3A_65 : memref<1x128x128xf32, #tpu.memory_space<vmem>> -> memref<128x128xf32, #tpu.memory_space<vmem>>
    tpu.wait_dma2 semaphore(%arg11 : memref<!tpu.dma_semaphore, #tpu.memory_space<semaphore_mem>>) src(%dma_wait3A_66 : memref<128x128xf32, #tpu.memory_space<vmem>>) dst(%dma_wait3A_62 : memref<128x128xf32, #tpu.memory_space<hbm>>)
    %dma_wait3A_67 = arith.constant 1 : i32
    %dma_wait3A_68 = arith.constant 0 : i32
    %dma_wait3A_69 = arith.constant 0 : i32
    %dma_wait3A_70 = tpu.memref_slice %arg6[%dma_wait3A_67, %dma_wait3A_68, %dma_wait3A_69] : memref<4x128x128xf32, #tpu.memory_space<vmem>> -> memref<1x128x128xf32, #tpu.memory_space<vmem>>
    %dma_wait3A_71 = tpu.memref_squeeze %dma_wait3A_70 : memref<1x128x128xf32, #tpu.memory_space<vmem>> -> memref<128x128xf32, #tpu.memory_space<vmem>>
    %dma_wait3A_72 = arith.constant 0 : i32
    %dma_wait3A_73 = tpu.memref_slice %arg4[%mul3A_2, %dma_wait3A_72] : memref<819200x128xf32, #tpu.memory_space<hbm>> -> memref<128x128xf32, #tpu.memory_space<hbm>>
    %dma_wait3A_74 = arith.constant 0 : i32
    %dma_wait3A_75 = tpu.memref_slice %arg4[%mul3A_2, %dma_wait3A_74] : memref<819200x128xf32, #tpu.memory_space<hbm>> -> memref<128x128xf32, #tpu.memory_space<hbm>>
    %dma_wait3A_76 = arith.constant 0 : i32
    %dma_wait3A_77 = arith.constant 0 : i32
    %dma_wait3A_78 = tpu.memref_slice %arg6[%dma_wait3A_67, %dma_wait3A_76, %dma_wait3A_77] : memref<4x128x128xf32, #tpu.memory_space<vmem>> -> memref<1x128x128xf32, #tpu.memory_space<vmem>>
    %dma_wait3A_79 = tpu.memref_squeeze %dma_wait3A_78 : memref<1x128x128xf32, #tpu.memory_space<vmem>> -> memref<128x128xf32, #tpu.memory_space<vmem>>
    tpu.wait_dma2 semaphore(%arg12 : memref<!tpu.dma_semaphore, #tpu.memory_space<semaphore_mem>>) src(%dma_wait3A_79 : memref<128x128xf32, #tpu.memory_space<vmem>>) dst(%dma_wait3A_75 : memref<128x128xf32, #tpu.memory_space<hbm>>)
    %dma_wait3A_80 = arith.constant 2 : i32
    %dma_wait3A_81 = arith.constant 0 : i32
    %dma_wait3A_82 = arith.constant 0 : i32
    %dma_wait3A_83 = tpu.memref_slice %arg6[%dma_wait3A_80, %dma_wait3A_81, %dma_wait3A_82] : memref<4x128x128xf32, #tpu.memory_space<vmem>> -> memref<1x128x128xf32, #tpu.memory_space<vmem>>
    %dma_wait3A_84 = tpu.memref_squeeze %dma_wait3A_83 : memref<1x128x128xf32, #tpu.memory_space<vmem>> -> memref<128x128xf32, #tpu.memory_space<vmem>>
    %dma_wait3A_85 = arith.constant 0 : i32
    %dma_wait3A_86 = tpu.memref_slice %arg4[%mul3A_2, %dma_wait3A_85] : memref<819200x128xf32, #tpu.memory_space<hbm>> -> memref<128x128xf32, #tpu.memory_space<hbm>>
    %dma_wait3A_87 = arith.constant 0 : i32
    %dma_wait3A_88 = tpu.memref_slice %arg4[%mul3A_2, %dma_wait3A_87] : memref<819200x128xf32, #tpu.memory_space<hbm>> -> memref<128x128xf32, #tpu.memory_space<hbm>>
    %dma_wait3A_89 = arith.constant 0 : i32
    %dma_wait3A_90 = arith.constant 0 : i32
    %dma_wait3A_91 = tpu.memref_slice %arg6[%dma_wait3A_80, %dma_wait3A_89, %dma_wait3A_90] : memref<4x128x128xf32, #tpu.memory_space<vmem>> -> memref<1x128x128xf32, #tpu.memory_space<vmem>>
    %dma_wait3A_92 = tpu.memref_squeeze %dma_wait3A_91 : memref<1x128x128xf32, #tpu.memory_space<vmem>> -> memref<128x128xf32, #tpu.memory_space<vmem>>
    tpu.wait_dma2 semaphore(%arg13 : memref<!tpu.dma_semaphore, #tpu.memory_space<semaphore_mem>>) src(%dma_wait3A_92 : memref<128x128xf32, #tpu.memory_space<vmem>>) dst(%dma_wait3A_88 : memref<128x128xf32, #tpu.memory_space<hbm>>)
    %dma_wait3A_93 = arith.constant 3 : i32
    %dma_wait3A_94 = arith.constant 0 : i32
    %dma_wait3A_95 = arith.constant 0 : i32
    %dma_wait3A_96 = tpu.memref_slice %arg6[%dma_wait3A_93, %dma_wait3A_94, %dma_wait3A_95] : memref<4x128x128xf32, #tpu.memory_space<vmem>> -> memref<1x128x128xf32, #tpu.memory_space<vmem>>
    %dma_wait3A_97 = tpu.memref_squeeze %dma_wait3A_96 : memref<1x128x128xf32, #tpu.memory_space<vmem>> -> memref<128x128xf32, #tpu.memory_space<vmem>>
    %dma_wait3A_98 = arith.constant 0 : i32
    %dma_wait3A_99 = tpu.memref_slice %arg4[%mul3A_2, %dma_wait3A_98] : memref<819200x128xf32, #tpu.memory_space<hbm>> -> memref<128x128xf32, #tpu.memory_space<hbm>>
    %dma_wait3A_100 = arith.constant 0 : i32
    %dma_wait3A_101 = tpu.memref_slice %arg4[%mul3A_2, %dma_wait3A_100] : memref<819200x128xf32, #tpu.memory_space<hbm>> -> memref<128x128xf32, #tpu.memory_space<hbm>>
    %dma_wait3A_102 = arith.constant 0 : i32
    %dma_wait3A_103 = arith.constant 0 : i32
    %dma_wait3A_104 = tpu.memref_slice %arg6[%dma_wait3A_93, %dma_wait3A_102, %dma_wait3A_103] : memref<4x128x128xf32, #tpu.memory_space<vmem>> -> memref<1x128x128xf32, #tpu.memory_space<vmem>>
    %dma_wait3A_105 = tpu.memref_squeeze %dma_wait3A_104 : memref<1x128x128xf32, #tpu.memory_space<vmem>> -> memref<128x128xf32, #tpu.memory_space<vmem>>
    tpu.wait_dma2 semaphore(%arg14 : memref<!tpu.dma_semaphore, #tpu.memory_space<semaphore_mem>>) src(%dma_wait3A_105 : memref<128x128xf32, #tpu.memory_space<vmem>>) dst(%dma_wait3A_101 : memref<128x128xf32, #tpu.memory_space<hbm>>)
    return
  }
}

</mosaic_0001>

<sc_bundles>
// kernel: kernel.3.cloned.1.call-start
scs
__scs_entry_jumppad:
0x0: {  	(pc) =	sbr.rel $0x88, $3  }
0x1: {  	(tag) =	ssettag $0x0;
	lr =	simm.s32 $0x1  }
0x2: {  	[smem:$0x3F9F] =	sst lr;
	_ =	strace $0xD0000000  }
0x3: {  	_ = 	snop  }
0x4: {  	_ = 	snop  }
0x5: {  	_ = 	snop  }
0x6: {  	_ = 	snop  }
0x7: {  	_ = 	snop  }
__scs_overlays_trampoline_lowered:
0x8: {  	[smem:$0x3FAE] =	sst s0  }
0x9: {  	[smem:$0x3FAF] =	sst s1  }
0xa: {  	[smem:$0x3FB0] =	sst s2  }
0xb: {  	[smem:$0x3FB1] =	sst s3  }
0xc: {  	[smem:$0x3FB2] =	sst s4  }
0xd: {  	[smem:$0x3FB3] =	sst s5  }
0xe: {  	[smem:$0x3FB4] =	sst s6  }
0xf: {  	[smem:$0x3FB5] =	sst s7  }
0x10: {  	[smem:$0x3FB6] =	sst s8  }
0x11: {  	[smem:$0x3FB7] =	sst s9;
	s0 =	simm.s32 @!p0 $0x0  }
0x12: {  	s1 =	sld [smem:$0x3F9D];
	s0 =	simm.s32 @p0 $0x1  }
0x13: {  	[smem:$0x3FB8] =	sst s0;
	s0 =	simm.s32 @!p1 $0x0  }
0x14: {  	s2 =	sld [smem:$0x3F9C];
	s0 =	simm.s32 @p1 $0x1  }
0x15: {  	[smem:$0x3FB9] =	sst s0;
	s0 =	simm.s32 @!p2 $0x0  }
0x16: {  	s3 =	sld [smem:$0x3FDB];
	s0 =	simm.s32 @p2 $0x1  }
0x17: {  	s4 =	simm.s32 $0x1BF5;
	[smem:$0x3FBB] =	sst s0  }
0x18: {  	s0 =	sld [smem:$0x3F9E];
	_ =	swait.ge [sflag:s4], $0x0  }
0x19: {  	s7 =	sld [smem:$0x3F9F]  }
0x1a: {  	s8 =	sadd.s32 $0xFFFFE003, lr  }
0x1b: {  	s9 =	sadd.s32 $0xFFFFFEF7, lr;
	s5 =	simm.s32 $0xFFFFFFFF;
	p2 =	slt.u32 s8, $0xFFFFF086  }
0x1c: {  	p1 =	slt.u32 s9, $0xF7A;
	s5 =	simm.s32 @!p2 $0x0  }
0x1d: {  	s5 =	simm.s32 @p1 $0x1;
	p0 =	seq.s32 s7, s2  }
0x1e: {  	s7 =	smul.u32 @!p0 $0xF7A, s2;
	p2 =	seq.s32 @!p0 s5, $0x0  }
0x1f: {  	s9 =	smul.u32 $0xF7A, s1;
	s8 =	simm.s32 @!p0 $0x1BF5;
	p2 =	por !p2, p0  }
0x20: {  	[sflag:s8] =	ssyncset.s32 @!p0 $0xFFFFF086;
	s6 =	sadd.s32 @!p0 s3, s7;
	s7 =	simm.s32 @!p0 $0x108  }
0x21: {  	s3 =	sadd.s32 s3, s9;
	s6 =	sadd.s32 @!p0 $0x88, s6;
	s7 =	simm.s32 @p2 $0x1082  }
0x22: {  	[simem:s7], [sflag:s8] =	dma.local @!p0 [hbm:s6], $0xF7A  }
0x23: {  	s9 =	sor.u32 $0xD0000000, s2;
	s6 =	simm.s32 $0x108;
	_ =	swait.ge @!p0 [sflag:s8], $0x0  }
0x24: {  	s3 =	sadd.s32 $0x88, s3;
	s6 =	simm.s32 @!p1 $0x1082;
	[sflag:s4] =	ssyncset.s32 $0xFFFFF086  }
0x25: {  	[simem:s6], [sflag:s4] =	dma.local [hbm:s3], $0xF7A  }
0x26: {  	[smem:$0x3F9F] =	sst s1;
	(tag) =	ssettag s2;
	_ =	strace s9  }
0x27: {  	s1 =	sld [smem:$0x3FAF]  }
0x28: {  	s2 =	sld [smem:$0x3FB0]  }
0x29: {  	s4 =	sld [smem:$0x3FB2]  }
0x2a: {  	p0 =	seq.s32 s5, $0x0;
	s5 =	sld [smem:$0x3FB3]  }
0x2b: {  	s6 =	sld [smem:$0x3FB4]  }
0x2c: {  	s7 =	sld [smem:$0x3FB5]  }
0x2d: {  	s3 =	simm.s32 $0x108;
	s8 =	sld [smem:$0x3FB6]  }
0x2e: {  	s3 =	simm.s32 @!p0 $0x1082;
	s9 =	sld [smem:$0x3FB7]  }
0x2f: {  	lr =	sadd.s32 s0, s3;
	s0 =	sld [smem:$0x3FAE]  }
0x30: {  	s3 =	sld [smem:$0x3FB1]  }
0x31: {  	[smem:$0x3FBA] =	sst s10  }
0x32: {  	s10 =	sld [smem:$0x3FB8];
	_ =	sdelay $0x3  }
0x33: {  	p0 =	seq.s32 s10, $0x1;
	s10 =	sld [smem:$0x3FBA];
	_ =	sdelay $0x3  }
0x34: {  	[smem:$0x3FBA] =	sst s10  }
0x35: {  	s10 =	sld [smem:$0x3FB9];
	_ =	sdelay $0x3  }
0x36: {  	p1 =	seq.s32 s10, $0x1;
	s10 =	sld [smem:$0x3FBA];
	_ =	sdelay $0x3  }
0x37: {  	[smem:$0x3FBA] =	sst s10  }
0x38: {  	s10 =	sld [smem:$0x3FBB]  }
0x39: {  	_ = 	snop;
	(pc) =	sbr.ind lr, $3  }
0x3a: {  	_ = 	snop  }
0x3b: {  	_ = 	snop  }
0x3c: {  	p2 =	seq.s32 s10, $0x1;
	s10 =	sld [smem:$0x3FBA]  }
0x3d: {  	_ =	shalt  }
0x3e: {  	_ =	shalt  }
0x3f: {  	_ =	shalt  }
0x40: {  	_ =	shalt  }
0x41: {  	_ =	shalt  }
0x42: {  	_ =	shalt  }
0x43: {  	_ =	shalt  }
0x44: {  	_ =	shalt  }
0x45: {  	_ =	shalt  }
0x46: {  	_ =	shalt  }
0x47: {  	_ =	shalt  }
0x48: {  	_ =	shalt  }
0x49: {  	_ =	shalt  }
0x4a: {  	_ =	shalt  }
0x4b: {  	_ =	shalt  }
0x4c: {  	_ =	shalt  }
0x4d: {  	_ =	shalt  }
0x4e: {  	_ =	shalt  }
0x4f: {  	_ =	shalt  }
0x50: {  	_ =	shalt  }
0x51: {  	_ =	shalt  }
0x52: {  	_ =	shalt  }
0x53: {  	_ =	shalt  }
0x54: {  	_ =	shalt  }
0x55: {  	_ =	shalt  }
0x56: {  	_ =	shalt  }
0x57: {  	_ =	shalt  }
0x58: {  	_ =	shalt  }
0x59: {  	_ =	shalt  }
0x5a: {  	_ =	shalt  }
0x5b: {  	_ =	shalt  }
0x5c: {  	_ =	shalt  }
0x5d: {  	_ =	shalt  }
0x5e: {  	_ =	shalt  }
0x5f: {  	_ =	shalt  }
0x60: {  	_ =	shalt  }
0x61: {  	_ =	shalt  }
0x62: {  	_ =	shalt  }
0x63: {  	_ =	shalt  }
0x64: {  	_ =	shalt  }
0x65: {  	_ =	shalt  }
0x66: {  	_ =	shalt  }
0x67: {  	_ =	shalt  }
0x68: {  	_ =	shalt  }
0x69: {  	_ =	shalt  }
0x6a: {  	_ =	shalt  }
0x6b: {  	_ =	shalt  }
0x6c: {  	_ =	shalt  }
0x6d: {  	_ =	shalt  }
0x6e: {  	_ =	shalt  }
0x6f: {  	_ =	shalt  }
0x70: {  	_ =	shalt  }
0x71: {  	_ =	shalt  }
0x72: {  	_ =	shalt  }
0x73: {  	_ =	shalt  }
0x74: {  	_ =	shalt  }
0x75: {  	_ =	shalt  }
0x76: {  	_ =	shalt  }
0x77: {  	_ =	shalt  }
0x78: {  	_ =	shalt  }
0x79: {  	_ =	shalt  }
0x7a: {  	_ =	shalt  }
0x7b: {  	_ =	shalt  }
0x7c: {  	_ =	shalt  }
0x7d: {  	_ =	shalt  }
0x7e: {  	_ =	shalt  }
0x7f: {  	_ =	shalt  }
0x80: {  	_ =	shalt  }
0x81: {  	_ =	shalt  }
0x82: {  	_ =	shalt  }
0x83: {  	_ =	shalt  }
0x84: {  	_ =	shalt  }
0x85: {  	_ =	shalt  }
0x86: {  	_ =	shalt  }
0x87: {  	_ =	shalt  }
.Lfunc_end0:
.L_simem_size_0:
called_computation_lowered:
.L_overlay_start_0:
0x88: {  	s2 =	sld [smem:$0x3FD9]  }
0x89: {  	s3 =	sld [smem:$0x3FFE];
	_ =	sdelay $0x1  }
0x8a: {  	s1 =	srdreg.scid  }
0x8b: {  	s0 =	sand.u32 $0x1, s1  }
0x8c: {  	s17 =	sshll.u32 s0, $0xA;
	s2 =	sadd.s32 s3, s2  }
0x8d: {  	s2 =	sadd.s32 s2, s17  }
0x8e: {  	[smem:$0x3FC6] =	sst s2  }
0x8f: {  	_ = 	snop  }
0x90: {  	s2 =	sld [smem:$0x3FC8]  }
0x91: {  	s18 =	sld [smem:$0x3FD0];
	(tm) =	ssettm $0x1  }
0x92: {  	s4 =	sld [smem:$0x3FFB];
	_ =	sdelay $0x3  }
0x93: {  	_ =	strace s4  }
0x94: {  	s4 =	sld [smem:$0x3FFC];
	_ =	sdelay $0x3  }
0x95: {  	_ =	strace s4  }
0x96: {  	s4 =	sld [smem:$0x3FFD];
	_ =	sdelay $0x3  }
0x97: {  	_ =	strace s4  }
0x98: {  	_ =	strace $0x8FFFFFFF  }
0x99: {  	s19 =	sld [smem:$0x3FDB];
	_ =	sdelay $0x1  }
0x9a: {  	s5 =	simm.s32 $_scs_section_size  }
0x9b: {  	s6 =	simm.s32 $_size__tile_overlayer_lowered;
	s7 =	simm.s32 $_tile_overlayer_lowered  }
0x9c: {  	s22 =	simm.s32 $0x1BFF;
	s21 =	sshll.u32 s7, $0x1;
	s4 =	sadd.s32 s5, s19  }
0x9d: {  	s8 =	simm.s32 $0x0;
	s20 =	sshll.u32 s6, $0x1;
	s6 =	sadd.s32 s21, s4  }
0x9e: {  	[timem:s8], [sflag:s22] =	dma.local [hbm:s6], s20  }
0x9f: {  	_ =	swait.ge [sflag:s22], s20  }
0xa0: {  	s5 =	ssub.s32 $0x0, s20;
	[sflag:s22] =	ssyncset.done $0x0  }
0xa1: {  	[sflag:s22] =	ssyncadd.s32 s5;
	_ =	sdelay $0x1  }
0xa2: {  	s23 =	simm.s32 $0x1B8B  }
0xa3: {  	_ =	swait.ge [sflag:s23], $0x1  }
0xa4: {  	[sflag:s23] =	ssyncset.done $0x0  }
0xa5: {  	s25 =	simm.s32 $0x1B8E;
	s24 =	sld [smem:$0x3FFE];
	[sflag:s23] =	ssyncadd.s32 $0xFFFFFFFF  }
0xa6: {  	s26 =	simm.s32 $execute0_lowered;
	[smem:$0x3FD2] =	sst s25  }
0xa7: {  	s6 =	sshll.u32 s26, $0x1;
	_ =	strace $0x80000046;
	[dreg:$0x1] =	wrdreg $0xFFFFFFFF  }
0xa8: {  	s28 =	simm.s32 $_size_execute0_lowered;
	s4 =	sadd.s32 s4, s6;
	[dreg:$0x0] =	wrdreg $0x0  }
0xa9: {  	s6 =	sshll.u32 s28, $0x1;
	[dreg:$0x2] =	wrdreg s4  }
0xaa: {  	[dreg:$0x3] =	wrdreg s6  }
0xab: {  	[dreg:$0x4] =	wrdreg $0xC0  }
0xac: {  	_ =	task [dreg:s8], $0x5FFFF  }
0xad: {  	[dreg:$0x1] =	wrdreg $0xFFFFFFFF  }
0xae: {  	[dreg:$0x0] =	wrdreg $0x60  }
0xaf: {  	[dreg:$0x2] =	wrdreg s2  }
0xb0: {  	[dreg:$0x3] =	wrdreg s24  }
0xb1: {  	[dreg:$0x4] =	wrdreg s18  }
0xb2: {  	[dreg:$0x5] =	wrdreg $0x9  }
0xb3: {  	_ =	task.clear_ibuf [dreg:s8], $0x6FFFF;
	_ =	strace $0x90000046  }
0xb4: {  	s29 =	simm.s32 $0x9;
	_ =	strace $0x80000048  }
0xb5: {  	_ =	swait.ge [sflag:s29], $0x1  }
0xb6: {  	[sflag:s29] =	ssyncadd.s32 $0xFFFFFFFF  }
0xb7: {  	_ =	strace $0x90000048  }
0xb8: {  	_ =	sfence  }
0xb9: {  	s30 =	sld [smem:$0x0];
	_ =	sdelay $0x2  }
0xba: {  	s31 =	sshll.u32 s1, $0xD;
	s1 =	sshrl.u32 s1, $0x2  }
0xbb: {  	s3 =	sand.u32 $0x4000, s31;
	s1 =	sadd.s32 s1, s30  }
0xbc: {  	s0 =	sor.u32 s3, s0;
	s1 =	sshll.u32 s1, $0x11  }
0xbd: {  	s0 =	sor.u32 s1, s0  }
0xbe: {  	s0 =	sadd.s32 $0x8F2B, s0  }
0xbf: {  	[sflag:s0] =	ssyncadd.remote.s32 $0x1  }
0xc0: {  	_ =	sfence.sel $0xFFFF  }
0xc1: {  	[dreg:$0x0] =	wrdreg $0xFFFFFFFF;
	(pc) =	sbr.abs _section_cstart, $3  }
0xc2: {  	[dreg:$0x1] =	wrdreg $0xFFFFFFFF  }
0xc3: {  	_ =	task.clear_ibuf [dreg:s8], $0x2FFFF;
	_ =	strace $0x9FFFFFFF  }
0xc4: {  	(tm) =	ssettm $0x7FFFFFFF  }
0xc5: {  	_ =	shalt  }
tec
execute0_lowered:
.L_overlay_start_1:
0x0: {  	(tag) =	ssettag $0x1  }
0x1: {  	s2 =	srdreg.scid;
	s1 =	rddreg [dreg:$0x0]  }
0x2: {  	s0 =	stileid.u32;
	s5 =	rddreg [dreg:$0x1];
	s4 =	simm.s32 $0x0  }
0x3: {  	s11 =	simm.s32 $0x9;
	s12 =	simm.s32 $0x80;
	s13 =	simm.s32 $0x6400  }
0x4: {  	s14 =	simm.s32 $0xA400;
	s15 =	simm.s32 $0x100;
	s16 =	simm.s32 $0xE400  }
0x5: {  	s17 =	simm.s32 $0x180;
	s18 =	simm.s32 $0x12400;
	s19 =	simm.s32 $0x1  }
0x6: {  	s20 =	simm.s32 $0x2;
	s21 =	simm.s32 $0x3;
	s22 =	simm.s32 $0x4  }
0x7: {  	s23 =	simm.s32 $0x5;
	s2 =	sand.u32 $0x1, s2;
	s3 =	sshll.u32 s0, $0x1  }
0x8: {  	s24 =	simm.s32 $0x6;
	s25 =	simm.s32 $0x7;
	s6 =	sor.u32 s2, s3  }
0x9: {  	s26 =	simm.s32 $0x8;
	s28 =	simm.s32 $0x0;
	s9 =	smul.u32 $0x6400, s6  }
.Ltmp0:
0xa: {  	[smem:$0x7FF] =	sst s4;
	s2 =	ssub.s32 $0x2, s2;
	(pc) =	sbr.rel .LBB2_1-.Ltmp0, $4  }
0xb: {  	s3 =	rddreg [dreg:$0x2];
	_ =	strace $0x80000047;
	s31 =	sshrl.u32 s2, $0x1  }
0xc: {  	s6 =	smul.u32 $0x320000, s6;
	s2 =	ssub.s32 s2, s31;
	s7 =	sshrl.u32 s9, $0x3  }
0xd: {  	s8 =	sor.u32 $0x100, s9;
	s10 =	smax.u32 s2, $0x1;
	s5 =	sadd.s32 s7, s5  }
0xe: {  	s7 =	sor.u32 $0x80, s9;
	s9 =	sor.u32 $0x180, s9;
	s5 =	sadd.s32 $0x400, s5  }
.LBB2_12:
0xf: {  	_ =	swait.ge [sflag:s24], $0x4000  }
0x10: {  	[sflag:s24] =	ssyncset.done $0x0  }
0x11: {  	s28 =	sadd.s32 $0x1, s28;
	[sflag:s24] =	ssyncadd.s32 $0xFFFFC000  }
0x12: {  	p0 =	sne.s32 s28, s10;
	_ =	swait.ge [sflag:s25], $0x4000  }
.Ltmp1:
0x13: {  	[sflag:s25] =	ssyncset.done $0x0;
	(pc) =	sbr.rel @!p0 .LBB2_13-.Ltmp1, $4  }
0x14: {  	[sflag:s25] =	ssyncadd.s32 $0xFFFFC000  }
0x15: {  	_ =	swait.ge [sflag:s26], $0x4000  }
0x16: {  	[sflag:s26] =	ssyncset.done $0x0  }
0x17: {  	[sflag:s26] =	ssyncadd.s32 $0xFFFFC000  }
.LBB2_1:
0x18: {  	[tilespmem:s4], [sflag:$0x9] =	stream.linear.gather [hbm4b:s5+s4], $0x6400, $0x38;
	[tilespmem:$0x16400] =	vst v63  }
0x19: {  	_ =	swait.ge [sflag:s11], $0x6400  }
0x1a: {  	[sflag:s11] =	ssyncset.done $0x0  }
0x1b: {  	[sflag:s11] =	ssyncadd.s32 $0xFFFF9C00  }
0x1c: {  	[tilespmem:s13], [sflag:$0x1] =	stream.indirect.gather [hbm4b:s1+s12], $0x80, s4, s12, $0xb8;
	[tilespmem:$0x16400] =	vst v63  }
0x1d: {  	_ = 	snop  }
0x1e: {  	[tilespmem:s14], [sflag:$0x2] =	stream.indirect.gather [hbm4b:s1+s12], $0x80, s12, s12, $0xb8;
	[tilespmem:$0x16400] =	vst v63  }
0x1f: {  	_ = 	snop  }
0x20: {  	[tilespmem:s16], [sflag:$0x3] =	stream.indirect.gather [hbm4b:s1+s12], $0x80, s15, s12, $0xb8;
	[tilespmem:$0x16400] =	vst v63  }
0x21: {  	s29 =	simm.s32 $0x0  }
0x22: {  	[tilespmem:s18], [sflag:$0x4] =	stream.indirect.gather [hbm4b:s1+s12], $0x80, s17, s12, $0xb8;
	[tilespmem:$0x16400] =	vst v63  }
.LBB2_2:
0x23: {  	_ =	swait.ge [sflag:s19], $0x4000  }
0x24: {  	[sflag:s19] =	ssyncset.done $0x0  }
0x25: {  	s30 =	simm.s32 $0x0;
	[sflag:s19] =	ssyncadd.s32 $0xFFFFC000  }
0x26: {  	v0 =	vld [tilespmem:s30+$0x6400]  }
0x27: {  	v1 =	vld [tilespmem:s30+$0x6410]  }
0x28: {  	v2 =	vld [tilespmem:s30+$0x6420]  }
0x29: {  	v3 =	vld [tilespmem:s30+$0x6430]  }
0x2a: {  	v4 =	vld [tilespmem:s30+$0x6440]  }
0x2b: {  	v5 =	vld [tilespmem:s30+$0x6450];
	v0 =	vmul.f32 $1.131370830e+01, v0  }
0x2c: {  	v6 =	vld [tilespmem:s30+$0x6460];
	v1 =	vmul.f32 $1.131370830e+01, v1  }
0x2d: {  	v2 =	vmul.f32 $1.131370830e+01, v2;
	[tilespmem:s30+$0x6400] =	vst v0;
	v0 =	vld [tilespmem:s30+$0x6470]  }
0x2e: {  	v3 =	vmul.f32 $1.131370830e+01, v3;
	[tilespmem:s30+$0x6410] =	vst v1;
	v1 =	vld [tilespmem:s30+$0x6480]  }
0x2f: {  	v4 =	vmul.f32 $1.131370830e+01, v4;
	[tilespmem:s30+$0x6420] =	vst v2;
	v2 =	vld [tilespmem:s30+$0x6490]  }
0x30: {  	v5 =	vmul.f32 $1.131370830e+01, v5;
	[tilespmem:s30+$0x6430] =	vst v3;
	v3 =	vld [tilespmem:s30+$0x64A0]  }
0x31: {  	v6 =	vmul.f32 $1.131370830e+01, v6;
	[tilespmem:s30+$0x6440] =	vst v4;
	v4 =	vld [tilespmem:s30+$0x64B0]  }
0x32: {  	[tilespmem:s30+$0x6450] =	vst v5;
	v5 =	vld [tilespmem:s30+$0x64C0];
	v0 =	vmul.f32 $1.131370830e+01, v0  }
0x33: {  	[tilespmem:s30+$0x6460] =	vst v6;
	v6 =	vld [tilespmem:s30+$0x64D0];
	v1 =	vmul.f32 $1.131370830e+01, v1  }
0x34: {  	v2 =	vmul.f32 $1.131370830e+01, v2;
	[tilespmem:s30+$0x6470] =	vst v0;
	v0 =	vld [tilespmem:s30+$0x64E0]  }
0x35: {  	v3 =	vmul.f32 $1.131370830e+01, v3;
	[tilespmem:s30+$0x6480] =	vst v1;
	v1 =	vld [tilespmem:s30+$0x64F0]  }
0x36: {  	v4 =	vmul.f32 $1.131370830e+01, v4;
	[tilespmem:s30+$0x6490] =	vst v2;
	v2 =	vld [tilespmem:s30+$0x6500]  }
0x37: {  	v5 =	vmul.f32 $1.131370830e+01, v5;
	[tilespmem:s30+$0x64A0] =	vst v3;
	v3 =	vld [tilespmem:s30+$0x6510]  }
0x38: {  	v6 =	vmul.f32 $1.131370830e+01, v6;
	[tilespmem:s30+$0x64B0] =	vst v4;
	v4 =	vld [tilespmem:s30+$0x6520]  }
0x39: {  	[tilespmem:s30+$0x64C0] =	vst v5;
	v5 =	vld [tilespmem:s30+$0x6530];
	v0 =	vmul.f32 $1.131370830e+01, v0  }
0x3a: {  	[tilespmem:s30+$0x64D0] =	vst v6;
	v6 =	vld [tilespmem:s30+$0x6540]  }
0x3b: {  	v1 =	vmul.f32 $1.131370830e+01, v1;
	[tilespmem:s30+$0x64E0] =	vst v0;
	v0 =	vld [tilespmem:s30+$0x6550]  }
0x3c: {  	v2 =	vmul.f32 $1.131370830e+01, v2  }
0x3d: {  	[tilespmem:s30+$0x64F0] =	vst v1;
	v1 =	vmul.f32 $1.131370830e+01, v3;
	v3 =	vld [tilespmem:s30+$0x6570]  }
0x3e: {  	v7 =	vld [tilespmem:s30+$0x6560];
	[tilespmem:s30+$0x6500] =	vst v2;
	v2 =	vmul.f32 $1.131370830e+01, v4  }
0x3f: {  	v4 =	vld [tilespmem:s30+$0x6580];
	[tilespmem:s30+$0x6510] =	vst v1;
	v1 =	vmul.f32 $1.131370830e+01, v5  }
0x40: {  	[tilespmem:s30+$0x6520] =	vst v2;
	v5 =	vld [tilespmem:s30+$0x6590];
	v2 =	vmul.f32 $1.131370830e+01, v6;
	v6 =	vmul.f32 $1.131370830e+01, v0  }
0x41: {  	[tilespmem:s30+$0x6530] =	vst v1;
	v1 =	vld [tilespmem:s30+$0x65A0]  }
0x42: {  	v0 =	vld [tilespmem:s30+$0x65B0];
	[tilespmem:s30+$0x6550] =	vst v6;
	v6 =	vmul.f32 $1.131370830e+01, v3  }
0x43: {  	v7 =	vmul.f32 $1.131370830e+01, v7;
	[tilespmem:s30+$0x6540] =	vst v2;
	v2 =	vld [tilespmem:s30+$0x65C0]  }
0x44: {  	v3 =	vld [tilespmem:s30+$0x65D0];
	[tilespmem:s30+$0x6570] =	vst v6;
	v6 =	vmul.f32 $1.131370830e+01, v4  }
0x45: {  	s31 =	simm.s32 $0x800;
	[tilespmem:s30+$0x6560] =	vst v7;
	v5 =	vmul.f32 $1.131370830e+01, v5;
	v4 =	vld [tilespmem:s30+$0x65E0]  }
.LBB2_3:
0x46: {  	s2 =	sshra.s32 s31, $0x2;
	p0 =	sne.s32 s31, $0xF800;
	[tilespmem:s30+$0x6580] =	vst v6;
	v1 =	vmul.f32 $1.131370830e+01, v1;
	v6 =	vld [tilespmem:s30+$0x65F0]  }
0x47: {  	v7 =	vld [tilespmem:s2+$0x6400];
	[tilespmem:s30+$0x6590] =	vst v5;
	v0 =	vmul.f32 $1.131370830e+01, v0  }
0x48: {  	v5 =	vld [tilespmem:s2+$0x6410];
	[tilespmem:s30+$0x65A0] =	vst v1;
	v1 =	vmul.f32 $1.131370830e+01, v2  }
0x49: {  	v2 =	vld [tilespmem:s2+$0x6420];
	[tilespmem:s30+$0x65B0] =	vst v0;
	v0 =	vmul.f32 $1.131370830e+01, v3  }
0x4a: {  	v3 =	vld [tilespmem:s2+$0x6430];
	[tilespmem:s30+$0x65C0] =	vst v1;
	v1 =	vmul.f32 $1.131370830e+01, v4  }
0x4b: {  	v4 =	vld [tilespmem:s2+$0x6440];
	[tilespmem:s30+$0x65D0] =	vst v0;
	v0 =	vmul.f32 $1.131370830e+01, v6  }
0x4c: {  	v6 =	vmul.f32 $1.131370830e+01, v7;
	v7 =	vld [tilespmem:s2+$0x6450];
	[tilespmem:s30+$0x65E0] =	vst v1  }
0x4d: {  	v1 =	vmul.f32 $1.131370830e+01, v5;
	v5 =	vld [tilespmem:s2+$0x6460];
	[tilespmem:s30+$0x65F0] =	vst v0;
	s30 =	smov.u32 s2  }
0x4e: {  	[tilespmem:s30+$0x6400] =	vst v6;
	v0 =	vmul.f32 $1.131370830e+01, v2;
	v2 =	vld [tilespmem:s30+$0x6470]  }
0x4f: {  	[tilespmem:s30+$0x6410] =	vst v1;
	v1 =	vmul.f32 $1.131370830e+01, v3;
	v3 =	vld [tilespmem:s30+$0x6480]  }
0x50: {  	[tilespmem:s30+$0x6420] =	vst v0;
	v0 =	vmul.f32 $1.131370830e+01, v4;
	v4 =	vld [tilespmem:s30+$0x6490]  }
0x51: {  	[tilespmem:s30+$0x6430] =	vst v1;
	v1 =	vmul.f32 $1.131370830e+01, v7;
	v6 =	vld [tilespmem:s30+$0x64A0]  }
0x52: {  	[tilespmem:s30+$0x6440] =	vst v0;
	v0 =	vmul.f32 $1.131370830e+01, v5;
	v5 =	vld [tilespmem:s30+$0x64B0]  }
0x53: {  	[tilespmem:s30+$0x6450] =	vst v1;
	v1 =	vmul.f32 $1.131370830e+01, v2;
	v2 =	vld [tilespmem:s30+$0x64C0]  }
0x54: {  	[tilespmem:s30+$0x6460] =	vst v0;
	v0 =	vmul.f32 $1.131370830e+01, v3;
	v3 =	vld [tilespmem:s30+$0x64D0]  }
0x55: {  	[tilespmem:s30+$0x6470] =	vst v1;
	v1 =	vmul.f32 $1.131370830e+01, v4;
	v4 =	vld [tilespmem:s30+$0x64E0]  }
0x56: {  	[tilespmem:s30+$0x6480] =	vst v0;
	v0 =	vmul.f32 $1.131370830e+01, v6;
	v6 =	vld [tilespmem:s30+$0x64F0]  }
0x57: {  	[tilespmem:s30+$0x6490] =	vst v1;
	v1 =	vmul.f32 $1.131370830e+01, v5;
	v5 =	vld [tilespmem:s30+$0x6500]  }
0x58: {  	[tilespmem:s30+$0x64A0] =	vst v0;
	v0 =	vmul.f32 $1.131370830e+01, v2;
	v2 =	vld [tilespmem:s30+$0x6510]  }
0x59: {  	[tilespmem:s30+$0x64B0] =	vst v1;
	v1 =	vmul.f32 $1.131370830e+01, v3;
	v3 =	vld [tilespmem:s30+$0x6520]  }
0x5a: {  	[tilespmem:s30+$0x64C0] =	vst v0;
	v0 =	vmul.f32 $1.131370830e+01, v4;
	v4 =	vld [tilespmem:s30+$0x6530]  }
0x5b: {  	[tilespmem:s30+$0x64D0] =	vst v1;
	v1 =	vmul.f32 $1.131370830e+01, v6;
	v6 =	vld [tilespmem:s30+$0x6540]  }
0x5c: {  	[tilespmem:s30+$0x64E0] =	vst v0;
	v0 =	vmul.f32 $1.131370830e+01, v5;
	v5 =	vld [tilespmem:s30+$0x6550]  }
0x5d: {  	[tilespmem:s30+$0x64F0] =	vst v1;
	v1 =	vmul.f32 $1.131370830e+01, v2;
	v2 =	vld [tilespmem:s30+$0x6560]  }
0x5e: {  	[tilespmem:s30+$0x6500] =	vst v0;
	v0 =	vmul.f32 $1.131370830e+01, v3;
	v3 =	vld [tilespmem:s30+$0x6570]  }
0x5f: {  	[tilespmem:s30+$0x6510] =	vst v1;
	v1 =	vmul.f32 $1.131370830e+01, v4;
	v4 =	vld [tilespmem:s30+$0x6580]  }
0x60: {  	[tilespmem:s30+$0x6520] =	vst v0;
	v0 =	vmul.f32 $1.131370830e+01, v6;
	v7 =	vld [tilespmem:s30+$0x6590]  }
.Ltmp2:
0x61: {  	[tilespmem:s30+$0x6530] =	vst v1;
	v5 =	vmul.f32 $1.131370830e+01, v5;
	v1 =	vld [tilespmem:s30+$0x65A0];
	(pc) =	sbr.rel @p0 .LBB2_3-.Ltmp2, $4  }
0x62: {  	[tilespmem:s30+$0x6540] =	vst v0;
	v6 =	vmul.f32 $1.131370830e+01, v2;
	v0 =	vld [tilespmem:s30+$0x65B0]  }
0x63: {  	[tilespmem:s30+$0x6550] =	vst v5;
	v5 =	vmul.f32 $1.131370830e+01, v3;
	v2 =	vld [tilespmem:s30+$0x65C0]  }
0x64: {  	[tilespmem:s30+$0x6560] =	vst v6;
	v6 =	vmul.f32 $1.131370830e+01, v4;
	v3 =	vld [tilespmem:s30+$0x65D0]  }
0x65: {  	s31 =	sadd.s32 $0x800, s31;
	[tilespmem:s30+$0x6570] =	vst v5;
	v5 =	vmul.f32 $1.131370830e+01, v7;
	v4 =	vld [tilespmem:s30+$0x65E0]  }
0x66: {  	[tilespmem:s30+$0x6580] =	vst v6;
	v1 =	vmul.f32 $1.131370830e+01, v1;
	v6 =	vld [tilespmem:s30+$0x65F0]  }
0x67: {  	[tilespmem:s30+$0x6590] =	vst v5;
	v0 =	vmul.f32 $1.131370830e+01, v0  }
0x68: {  	[tilespmem:s30+$0x65A0] =	vst v1;
	v1 =	vmul.f32 $1.131370830e+01, v2  }
0x69: {  	[tilespmem:s30+$0x65B0] =	vst v0;
	v0 =	vmul.f32 $1.131370830e+01, v3  }
0x6a: {  	s2 =	sshll.u32 s29, $0x10;
	[tilespmem:s30+$0x65C0] =	vst v1;
	v1 =	vmul.f32 $1.131370830e+01, v4  }
0x6b: {  	s2 =	sadd.s32 s6, s2;
	[tilespmem:s30+$0x65D0] =	vst v0;
	v0 =	vmul.f32 $1.131370830e+01, v6  }
0x6c: {  	s2 =	sshrl.u32 s2, $0x3;
	[tilespmem:s30+$0x65E0] =	vst v1  }
0x6d: {  	s2 =	sadd.s32 s3, s2;
	[tilespmem:s30+$0x65F0] =	vst v0;
	s30 =	simm.s32 $0x0  }
0x6e: {  	[hbm4b:s2+s30] =	stream.linear.scatter [tilespmem:s13], [sflag:$0x5], $0x4000, $0x38;
	[tilespmem:$0x16400] =	vst v63  }
0x6f: {  	_ =	swait.ge [sflag:s20], $0x4000  }
0x70: {  	[sflag:s20] =	ssyncset.done $0x0  }
0x71: {  	s31 =	simm.s32 $0x0;
	[sflag:s20] =	ssyncadd.s32 $0xFFFFC000  }
0x72: {  	v0 =	vld [tilespmem:s31+$0xA400]  }
0x73: {  	v1 =	vld [tilespmem:s31+$0xA410]  }
0x74: {  	v2 =	vld [tilespmem:s31+$0xA420]  }
0x75: {  	v3 =	vld [tilespmem:s31+$0xA430]  }
0x76: {  	v4 =	vld [tilespmem:s31+$0xA440]  }
0x77: {  	v5 =	vld [tilespmem:s31+$0xA450];
	v0 =	vmul.f32 $1.131370830e+01, v0  }
0x78: {  	v6 =	vld [tilespmem:s31+$0xA460];
	v1 =	vmul.f32 $1.131370830e+01, v1  }
0x79: {  	v2 =	vmul.f32 $1.131370830e+01, v2;
	[tilespmem:s31+$0xA400] =	vst v0;
	v0 =	vld [tilespmem:s31+$0xA470]  }
0x7a: {  	v3 =	vmul.f32 $1.131370830e+01, v3;
	[tilespmem:s31+$0xA410] =	vst v1;
	v1 =	vld [tilespmem:s31+$0xA480]  }
0x7b: {  	v4 =	vmul.f32 $1.131370830e+01, v4;
	[tilespmem:s31+$0xA420] =	vst v2;
	v2 =	vld [tilespmem:s31+$0xA490]  }
0x7c: {  	v5 =	vmul.f32 $1.131370830e+01, v5;
	[tilespmem:s31+$0xA430] =	vst v3;
	v3 =	vld [tilespmem:s31+$0xA4A0]  }
0x7d: {  	v6 =	vmul.f32 $1.131370830e+01, v6;
	[tilespmem:s31+$0xA440] =	vst v4;
	v4 =	vld [tilespmem:s31+$0xA4B0]  }
0x7e: {  	[tilespmem:s31+$0xA450] =	vst v5;
	v5 =	vld [tilespmem:s31+$0xA4C0];
	v0 =	vmul.f32 $1.131370830e+01, v0  }
0x7f: {  	[tilespmem:s31+$0xA460] =	vst v6;
	v6 =	vld [tilespmem:s31+$0xA4D0];
	v1 =	vmul.f32 $1.131370830e+01, v1  }
0x80: {  	v2 =	vmul.f32 $1.131370830e+01, v2;
	[tilespmem:s31+$0xA470] =	vst v0;
	v0 =	vld [tilespmem:s31+$0xA4E0]  }
0x81: {  	v3 =	vmul.f32 $1.131370830e+01, v3;
	[tilespmem:s31+$0xA480] =	vst v1;
	v1 =	vld [tilespmem:s31+$0xA4F0]  }
0x82: {  	v4 =	vmul.f32 $1.131370830e+01, v4;
	[tilespmem:s31+$0xA490] =	vst v2;
	v2 =	vld [tilespmem:s31+$0xA500]  }
0x83: {  	v5 =	vmul.f32 $1.131370830e+01, v5;
	[tilespmem:s31+$0xA4A0] =	vst v3;
	v3 =	vld [tilespmem:s31+$0xA510]  }
0x84: {  	v6 =	vmul.f32 $1.131370830e+01, v6;
	[tilespmem:s31+$0xA4B0] =	vst v4;
	v4 =	vld [tilespmem:s31+$0xA520]  }
0x85: {  	[tilespmem:s31+$0xA4C0] =	vst v5;
	v5 =	vld [tilespmem:s31+$0xA530];
	v0 =	vmul.f32 $1.131370830e+01, v0  }
0x86: {  	[tilespmem:s31+$0xA4D0] =	vst v6;
	v6 =	vld [tilespmem:s31+$0xA540]  }
0x87: {  	v1 =	vmul.f32 $1.131370830e+01, v1;
	[tilespmem:s31+$0xA4E0] =	vst v0;
	v0 =	vld [tilespmem:s31+$0xA550]  }
0x88: {  	v2 =	vmul.f32 $1.131370830e+01, v2  }
0x89: {  	[tilespmem:s31+$0xA4F0] =	vst v1;
	v1 =	vmul.f32 $1.131370830e+01, v3;
	v3 =	vld [tilespmem:s31+$0xA570]  }
0x8a: {  	v7 =	vld [tilespmem:s31+$0xA560];
	[tilespmem:s31+$0xA500] =	vst v2;
	v2 =	vmul.f32 $1.131370830e+01, v4  }
0x8b: {  	v4 =	vld [tilespmem:s31+$0xA580];
	[tilespmem:s31+$0xA510] =	vst v1;
	v1 =	vmul.f32 $1.131370830e+01, v5  }
0x8c: {  	[tilespmem:s31+$0xA520] =	vst v2;
	v5 =	vld [tilespmem:s31+$0xA590];
	v2 =	vmul.f32 $1.131370830e+01, v6;
	v6 =	vmul.f32 $1.131370830e+01, v0  }
0x8d: {  	[tilespmem:s31+$0xA530] =	vst v1;
	v1 =	vld [tilespmem:s31+$0xA5A0]  }
0x8e: {  	v0 =	vld [tilespmem:s31+$0xA5B0];
	[tilespmem:s31+$0xA550] =	vst v6;
	v6 =	vmul.f32 $1.131370830e+01, v3  }
0x8f: {  	v7 =	vmul.f32 $1.131370830e+01, v7;
	[tilespmem:s31+$0xA540] =	vst v2;
	v2 =	vld [tilespmem:s31+$0xA5C0]  }
0x90: {  	v3 =	vld [tilespmem:s31+$0xA5D0];
	[tilespmem:s31+$0xA570] =	vst v6;
	v6 =	vmul.f32 $1.131370830e+01, v4  }
0x91: {  	s30 =	simm.s32 $0x800;
	[tilespmem:s31+$0xA560] =	vst v7;
	v5 =	vmul.f32 $1.131370830e+01, v5;
	v4 =	vld [tilespmem:s31+$0xA5E0]  }
.LBB2_5:
0x92: {  	s2 =	sshra.s32 s30, $0x2;
	p0 =	sne.s32 s30, $0xF800;
	[tilespmem:s31+$0xA580] =	vst v6;
	v1 =	vmul.f32 $1.131370830e+01, v1;
	v6 =	vld [tilespmem:s31+$0xA5F0]  }
0x93: {  	v7 =	vld [tilespmem:s2+$0xA400];
	[tilespmem:s31+$0xA590] =	vst v5;
	v0 =	vmul.f32 $1.131370830e+01, v0  }
0x94: {  	v5 =	vld [tilespmem:s2+$0xA410];
	[tilespmem:s31+$0xA5A0] =	vst v1;
	v1 =	vmul.f32 $1.131370830e+01, v2  }
0x95: {  	v2 =	vld [tilespmem:s2+$0xA420];
	[tilespmem:s31+$0xA5B0] =	vst v0;
	v0 =	vmul.f32 $1.131370830e+01, v3  }
0x96: {  	v3 =	vld [tilespmem:s2+$0xA430];
	[tilespmem:s31+$0xA5C0] =	vst v1;
	v1 =	vmul.f32 $1.131370830e+01, v4  }
0x97: {  	v4 =	vld [tilespmem:s2+$0xA440];
	[tilespmem:s31+$0xA5D0] =	vst v0;
	v0 =	vmul.f32 $1.131370830e+01, v6  }
0x98: {  	v6 =	vmul.f32 $1.131370830e+01, v7;
	v7 =	vld [tilespmem:s2+$0xA450];
	[tilespmem:s31+$0xA5E0] =	vst v1  }
0x99: {  	v1 =	vmul.f32 $1.131370830e+01, v5;
	v5 =	vld [tilespmem:s2+$0xA460];
	[tilespmem:s31+$0xA5F0] =	vst v0;
	s31 =	smov.u32 s2  }
0x9a: {  	[tilespmem:s31+$0xA400] =	vst v6;
	v0 =	vmul.f32 $1.131370830e+01, v2;
	v2 =	vld [tilespmem:s31+$0xA470]  }
0x9b: {  	[tilespmem:s31+$0xA410] =	vst v1;
	v1 =	vmul.f32 $1.131370830e+01, v3;
	v3 =	vld [tilespmem:s31+$0xA480]  }
0x9c: {  	[tilespmem:s31+$0xA420] =	vst v0;
	v0 =	vmul.f32 $1.131370830e+01, v4;
	v4 =	vld [tilespmem:s31+$0xA490]  }
0x9d: {  	[tilespmem:s31+$0xA430] =	vst v1;
	v1 =	vmul.f32 $1.131370830e+01, v7;
	v6 =	vld [tilespmem:s31+$0xA4A0]  }
0x9e: {  	[tilespmem:s31+$0xA440] =	vst v0;
	v0 =	vmul.f32 $1.131370830e+01, v5;
	v5 =	vld [tilespmem:s31+$0xA4B0]  }
0x9f: {  	[tilespmem:s31+$0xA450] =	vst v1;
	v1 =	vmul.f32 $1.131370830e+01, v2;
	v2 =	vld [tilespmem:s31+$0xA4C0]  }
0xa0: {  	[tilespmem:s31+$0xA460] =	vst v0;
	v0 =	vmul.f32 $1.131370830e+01, v3;
	v3 =	vld [tilespmem:s31+$0xA4D0]  }
0xa1: {  	[tilespmem:s31+$0xA470] =	vst v1;
	v1 =	vmul.f32 $1.131370830e+01, v4;
	v4 =	vld [tilespmem:s31+$0xA4E0]  }
0xa2: {  	[tilespmem:s31+$0xA480] =	vst v0;
	v0 =	vmul.f32 $1.131370830e+01, v6;
	v6 =	vld [tilespmem:s31+$0xA4F0]  }
0xa3: {  	[tilespmem:s31+$0xA490] =	vst v1;
	v1 =	vmul.f32 $1.131370830e+01, v5;
	v5 =	vld [tilespmem:s31+$0xA500]  }
0xa4: {  	[tilespmem:s31+$0xA4A0] =	vst v0;
	v0 =	vmul.f32 $1.131370830e+01, v2;
	v2 =	vld [tilespmem:s31+$0xA510]  }
0xa5: {  	[tilespmem:s31+$0xA4B0] =	vst v1;
	v1 =	vmul.f32 $1.131370830e+01, v3;
	v3 =	vld [tilespmem:s31+$0xA520]  }
0xa6: {  	[tilespmem:s31+$0xA4C0] =	vst v0;
	v0 =	vmul.f32 $1.131370830e+01, v4;
	v4 =	vld [tilespmem:s31+$0xA530]  }
0xa7: {  	[tilespmem:s31+$0xA4D0] =	vst v1;
	v1 =	vmul.f32 $1.131370830e+01, v6;
	v6 =	vld [tilespmem:s31+$0xA540]  }
0xa8: {  	[tilespmem:s31+$0xA4E0] =	vst v0;
	v0 =	vmul.f32 $1.131370830e+01, v5;
	v5 =	vld [tilespmem:s31+$0xA550]  }
0xa9: {  	[tilespmem:s31+$0xA4F0] =	vst v1;
	v1 =	vmul.f32 $1.131370830e+01, v2;
	v2 =	vld [tilespmem:s31+$0xA560]  }
0xaa: {  	[tilespmem:s31+$0xA500] =	vst v0;
	v0 =	vmul.f32 $1.131370830e+01, v3;
	v3 =	vld [tilespmem:s31+$0xA570]  }
0xab: {  	[tilespmem:s31+$0xA510] =	vst v1;
	v1 =	vmul.f32 $1.131370830e+01, v4;
	v4 =	vld [tilespmem:s31+$0xA580]  }
0xac: {  	[tilespmem:s31+$0xA520] =	vst v0;
	v0 =	vmul.f32 $1.131370830e+01, v6;
	v7 =	vld [tilespmem:s31+$0xA590]  }
.Ltmp3:
0xad: {  	[tilespmem:s31+$0xA530] =	vst v1;
	v5 =	vmul.f32 $1.131370830e+01, v5;
	v1 =	vld [tilespmem:s31+$0xA5A0];
	(pc) =	sbr.rel @p0 .LBB2_5-.Ltmp3, $4  }
0xae: {  	[tilespmem:s31+$0xA540] =	vst v0;
	v6 =	vmul.f32 $1.131370830e+01, v2;
	v0 =	vld [tilespmem:s31+$0xA5B0]  }
0xaf: {  	[tilespmem:s31+$0xA550] =	vst v5;
	v5 =	vmul.f32 $1.131370830e+01, v3;
	v2 =	vld [tilespmem:s31+$0xA5C0]  }
0xb0: {  	[tilespmem:s31+$0xA560] =	vst v6;
	v6 =	vmul.f32 $1.131370830e+01, v4;
	v3 =	vld [tilespmem:s31+$0xA5D0]  }
0xb1: {  	s30 =	sadd.s32 $0x800, s30;
	[tilespmem:s31+$0xA570] =	vst v5;
	v5 =	vmul.f32 $1.131370830e+01, v7;
	v4 =	vld [tilespmem:s31+$0xA5E0]  }
0xb2: {  	[tilespmem:s31+$0xA580] =	vst v6;
	v1 =	vmul.f32 $1.131370830e+01, v1;
	v6 =	vld [tilespmem:s31+$0xA5F0]  }
0xb3: {  	[tilespmem:s31+$0xA590] =	vst v5;
	v0 =	vmul.f32 $1.131370830e+01, v0  }
0xb4: {  	[tilespmem:s31+$0xA5A0] =	vst v1;
	v1 =	vmul.f32 $1.131370830e+01, v2  }
0xb5: {  	[tilespmem:s31+$0xA5B0] =	vst v0;
	v0 =	vmul.f32 $1.131370830e+01, v3  }
0xb6: {  	s30 =	sshll.u32 s29, $0x9;
	[tilespmem:s31+$0xA5C0] =	vst v1;
	v1 =	vmul.f32 $1.131370830e+01, v4  }
0xb7: {  	s2 =	sadd.s32 s30, s7;
	[tilespmem:s31+$0xA5D0] =	vst v0;
	v0 =	vmul.f32 $1.131370830e+01, v6  }
0xb8: {  	s2 =	sshll.u32 s2, $0x4;
	[tilespmem:s31+$0xA5E0] =	vst v1  }
0xb9: {  	s2 =	sadd.s32 s3, s2;
	[tilespmem:s31+$0xA5F0] =	vst v0;
	s31 =	simm.s32 $0x0  }
0xba: {  	[hbm4b:s2+s31] =	stream.linear.scatter [tilespmem:s14], [sflag:$0x6], $0x4000, $0x38;
	[tilespmem:$0x16400] =	vst v63  }
0xbb: {  	_ =	swait.ge [sflag:s21], $0x4000  }
0xbc: {  	[sflag:s21] =	ssyncset.done $0x0  }
0xbd: {  	s31 =	simm.s32 $0x0;
	[sflag:s21] =	ssyncadd.s32 $0xFFFFC000  }
0xbe: {  	v0 =	vld [tilespmem:s31+$0xE400]  }
0xbf: {  	v1 =	vld [tilespmem:s31+$0xE410]  }
0xc0: {  	v2 =	vld [tilespmem:s31+$0xE420]  }
0xc1: {  	v3 =	vld [tilespmem:s31+$0xE430]  }
0xc2: {  	v4 =	vld [tilespmem:s31+$0xE440]  }
0xc3: {  	v5 =	vld [tilespmem:s31+$0xE450];
	v0 =	vmul.f32 $1.131370830e+01, v0  }
0xc4: {  	v6 =	vld [tilespmem:s31+$0xE460];
	v1 =	vmul.f32 $1.131370830e+01, v1  }
0xc5: {  	v2 =	vmul.f32 $1.131370830e+01, v2;
	[tilespmem:s31+$0xE400] =	vst v0;
	v0 =	vld [tilespmem:s31+$0xE470]  }
0xc6: {  	v3 =	vmul.f32 $1.131370830e+01, v3;
	[tilespmem:s31+$0xE410] =	vst v1;
	v1 =	vld [tilespmem:s31+$0xE480]  }
0xc7: {  	v4 =	vmul.f32 $1.131370830e+01, v4;
	[tilespmem:s31+$0xE420] =	vst v2;
	v2 =	vld [tilespmem:s31+$0xE490]  }
0xc8: {  	v5 =	vmul.f32 $1.131370830e+01, v5;
	[tilespmem:s31+$0xE430] =	vst v3;
	v3 =	vld [tilespmem:s31+$0xE4A0]  }
0xc9: {  	v6 =	vmul.f32 $1.131370830e+01, v6;
	[tilespmem:s31+$0xE440] =	vst v4;
	v4 =	vld [tilespmem:s31+$0xE4B0]  }
0xca: {  	[tilespmem:s31+$0xE450] =	vst v5;
	v5 =	vld [tilespmem:s31+$0xE4C0];
	v0 =	vmul.f32 $1.131370830e+01, v0  }
0xcb: {  	[tilespmem:s31+$0xE460] =	vst v6;
	v6 =	vld [tilespmem:s31+$0xE4D0];
	v1 =	vmul.f32 $1.131370830e+01, v1  }
0xcc: {  	v2 =	vmul.f32 $1.131370830e+01, v2;
	[tilespmem:s31+$0xE470] =	vst v0;
	v0 =	vld [tilespmem:s31+$0xE4E0]  }
0xcd: {  	v3 =	vmul.f32 $1.131370830e+01, v3;
	[tilespmem:s31+$0xE480] =	vst v1;
	v1 =	vld [tilespmem:s31+$0xE4F0]  }
0xce: {  	v4 =	vmul.f32 $1.131370830e+01, v4;
	[tilespmem:s31+$0xE490] =	vst v2;
	v2 =	vld [tilespmem:s31+$0xE500]  }
0xcf: {  	v5 =	vmul.f32 $1.131370830e+01, v5;
	[tilespmem:s31+$0xE4A0] =	vst v3;
	v3 =	vld [tilespmem:s31+$0xE510]  }
0xd0: {  	v6 =	vmul.f32 $1.131370830e+01, v6;
	[tilespmem:s31+$0xE4B0] =	vst v4;
	v4 =	vld [tilespmem:s31+$0xE520]  }
0xd1: {  	[tilespmem:s31+$0xE4C0] =	vst v5;
	v5 =	vld [tilespmem:s31+$0xE530];
	v0 =	vmul.f32 $1.131370830e+01, v0  }
0xd2: {  	[tilespmem:s31+$0xE4D0] =	vst v6;
	v6 =	vld [tilespmem:s31+$0xE540]  }
0xd3: {  	v1 =	vmul.f32 $1.131370830e+01, v1;
	[tilespmem:s31+$0xE4E0] =	vst v0;
	v0 =	vld [tilespmem:s31+$0xE550]  }
0xd4: {  	v2 =	vmul.f32 $1.131370830e+01, v2  }
0xd5: {  	[tilespmem:s31+$0xE4F0] =	vst v1;
	v1 =	vmul.f32 $1.131370830e+01, v3;
	v3 =	vld [tilespmem:s31+$0xE570]  }
0xd6: {  	v7 =	vld [tilespmem:s31+$0xE560];
	[tilespmem:s31+$0xE500] =	vst v2;
	v2 =	vmul.f32 $1.131370830e+01, v4  }
0xd7: {  	v4 =	vld [tilespmem:s31+$0xE580];
	[tilespmem:s31+$0xE510] =	vst v1;
	v1 =	vmul.f32 $1.131370830e+01, v5  }
0xd8: {  	[tilespmem:s31+$0xE520] =	vst v2;
	v5 =	vld [tilespmem:s31+$0xE590];
	v2 =	vmul.f32 $1.131370830e+01, v6;
	v6 =	vmul.f32 $1.131370830e+01, v0  }
0xd9: {  	[tilespmem:s31+$0xE530] =	vst v1;
	v1 =	vld [tilespmem:s31+$0xE5A0]  }
0xda: {  	v0 =	vld [tilespmem:s31+$0xE5B0];
	[tilespmem:s31+$0xE550] =	vst v6;
	v6 =	vmul.f32 $1.131370830e+01, v3  }
0xdb: {  	v7 =	vmul.f32 $1.131370830e+01, v7;
	[tilespmem:s31+$0xE540] =	vst v2;
	v2 =	vld [tilespmem:s31+$0xE5C0]  }
0xdc: {  	v3 =	vld [tilespmem:s31+$0xE5D0];
	[tilespmem:s31+$0xE570] =	vst v6;
	v6 =	vmul.f32 $1.131370830e+01, v4  }
0xdd: {  	s2 =	simm.s32 $0x800;
	[tilespmem:s31+$0xE560] =	vst v7;
	v5 =	vmul.f32 $1.131370830e+01, v5;
	v4 =	vld [tilespmem:s31+$0xE5E0]  }
.LBB2_7:
0xde: {  	s0 =	sshra.s32 s2, $0x2;
	p0 =	sne.s32 s2, $0xF800;
	[tilespmem:s31+$0xE580] =	vst v6;
	v1 =	vmul.f32 $1.131370830e+01, v1;
	v6 =	vld [tilespmem:s31+$0xE5F0]  }
0xdf: {  	v7 =	vld [tilespmem:s0+$0xE400];
	[tilespmem:s31+$0xE590] =	vst v5;
	v0 =	vmul.f32 $1.131370830e+01, v0  }
0xe0: {  	v5 =	vld [tilespmem:s0+$0xE410];
	[tilespmem:s31+$0xE5A0] =	vst v1;
	v1 =	vmul.f32 $1.131370830e+01, v2  }
0xe1: {  	v2 =	vld [tilespmem:s0+$0xE420];
	[tilespmem:s31+$0xE5B0] =	vst v0;
	v0 =	vmul.f32 $1.131370830e+01, v3  }
0xe2: {  	v3 =	vld [tilespmem:s0+$0xE430];
	[tilespmem:s31+$0xE5C0] =	vst v1;
	v1 =	vmul.f32 $1.131370830e+01, v4  }
0xe3: {  	v4 =	vld [tilespmem:s0+$0xE440];
	[tilespmem:s31+$0xE5D0] =	vst v0;
	v0 =	vmul.f32 $1.131370830e+01, v6  }
0xe4: {  	v6 =	vmul.f32 $1.131370830e+01, v7;
	v7 =	vld [tilespmem:s0+$0xE450];
	[tilespmem:s31+$0xE5E0] =	vst v1  }
0xe5: {  	v1 =	vmul.f32 $1.131370830e+01, v5;
	v5 =	vld [tilespmem:s0+$0xE460];
	[tilespmem:s31+$0xE5F0] =	vst v0;
	s31 =	smov.u32 s0  }
0xe6: {  	[tilespmem:s31+$0xE400] =	vst v6;
	v0 =	vmul.f32 $1.131370830e+01, v2;
	v2 =	vld [tilespmem:s31+$0xE470]  }
0xe7: {  	[tilespmem:s31+$0xE410] =	vst v1;
	v1 =	vmul.f32 $1.131370830e+01, v3;
	v3 =	vld [tilespmem:s31+$0xE480]  }
0xe8: {  	[tilespmem:s31+$0xE420] =	vst v0;
	v0 =	vmul.f32 $1.131370830e+01, v4;
	v4 =	vld [tilespmem:s31+$0xE490]  }
0xe9: {  	[tilespmem:s31+$0xE430] =	vst v1;
	v1 =	vmul.f32 $1.131370830e+01, v7;
	v6 =	vld [tilespmem:s31+$0xE4A0]  }
0xea: {  	[tilespmem:s31+$0xE440] =	vst v0;
	v0 =	vmul.f32 $1.131370830e+01, v5;
	v5 =	vld [tilespmem:s31+$0xE4B0]  }
0xeb: {  	[tilespmem:s31+$0xE450] =	vst v1;
	v1 =	vmul.f32 $1.131370830e+01, v2;
	v2 =	vld [tilespmem:s31+$0xE4C0]  }
0xec: {  	[tilespmem:s31+$0xE460] =	vst v0;
	v0 =	vmul.f32 $1.131370830e+01, v3;
	v3 =	vld [tilespmem:s31+$0xE4D0]  }
0xed: {  	[tilespmem:s31+$0xE470] =	vst v1;
	v1 =	vmul.f32 $1.131370830e+01, v4;
	v4 =	vld [tilespmem:s31+$0xE4E0]  }
0xee: {  	[tilespmem:s31+$0xE480] =	vst v0;
	v0 =	vmul.f32 $1.131370830e+01, v6;
	v6 =	vld [tilespmem:s31+$0xE4F0]  }
0xef: {  	[tilespmem:s31+$0xE490] =	vst v1;
	v1 =	vmul.f32 $1.131370830e+01, v5;
	v5 =	vld [tilespmem:s31+$0xE500]  }
0xf0: {  	[tilespmem:s31+$0xE4A0] =	vst v0;
	v0 =	vmul.f32 $1.131370830e+01, v2;
	v2 =	vld [tilespmem:s31+$0xE510]  }
0xf1: {  	[tilespmem:s31+$0xE4B0] =	vst v1;
	v1 =	vmul.f32 $1.131370830e+01, v3;
	v3 =	vld [tilespmem:s31+$0xE520]  }
0xf2: {  	[tilespmem:s31+$0xE4C0] =	vst v0;
	v0 =	vmul.f32 $1.131370830e+01, v4;
	v4 =	vld [tilespmem:s31+$0xE530]  }
0xf3: {  	[tilespmem:s31+$0xE4D0] =	vst v1;
	v1 =	vmul.f32 $1.131370830e+01, v6;
	v6 =	vld [tilespmem:s31+$0xE540]  }
0xf4: {  	[tilespmem:s31+$0xE4E0] =	vst v0;
	v0 =	vmul.f32 $1.131370830e+01, v5;
	v5 =	vld [tilespmem:s31+$0xE550]  }
0xf5: {  	[tilespmem:s31+$0xE4F0] =	vst v1;
	v1 =	vmul.f32 $1.131370830e+01, v2;
	v2 =	vld [tilespmem:s31+$0xE560]  }
0xf6: {  	[tilespmem:s31+$0xE500] =	vst v0;
	v0 =	vmul.f32 $1.131370830e+01, v3;
	v3 =	vld [tilespmem:s31+$0xE570]  }
0xf7: {  	[tilespmem:s31+$0xE510] =	vst v1;
	v1 =	vmul.f32 $1.131370830e+01, v4;
	v4 =	vld [tilespmem:s31+$0xE580]  }
0xf8: {  	[tilespmem:s31+$0xE520] =	vst v0;
	v0 =	vmul.f32 $1.131370830e+01, v6;
	v7 =	vld [tilespmem:s31+$0xE590]  }
.Ltmp4:
0xf9: {  	[tilespmem:s31+$0xE530] =	vst v1;
	v5 =	vmul.f32 $1.131370830e+01, v5;
	v1 =	vld [tilespmem:s31+$0xE5A0];
	(pc) =	sbr.rel @p0 .LBB2_7-.Ltmp4, $4  }
0xfa: {  	[tilespmem:s31+$0xE540] =	vst v0;
	v6 =	vmul.f32 $1.131370830e+01, v2;
	v0 =	vld [tilespmem:s31+$0xE5B0]  }
0xfb: {  	[tilespmem:s31+$0xE550] =	vst v5;
	v5 =	vmul.f32 $1.131370830e+01, v3;
	v2 =	vld [tilespmem:s31+$0xE5C0]  }
0xfc: {  	[tilespmem:s31+$0xE560] =	vst v6;
	v6 =	vmul.f32 $1.131370830e+01, v4;
	v3 =	vld [tilespmem:s31+$0xE5D0]  }
0xfd: {  	s2 =	sadd.s32 $0x800, s2;
	[tilespmem:s31+$0xE570] =	vst v5;
	v5 =	vmul.f32 $1.131370830e+01, v7;
	v4 =	vld [tilespmem:s31+$0xE5E0]  }
0xfe: {  	[tilespmem:s31+$0xE580] =	vst v6;
	v1 =	vmul.f32 $1.131370830e+01, v1;
	v6 =	vld [tilespmem:s31+$0xE5F0]  }
0xff: {  	[tilespmem:s31+$0xE590] =	vst v5;
	v0 =	vmul.f32 $1.131370830e+01, v0  }
0x100: {  	[tilespmem:s31+$0xE5A0] =	vst v1;
	v1 =	vmul.f32 $1.131370830e+01, v2  }
0x101: {  	[tilespmem:s31+$0xE5B0] =	vst v0;
	v0 =	vmul.f32 $1.131370830e+01, v3  }
0x102: {  	[tilespmem:s31+$0xE5C0] =	vst v1;
	v1 =	vmul.f32 $1.131370830e+01, v4  }
0x103: {  	s0 =	sadd.s32 s30, s8;
	[tilespmem:s31+$0xE5D0] =	vst v0;
	v0 =	vmul.f32 $1.131370830e+01, v6  }
0x104: {  	s0 =	sshll.u32 s0, $0x4;
	[tilespmem:s31+$0xE5E0] =	vst v1  }
0x105: {  	s2 =	simm.s32 $0x0;
	s0 =	sadd.s32 s3, s0;
	[tilespmem:s31+$0xE5F0] =	vst v0  }
0x106: {  	[hbm4b:s0+s2] =	stream.linear.scatter [tilespmem:s16], [sflag:$0x7], $0x4000, $0x38;
	[tilespmem:$0x16400] =	vst v63  }
0x107: {  	_ =	swait.ge [sflag:s22], $0x4000  }
0x108: {  	[sflag:s22] =	ssyncset.done $0x0  }
0x109: {  	s31 =	simm.s32 $0x0;
	[sflag:s22] =	ssyncadd.s32 $0xFFFFC000  }
0x10a: {  	v0 =	vld [tilespmem:s31+$0x12400]  }
0x10b: {  	v1 =	vld [tilespmem:s31+$0x12410]  }
0x10c: {  	v2 =	vld [tilespmem:s31+$0x12420]  }
0x10d: {  	v3 =	vld [tilespmem:s31+$0x12430]  }
0x10e: {  	v4 =	vld [tilespmem:s31+$0x12440]  }
0x10f: {  	v5 =	vld [tilespmem:s31+$0x12450];
	v0 =	vmul.f32 $1.131370830e+01, v0  }
0x110: {  	v6 =	vld [tilespmem:s31+$0x12460];
	v1 =	vmul.f32 $1.131370830e+01, v1  }
0x111: {  	v2 =	vmul.f32 $1.131370830e+01, v2;
	[tilespmem:s31+$0x12400] =	vst v0;
	v0 =	vld [tilespmem:s31+$0x12470]  }
0x112: {  	v3 =	vmul.f32 $1.131370830e+01, v3;
	[tilespmem:s31+$0x12410] =	vst v1;
	v1 =	vld [tilespmem:s31+$0x12480]  }
0x113: {  	v4 =	vmul.f32 $1.131370830e+01, v4;
	[tilespmem:s31+$0x12420] =	vst v2;
	v2 =	vld [tilespmem:s31+$0x12490]  }
0x114: {  	v5 =	vmul.f32 $1.131370830e+01, v5;
	[tilespmem:s31+$0x12430] =	vst v3;
	v3 =	vld [tilespmem:s31+$0x124A0]  }
0x115: {  	v6 =	vmul.f32 $1.131370830e+01, v6;
	[tilespmem:s31+$0x12440] =	vst v4;
	v4 =	vld [tilespmem:s31+$0x124B0]  }
0x116: {  	[tilespmem:s31+$0x12450] =	vst v5;
	v5 =	vld [tilespmem:s31+$0x124C0];
	v0 =	vmul.f32 $1.131370830e+01, v0  }
0x117: {  	[tilespmem:s31+$0x12460] =	vst v6;
	v6 =	vld [tilespmem:s31+$0x124D0];
	v1 =	vmul.f32 $1.131370830e+01, v1  }
0x118: {  	v2 =	vmul.f32 $1.131370830e+01, v2;
	[tilespmem:s31+$0x12470] =	vst v0;
	v0 =	vld [tilespmem:s31+$0x124E0]  }
0x119: {  	v3 =	vmul.f32 $1.131370830e+01, v3;
	[tilespmem:s31+$0x12480] =	vst v1;
	v1 =	vld [tilespmem:s31+$0x124F0]  }
0x11a: {  	v4 =	vmul.f32 $1.131370830e+01, v4;
	[tilespmem:s31+$0x12490] =	vst v2;
	v2 =	vld [tilespmem:s31+$0x12500]  }
0x11b: {  	v5 =	vmul.f32 $1.131370830e+01, v5;
	[tilespmem:s31+$0x124A0] =	vst v3;
	v3 =	vld [tilespmem:s31+$0x12510]  }
0x11c: {  	v6 =	vmul.f32 $1.131370830e+01, v6;
	[tilespmem:s31+$0x124B0] =	vst v4;
	v4 =	vld [tilespmem:s31+$0x12520]  }
0x11d: {  	[tilespmem:s31+$0x124C0] =	vst v5;
	v5 =	vld [tilespmem:s31+$0x12530];
	v0 =	vmul.f32 $1.131370830e+01, v0  }
0x11e: {  	[tilespmem:s31+$0x124D0] =	vst v6;
	v6 =	vld [tilespmem:s31+$0x12540]  }
0x11f: {  	v1 =	vmul.f32 $1.131370830e+01, v1;
	[tilespmem:s31+$0x124E0] =	vst v0;
	v0 =	vld [tilespmem:s31+$0x12550]  }
0x120: {  	v2 =	vmul.f32 $1.131370830e+01, v2  }
0x121: {  	[tilespmem:s31+$0x124F0] =	vst v1;
	v1 =	vmul.f32 $1.131370830e+01, v3;
	v3 =	vld [tilespmem:s31+$0x12570]  }
0x122: {  	v7 =	vld [tilespmem:s31+$0x12560];
	[tilespmem:s31+$0x12500] =	vst v2;
	v2 =	vmul.f32 $1.131370830e+01, v4  }
0x123: {  	v4 =	vld [tilespmem:s31+$0x12580];
	[tilespmem:s31+$0x12510] =	vst v1;
	v1 =	vmul.f32 $1.131370830e+01, v5  }
0x124: {  	[tilespmem:s31+$0x12520] =	vst v2;
	v5 =	vld [tilespmem:s31+$0x12590];
	v2 =	vmul.f32 $1.131370830e+01, v6;
	v6 =	vmul.f32 $1.131370830e+01, v0  }
0x125: {  	[tilespmem:s31+$0x12530] =	vst v1;
	v1 =	vld [tilespmem:s31+$0x125A0]  }
0x126: {  	v0 =	vld [tilespmem:s31+$0x125B0];
	[tilespmem:s31+$0x12550] =	vst v6;
	v6 =	vmul.f32 $1.131370830e+01, v3  }
0x127: {  	v7 =	vmul.f32 $1.131370830e+01, v7;
	[tilespmem:s31+$0x12540] =	vst v2;
	v2 =	vld [tilespmem:s31+$0x125C0]  }
0x128: {  	v3 =	vld [tilespmem:s31+$0x125D0];
	[tilespmem:s31+$0x12570] =	vst v6;
	v6 =	vmul.f32 $1.131370830e+01, v4  }
0x129: {  	s2 =	simm.s32 $0x800;
	[tilespmem:s31+$0x12560] =	vst v7;
	v5 =	vmul.f32 $1.131370830e+01, v5;
	v4 =	vld [tilespmem:s31+$0x125E0]  }
.LBB2_9:
0x12a: {  	s0 =	sshra.s32 s2, $0x2;
	p0 =	sne.s32 s2, $0xF800;
	[tilespmem:s31+$0x12580] =	vst v6;
	v1 =	vmul.f32 $1.131370830e+01, v1;
	v6 =	vld [tilespmem:s31+$0x125F0]  }
0x12b: {  	v7 =	vld [tilespmem:s0+$0x12400];
	[tilespmem:s31+$0x12590] =	vst v5;
	v0 =	vmul.f32 $1.131370830e+01, v0  }
0x12c: {  	v5 =	vld [tilespmem:s0+$0x12410];
	[tilespmem:s31+$0x125A0] =	vst v1;
	v1 =	vmul.f32 $1.131370830e+01, v2  }
0x12d: {  	v2 =	vld [tilespmem:s0+$0x12420];
	[tilespmem:s31+$0x125B0] =	vst v0;
	v0 =	vmul.f32 $1.131370830e+01, v3  }
0x12e: {  	v3 =	vld [tilespmem:s0+$0x12430];
	[tilespmem:s31+$0x125C0] =	vst v1;
	v1 =	vmul.f32 $1.131370830e+01, v4  }
0x12f: {  	v4 =	vld [tilespmem:s0+$0x12440];
	[tilespmem:s31+$0x125D0] =	vst v0;
	v0 =	vmul.f32 $1.131370830e+01, v6  }
0x130: {  	v6 =	vmul.f32 $1.131370830e+01, v7;
	v7 =	vld [tilespmem:s0+$0x12450];
	[tilespmem:s31+$0x125E0] =	vst v1  }
0x131: {  	v1 =	vmul.f32 $1.131370830e+01, v5;
	v5 =	vld [tilespmem:s0+$0x12460];
	[tilespmem:s31+$0x125F0] =	vst v0;
	s31 =	smov.u32 s0  }
0x132: {  	[tilespmem:s31+$0x12400] =	vst v6;
	v0 =	vmul.f32 $1.131370830e+01, v2;
	v2 =	vld [tilespmem:s31+$0x12470]  }
0x133: {  	[tilespmem:s31+$0x12410] =	vst v1;
	v1 =	vmul.f32 $1.131370830e+01, v3;
	v3 =	vld [tilespmem:s31+$0x12480]  }
0x134: {  	[tilespmem:s31+$0x12420] =	vst v0;
	v0 =	vmul.f32 $1.131370830e+01, v4;
	v4 =	vld [tilespmem:s31+$0x12490]  }
0x135: {  	[tilespmem:s31+$0x12430] =	vst v1;
	v1 =	vmul.f32 $1.131370830e+01, v7;
	v6 =	vld [tilespmem:s31+$0x124A0]  }
0x136: {  	[tilespmem:s31+$0x12440] =	vst v0;
	v0 =	vmul.f32 $1.131370830e+01, v5;
	v5 =	vld [tilespmem:s31+$0x124B0]  }
0x137: {  	[tilespmem:s31+$0x12450] =	vst v1;
	v1 =	vmul.f32 $1.131370830e+01, v2;
	v2 =	vld [tilespmem:s31+$0x124C0]  }
0x138: {  	[tilespmem:s31+$0x12460] =	vst v0;
	v0 =	vmul.f32 $1.131370830e+01, v3;
	v3 =	vld [tilespmem:s31+$0x124D0]  }
0x139: {  	[tilespmem:s31+$0x12470] =	vst v1;
	v1 =	vmul.f32 $1.131370830e+01, v4;
	v4 =	vld [tilespmem:s31+$0x124E0]  }
0x13a: {  	[tilespmem:s31+$0x12480] =	vst v0;
	v0 =	vmul.f32 $1.131370830e+01, v6;
	v6 =	vld [tilespmem:s31+$0x124F0]  }
0x13b: {  	[tilespmem:s31+$0x12490] =	vst v1;
	v1 =	vmul.f32 $1.131370830e+01, v5;
	v5 =	vld [tilespmem:s31+$0x12500]  }
0x13c: {  	[tilespmem:s31+$0x124A0] =	vst v0;
	v0 =	vmul.f32 $1.131370830e+01, v2;
	v2 =	vld [tilespmem:s31+$0x12510]  }
0x13d: {  	[tilespmem:s31+$0x124B0] =	vst v1;
	v1 =	vmul.f32 $1.131370830e+01, v3;
	v3 =	vld [tilespmem:s31+$0x12520]  }
0x13e: {  	[tilespmem:s31+$0x124C0] =	vst v0;
	v0 =	vmul.f32 $1.131370830e+01, v4;
	v4 =	vld [tilespmem:s31+$0x12530]  }
0x13f: {  	[tilespmem:s31+$0x124D0] =	vst v1;
	v1 =	vmul.f32 $1.131370830e+01, v6;
	v6 =	vld [tilespmem:s31+$0x12540]  }
0x140: {  	[tilespmem:s31+$0x124E0] =	vst v0;
	v0 =	vmul.f32 $1.131370830e+01, v5;
	v5 =	vld [tilespmem:s31+$0x12550]  }
0x141: {  	[tilespmem:s31+$0x124F0] =	vst v1;
	v1 =	vmul.f32 $1.131370830e+01, v2;
	v2 =	vld [tilespmem:s31+$0x12560]  }
0x142: {  	[tilespmem:s31+$0x12500] =	vst v0;
	v0 =	vmul.f32 $1.131370830e+01, v3;
	v3 =	vld [tilespmem:s31+$0x12570]  }
0x143: {  	[tilespmem:s31+$0x12510] =	vst v1;
	v1 =	vmul.f32 $1.131370830e+01, v4;
	v4 =	vld [tilespmem:s31+$0x12580]  }
0x144: {  	[tilespmem:s31+$0x12520] =	vst v0;
	v0 =	vmul.f32 $1.131370830e+01, v6;
	v7 =	vld [tilespmem:s31+$0x12590]  }
.Ltmp5:
0x145: {  	[tilespmem:s31+$0x12530] =	vst v1;
	v5 =	vmul.f32 $1.131370830e+01, v5;
	v1 =	vld [tilespmem:s31+$0x125A0];
	(pc) =	sbr.rel @p0 .LBB2_9-.Ltmp5, $4  }
0x146: {  	[tilespmem:s31+$0x12540] =	vst v0;
	v6 =	vmul.f32 $1.131370830e+01, v2;
	v0 =	vld [tilespmem:s31+$0x125B0]  }
0x147: {  	[tilespmem:s31+$0x12550] =	vst v5;
	v5 =	vmul.f32 $1.131370830e+01, v3;
	v2 =	vld [tilespmem:s31+$0x125C0]  }
0x148: {  	[tilespmem:s31+$0x12560] =	vst v6;
	v6 =	vmul.f32 $1.131370830e+01, v4;
	v3 =	vld [tilespmem:s31+$0x125D0]  }
0x149: {  	s2 =	sadd.s32 $0x800, s2;
	[tilespmem:s31+$0x12570] =	vst v5;
	v5 =	vmul.f32 $1.131370830e+01, v7;
	v4 =	vld [tilespmem:s31+$0x125E0]  }
0x14a: {  	[tilespmem:s31+$0x12580] =	vst v6;
	v1 =	vmul.f32 $1.131370830e+01, v1;
	v59 =	vld [tilespmem:s31+$0x125F0]  }
0x14b: {  	[tilespmem:s31+$0x12590] =	vst v5;
	v0 =	vmul.f32 $1.131370830e+01, v0  }
0x14c: {  	[tilespmem:s31+$0x125A0] =	vst v1;
	v60 =	vmul.f32 $1.131370830e+01, v2  }
0x14d: {  	[tilespmem:s31+$0x125B0] =	vst v0;
	v61 =	vmul.f32 $1.131370830e+01, v3  }
0x14e: {  	[tilespmem:s31+$0x125C0] =	vst v60;
	v62 =	vmul.f32 $1.131370830e+01, v4  }
0x14f: {  	s0 =	sadd.s32 s30, s9;
	[tilespmem:s31+$0x125D0] =	vst v61;
	v63 =	vmul.f32 $1.131370830e+01, v59  }
0x150: {  	p0 =	seq.s32 s29, $0x31;
	s0 =	sshll.u32 s0, $0x4;
	[tilespmem:s31+$0x125E0] =	vst v62  }
.Ltmp6:
0x151: {  	s0 =	sadd.s32 s3, s0;
	[tilespmem:s31+$0x125F0] =	vst v63;
	(pc) =	sbr.rel @p0 .LBB2_12-.Ltmp6, $4  }
0x152: {  	[hbm4b:s0+s4] =	stream.linear.scatter [tilespmem:s18], [sflag:$0x8], $0x4000, $0x38;
	[tilespmem:$0x16400] =	vst v63  }
0x153: {  	_ =	swait.ge [sflag:s23], $0x4000  }
0x154: {  	[sflag:s23] =	ssyncset.done $0x0  }
0x155: {  	[sflag:s23] =	ssyncadd.s32 $0xFFFFC000  }
0x156: {  	s0 =	sand.u32 $0x3FFFFE00, s30  }
0x157: {  	s2 =	sadd.s32 $0x200, s0  }
0x158: {  	[tilespmem:s13], [sflag:$0x1] =	stream.indirect.gather [hbm4b:s1+s12], $0x80, s2, s12, $0xb8;
	[tilespmem:$0x16400] =	vst v63  }
0x159: {  	_ =	swait.ge [sflag:s24], $0x4000  }
0x15a: {  	[sflag:s24] =	ssyncset.done $0x0  }
0x15b: {  	s30 =	sadd.s32 $0x280, s0;
	[sflag:s24] =	ssyncadd.s32 $0xFFFFC000  }
0x15c: {  	[tilespmem:s14], [sflag:$0x2] =	stream.indirect.gather [hbm4b:s1+s12], $0x80, s30, s12, $0xb8;
	[tilespmem:$0x16400] =	vst v63  }
0x15d: {  	_ =	swait.ge [sflag:s25], $0x4000  }
0x15e: {  	[sflag:s25] =	ssyncset.done $0x0  }
0x15f: {  	s31 =	sadd.s32 $0x300, s0;
	[sflag:s25] =	ssyncadd.s32 $0xFFFFC000  }
0x160: {  	[tilespmem:s16], [sflag:$0x3] =	stream.indirect.gather [hbm4b:s1+s12], $0x80, s31, s12, $0xb8;
	[tilespmem:$0x16400] =	vst v63  }
.Ltmp7:
0x161: {  	_ = 	snop;
	(pc) =	sbr.rel .LBB2_2-.Ltmp7, $4  }
0x162: {  	_ =	swait.ge [sflag:s26], $0x4000  }
0x163: {  	[sflag:s26] =	ssyncset.done $0x0  }
0x164: {  	s29 =	sadd.s32 $0x1, s29;
	s0 =	sadd.s32 $0x380, s0;
	[sflag:s26] =	ssyncadd.s32 $0xFFFFC000  }
0x165: {  	[tilespmem:s18], [sflag:$0x4] =	stream.indirect.gather [hbm4b:s1+s12], $0x80, s0, s12, $0xb8;
	[tilespmem:$0x16400] =	vst v63  }
.LBB2_13:
0x166: {  	_ =	sfence.sel $0x180000  }
0x167: {  	[bflag:$0x0] =	sbarrier.arrive $0xFFFF  }
0x168: {  	_ =	strace $0x90000047  }
0x169: {  	s0 =	stileid.u32;
	[bflag:$0x2] =	sbarrier.arrive $0xFFFF  }
0x16a: {  	p0 =	sne.s32 s0, $0x0;
	s0 =	rddreg [dreg:$0x3]  }
0x16b: {  	s0 =	sadd.s32 @!p0 $0x100000, s0  }
0x16c: {  	[sflag:s0] =	ssyncadd.tile.s32 @!p0 $0x1;
	_ =	shalt  }
.Lfunc_end2:
_tile_overlayer_lowered:
.L_overlay_start_2:
0x16d: {  	(tag) =	ssettag $0x2  }
0x16e: {  	s0 =	rddreg [dreg:$0x0];
	s2 =	stileid.u32  }
0x16f: {  	s1 =	rddreg [dreg:$0x1];
	p0 =	sne.s32 s2, $0x0  }
0x170: {  	s3 =	rddreg [dreg:$0x2];
	[bflag:$0x3] =	sbarrier.arrive $0xFFFF;
	s2 =	simm.s32 @!p0 $0x1C09  }
0x171: {  	[timem:s3], [sflag:s2] =	dma.local @!p0 [hbm:s0], s1  }
0x172: {  	s0 =	simm.s32 @!p0 $0x9  }
0x173: {  	_ =	swait.ge @!p0 [sflag:s0], s1  }
0x174: {  	s1 =	ssub.s32 @!p0 $0x0, s1;
	[sflag:s0] =	ssyncset.done @!p0 $0x0  }
0x175: {  	[sflag:s0] =	ssyncadd.s32 @!p0 s1  }
0x176: {  	[bflag:$0x3] =	sbarrier.arrive $0xFFFF  }
0x177: {  	_ =	shalt  }

</sc_bundles>
